<compile_context>
chip_gen: v7x
topology: tpu7x:2x2x1
jax: 0.10.2.dev20260603
libtpu: 0.0.44.dev20260713+nightly
codegen_flags: <defaults>
</compile_context>

<pallas_src>
import functools

import jax
import jax.numpy as jnp
from jax import lax
from jax.experimental import pallas as pl
from jax.experimental.pallas import tpu as pltpu
from jax.experimental.pallas import tpu_sc as plsc

N_ATOMS = 10000
N_EDGES = 320000
KMAX = 32
EMB_ATOM = 128
EMB_IN = 16
EMB_OUT = 32
EMB_RBF = 16

NSLOTS = N_ATOMS * KMAX

NW = 32
SPW = NSLOTS // NW

SENT_ROWS = 1024
XB_ROWS = 11264

EDGE_WIN = 16000
SLOT_WIN = 2000
PART_SLOTS = 40000


def _silu(x):
    return x / (1.0 + jnp.exp(-x))




def _tc1_body(h_ref, wd_ref, dst_ref, tni_ref, wu_ref, wb_ref,
              xb_ref, slot_ref, wc_ref):
    i = pl.program_id(0)
    xb_ref[...] = _silu(
        lax.dot_general(h_ref[...], wd_ref[...], (((1,), (1,)), ((), ())),
                        preferred_element_type=jnp.float32))

    @pl.when(i == 0)
    def _():
        slot_ref[...] = dst_ref[...] * KMAX + tni_ref[...]
        wc_ref[...] = lax.dot_general(
            wu_ref[...], wb_ref[...], (((1,), (0,)), ((), ())),
            preferred_element_type=jnp.float32)


def _tc1(h_pad, w_down, dst2d, tni2d, w_up, w_bil):
    return pl.pallas_call(
        _tc1_body,
        grid=(XB_ROWS // 1024,),
        in_specs=[
            pl.BlockSpec((1024, EMB_ATOM), lambda i: (i, 0)),
            pl.BlockSpec((EMB_IN, EMB_ATOM), lambda i: (0, 0)),
            pl.BlockSpec((N_EDGES // 128, 128), lambda i: (0, 0)),
            pl.BlockSpec((N_EDGES // 128, 128), lambda i: (0, 0)),
            pl.BlockSpec((EMB_ATOM, EMB_OUT), lambda i: (0, 0)),
            pl.BlockSpec((EMB_OUT, EMB_RBF * EMB_IN), lambda i: (0, 0)),
        ],
        out_specs=[
            pl.BlockSpec((1024, EMB_IN), lambda i: (i, 0)),
            pl.BlockSpec((N_EDGES // 128, 128), lambda i: (0, 0)),
            pl.BlockSpec((EMB_ATOM, EMB_RBF * EMB_IN), lambda i: (0, 0)),
        ],
        out_shape=[
            jax.ShapeDtypeStruct((XB_ROWS, EMB_IN), jnp.float32),
            jax.ShapeDtypeStruct((N_EDGES // 128, 128), jnp.int32),
            jax.ShapeDtypeStruct((EMB_ATOM, EMB_RBF * EMB_IN), jnp.float32),
        ],
    )(h_pad, w_down, dst2d, tni2d, w_up, w_bil)




def _sc_body(slot_hbm, src_hbm, xb_hbm, x2_hbm, part_hbm,
             win_v, part_v, pw0_v, pw1_v, sbuf0_v, sbuf1_v,
             widx0_v, widx1_v, rowidx0_v, rowidx1_v, rows_v,
             semb0, semb1, semg0, semg1, semr0, semo0):
    sid = lax.axis_index("s")
    cid = lax.axis_index("c")
    wid = sid * 2 + cid
    base_slot = wid * SPW
    lane = lax.iota(jnp.int32, 16)

    rng = sid // 2
    chunk = sid % 2
    base_part = rng * PART_SLOTS

    @plsc.parallel_loop(0, PART_SLOTS // 16, unroll=8)
    def _init(i):
        part_v[pl.ds(i * 16, 16)] = jnp.full((16,), -1, jnp.int32)

    def scan_pass(base_e, sbuf, check):
        @plsc.parallel_loop(0, EDGE_WIN // 16, unroll=8)
        def _pass(i):
            s = sbuf[pl.ds(i * 16, 16)]
            e = (base_e + i * 16) + lane
            lm = s - base_part
            m = (lm >= 0) & (lm < PART_SLOTS)
            if check:
                chk = plsc.load_gather(part_v, [lm], mask=m)
                m = m & (chk < e)
            plsc.store_scatter(part_v, [lm], e, mask=m)

    half = N_EDGES // 2
    nwin = half // EDGE_WIN
    ebase = chunk * half
    pltpu.async_copy(slot_hbm.at[pl.ds(ebase, EDGE_WIN)], sbuf0_v, semb0)

    def pair_body(t, _):
        e0 = ebase + 2 * t * EDGE_WIN
        pltpu.async_copy(slot_hbm.at[pl.ds(e0 + EDGE_WIN, EDGE_WIN)],
                         sbuf1_v, semb1)
        pltpu.make_async_copy(slot_hbm.at[pl.ds(e0, EDGE_WIN)],
                              sbuf0_v, semb0).wait()
        scan_pass(e0, sbuf0_v, False)
        scan_pass(e0, sbuf0_v, True)

        @pl.when(t < nwin // 2 - 1)
        def _():
            pltpu.async_copy(slot_hbm.at[pl.ds(e0 + 2 * EDGE_WIN, EDGE_WIN)],
                             sbuf0_v, semb0)

        pltpu.make_async_copy(slot_hbm.at[pl.ds(e0 + EDGE_WIN, EDGE_WIN)],
                              sbuf1_v, semb1).wait()
        scan_pass(e0 + EDGE_WIN, sbuf1_v, False)
        scan_pass(e0 + EDGE_WIN, sbuf1_v, True)
        return _

    lax.fori_loop(0, nwin // 2, pair_body, None)

    dump_base = cid * (16 * PART_SLOTS) + sid * PART_SLOTS
    pltpu.sync_copy(part_v, part_hbm.at[pl.ds(dump_base, PART_SLOTS)])
    plsc.subcore_barrier()

    rng2 = wid // 4
    off = (wid % 4) * SPW
    p0 = cid * (16 * PART_SLOTS) + (2 * rng2) * PART_SLOTS + off
    p1 = cid * (16 * PART_SLOTS) + (2 * rng2 + 1) * PART_SLOTS + off
    for mc in range(SPW // 2000):
        pltpu.sync_copy(part_hbm.at[pl.ds(p0 + mc * 2000, 2000)], pw0_v)
        pltpu.sync_copy(part_hbm.at[pl.ds(p1 + mc * 2000, 2000)], pw1_v)

        @plsc.parallel_loop(0, 125, unroll=4)
        def _m(i):
            win_v[pl.ds(mc * 2000 + i * 16, 16)] = jnp.maximum(
                pw0_v[pl.ds(i * 16, 16)], pw1_v[pl.ds(i * 16, 16)])

    widxs = [widx0_v, widx1_v]
    rowidxs = [rowidx0_v, rowidx1_v]
    semgs = [semg0, semg1]
    ncw = SPW // SLOT_WIN

    def build_widx(cw, b):
        base_l = cw * SLOT_WIN

        @plsc.parallel_loop(0, SLOT_WIN // 16, unroll=4)
        def _b1(i):
            wv = win_v[pl.ds(base_l + i * 16, 16)]
            gslot = (base_slot + base_l + i * 16) + lane
            widxs[b][pl.ds(i * 16, 16)] = jnp.where(wv < 0, gslot, wv)

    def fix_rows(cw, b):
        base_l = cw * SLOT_WIN

        @plsc.parallel_loop(0, SLOT_WIN // 16, unroll=4)
        def _b2(i):
            wv = win_v[pl.ds(base_l + i * 16, 16)]
            sv = rowidxs[b][pl.ds(i * 16, 16)]
            lslot = (base_l + i * 16) + lane
            sent = N_ATOMS + (lslot & (SENT_ROWS - 1))
            rowidxs[b][pl.ds(i * 16, 16)] = jnp.where(wv < 0, sent, sv)

    cpg = [None, None]
    cpo = None
    build_widx(0, 0)
    cpg[0] = pltpu.async_copy(src_hbm.at[widxs[0]], rowidxs[0], semgs[0])
    for cw in range(ncw):
        b = cw % 2
        nb = (cw + 1) % 2
        cpg[b].wait()
        fix_rows(cw, b)
        if cpo is not None:
            cpo.wait()
        cpr = pltpu.async_copy(xb_hbm.at[rowidxs[b]], rows_v, semr0)
        if cw + 1 < ncw:
            build_widx(cw + 1, nb)
            cpg[nb] = pltpu.async_copy(src_hbm.at[widxs[nb]],
                                       rowidxs[nb], semgs[nb])
        cpr.wait()
        cpo = pltpu.async_copy(
            rows_v, x2_hbm.at[pl.ds(base_slot + cw * SLOT_WIN, SLOT_WIN)],
            semo0)
    cpo.wait()


def _sc_gather(slot, src, xb):
    mesh = plsc.VectorSubcoreMesh(core_axis_name="c", subcore_axis_name="s")
    kfn = functools.partial(
        pl.kernel,
        mesh=mesh,
        compiler_params=pltpu.CompilerParams(
            needs_layout_passes=False, use_tc_tiling_on_sc=False),
        out_type=[
            jax.ShapeDtypeStruct((NSLOTS, EMB_IN), jnp.float32),
            jax.ShapeDtypeStruct((2 * 16 * PART_SLOTS,), jnp.int32),
        ],
        scratch_types=[
            pltpu.VMEM((SPW,), jnp.int32),
            pltpu.VMEM((PART_SLOTS,), jnp.int32),
            pltpu.VMEM((2000,), jnp.int32),
            pltpu.VMEM((2000,), jnp.int32),
            pltpu.VMEM((EDGE_WIN,), jnp.int32),
            pltpu.VMEM((EDGE_WIN,), jnp.int32),
            pltpu.VMEM((SLOT_WIN,), jnp.int32),
            pltpu.VMEM((SLOT_WIN,), jnp.int32),
            pltpu.VMEM((SLOT_WIN,), jnp.int32),
            pltpu.VMEM((SLOT_WIN,), jnp.int32),
            pltpu.VMEM((SLOT_WIN, EMB_IN), jnp.float32),
            pltpu.SemaphoreType.DMA,
            pltpu.SemaphoreType.DMA,
            pltpu.SemaphoreType.DMA,
            pltpu.SemaphoreType.DMA,
            pltpu.SemaphoreType.DMA,
            pltpu.SemaphoreType.DMA,
        ],
    )(_sc_body)
    x2, _parts = kfn(slot, src, xb)
    return x2



ATOM_BLK = 400


def _tc2_body(rb_ref, x2_ref, wc_ref, o_ref):
    x23 = x2_ref[...].reshape(ATOM_BLK, KMAX, EMB_IN)
    xba2 = lax.dot_general(rb_ref[...], x23,
                           (((2,), (1,)), ((0,), (0,))),
                           preferred_element_type=jnp.float32)
    h2 = xba2.reshape(ATOM_BLK, EMB_RBF * EMB_IN)
    hout = lax.dot_general(h2, wc_ref[...], (((1,), (1,)), ((), ())),
                           preferred_element_type=jnp.float32)
    o_ref[...] = _silu(hout)


def _tc2(rad_basis, x2f, wc):
    return pl.pallas_call(
        _tc2_body,
        grid=(N_ATOMS // ATOM_BLK,),
        in_specs=[
            pl.BlockSpec((ATOM_BLK, EMB_RBF, KMAX), lambda i: (i, 0, 0)),
            pl.BlockSpec((ATOM_BLK, KMAX * EMB_IN), lambda i: (i, 0)),
            pl.BlockSpec((EMB_ATOM, EMB_RBF * EMB_IN), lambda i: (0, 0)),
        ],
        out_specs=pl.BlockSpec((ATOM_BLK, EMB_ATOM), lambda i: (i, 0)),
        out_shape=jax.ShapeDtypeStruct((N_ATOMS, EMB_ATOM), jnp.float32),
    )(rad_basis, x2f, wc)




def kernel(h, rad_basis, edge_index, target_neighbor_idx,
           W_down, W_bilinear, W_up):
    src = edge_index[0]
    dst = edge_index[1]
    h_pad = jnp.pad(h, ((0, XB_ROWS - N_ATOMS), (0, 0)))
    dst2d = dst.reshape(N_EDGES // 128, 128)
    tni2d = target_neighbor_idx.reshape(N_EDGES // 128, 128)

    xb, slot2d, wc = _tc1(h_pad, W_down, dst2d, tni2d, W_up, W_bilinear)

    x2 = _sc_gather(slot2d.reshape(N_EDGES), src, xb)

    out = _tc2(rad_basis, x2.reshape(N_ATOMS, KMAX * EMB_IN), wc)
    return out

# --- scband reference (transcript-rebuilt; emitter-appended) ---
"""Pipeline reference for scband-interaction-block-69999376990649 (READ-ONLY COPY).

The authoritative reference and input builder live on the scoring server;
editing this copy changes nothing except your own understanding.
"""

import jax, jax.numpy as jnp
import numpy as np

N_ATOMS = 10000
N_EDGES = 320000
KMAX = 32
EMB_ATOM = 128
EMB_IN = 16
EMB_OUT = 32
EMB_RBF = 16


def _silu(x):
    return x * jax.nn.sigmoid(x)


def setup_inputs(seed: int = 0) -> dict:
    key = jax.random.key(seed)
    k1, k2, k3, k4, k5, k6, k7 = jax.random.split(key, 7)
    h = jax.random.normal(k1, (N_ATOMS, EMB_ATOM), dtype=jnp.float32)
    rad_basis = jax.random.normal(k2, (N_ATOMS, EMB_RBF, KMAX), dtype=jnp.float32)
    edge_index = jax.random.randint(k3, (2, N_EDGES), 0, N_ATOMS, dtype=jnp.int32)
    target_neighbor_idx = jax.random.randint(k4, (N_EDGES,), 0, KMAX, dtype=jnp.int32)
    # learned params (torch Linear bias=False convention: W has shape (out, in), y = x @ W.T)
    s_down = 1.0 / np.sqrt(EMB_ATOM)
    s_bil = 1.0 / np.sqrt(EMB_RBF * EMB_IN)
    s_up = 1.0 / np.sqrt(EMB_OUT)
    W_down = jax.random.uniform(k5, (EMB_IN, EMB_ATOM), dtype=jnp.float32, minval=-s_down, maxval=s_down)
    W_bilinear = jax.random.uniform(k6, (EMB_OUT, EMB_RBF * EMB_IN), dtype=jnp.float32, minval=-s_bil, maxval=s_bil)
    W_up = jax.random.uniform(k7, (EMB_ATOM, EMB_OUT), dtype=jnp.float32, minval=-s_up, maxval=s_up)
    return {
        "h": h,
        "rad_basis": rad_basis,
        "edge_index": edge_index,
        "target_neighbor_idx": target_neighbor_idx,
        "W_down": W_down,
        "W_bilinear": W_bilinear,
        "W_up": W_up,
    }


def reference(h, rad_basis, edge_index, target_neighbor_idx, W_down, W_bilinear, W_up):
    num_atoms = h.shape[0]
    Kmax = rad_basis.shape[2]
    # down_projection: Dense(emb_size_atom -> emb_size_pair_in), activation=silu, no bias
    x_b = _silu(h @ W_down.T)
    # gather source-atom embeddings per edge
    x_ba = jnp.take(x_b, edge_index[0], axis=0)
    # scatter-overwrite into dense per-destination neighbor buffer (nAtoms, Kmax, emb_in)
    x2 = jnp.zeros((num_atoms, Kmax, x_ba.shape[-1]), dtype=x_ba.dtype)
    x2 = x2.at[edge_index[1], target_neighbor_idx].set(x_ba)
    # radial-basis weighted contraction: (nAtoms, rbf, Kmax) @ (nAtoms, Kmax, emb_in)
    x_ba2 = jnp.matmul(rad_basis, x2)
    # bilinear: Dense(rbf*emb_in -> emb_out), no activation, no bias
    h_out = x_ba2.reshape(num_atoms, -1) @ W_bilinear.T
    # ScaleFactor (scale = 1.0 at init)
    h_out = h_out * 1.0
    # up_projection: Dense(emb_out -> emb_size_atom), activation=silu, no bias
    return _silu(h_out @ W_up.T)

if __name__ == "__main__":
    import jax
    _d = setup_inputs()
    print(jax.jit(kernel)(*tuple(_d.values())))

</pallas_src>

<mosaic_0001>
#map = affine_map<(d0, d1) -> (0)>
#map1 = affine_map<(d0, d1) -> (0, 0)>
module attributes {stable_mosaic.version = 14 : i64} {
  func.func @_sc_body(%arg0: i32, %arg1: i32, %arg2: memref<320000xi32, #tpu.memory_space<hbm>>, %arg3: memref<320000xi32, #tpu.memory_space<hbm>>, %arg4: memref<11264x16xf32, #tpu.memory_space<hbm>>, %arg5: memref<320000x16xf32, #tpu.memory_space<hbm>>, %arg6: memref<1280000xi32, #tpu.memory_space<hbm>>, %arg7: memref<10000xi32, #tpu.memory_space<vmem>>, %arg8: memref<40000xi32, #tpu.memory_space<vmem>>, %arg9: memref<2000xi32, #tpu.memory_space<vmem>>, %arg10: memref<2000xi32, #tpu.memory_space<vmem>>, %arg11: memref<16000xi32, #tpu.memory_space<vmem>>, %arg12: memref<16000xi32, #tpu.memory_space<vmem>>, %arg13: memref<2000xi32, #tpu.memory_space<vmem>>, %arg14: memref<2000xi32, #tpu.memory_space<vmem>>, %arg15: memref<2000xi32, #tpu.memory_space<vmem>>, %arg16: memref<2000xi32, #tpu.memory_space<vmem>>, %arg17: memref<2000x16xf32, #tpu.memory_space<vmem>>, %arg18: memref<!tpu.dma_semaphore, #tpu.memory_space<semaphore_mem>>, %arg19: memref<!tpu.dma_semaphore, #tpu.memory_space<semaphore_mem>>, %arg20: memref<!tpu.dma_semaphore, #tpu.memory_space<semaphore_mem>>, %arg21: memref<!tpu.dma_semaphore, #tpu.memory_space<semaphore_mem>>, %arg22: memref<!tpu.dma_semaphore, #tpu.memory_space<semaphore_mem>>, %arg23: memref<!tpu.dma_semaphore, #tpu.memory_space<semaphore_mem>>) attributes {dimension_semantics = [#tpu.dimension_semantics<core_parallel>, #tpu.dimension_semantics<subcore_parallel>], iteration_bounds = array<i64: 2, 16>, scalar_prefetch = 0 : i64, scratch_operands = 17 : i64, tpu.core_type = #tpu.core_type<sc_vector_subcore>, window_params = [{transform_indices = #map}, {transform_indices = #map}, {transform_indices = #map1}, {transform_indices = #map1}, {transform_indices = #map}]} {
    %mul3A = arith.constant 2 : i32
    %mul3A_0 = arith.muli %arg1, %mul3A : i32
    %add3A = arith.addi %mul3A_0, %arg0 : i32
    %mul3A_1 = arith.constant 10000 : i32
    %mul3A_2 = arith.muli %add3A, %mul3A_1 : i32
    %iota3A = tpu.iota {dimensions = array<i32: 0>} : vector<16xi32>
    %jit3A = arith.constant 2 : i32
    %div3A = arith.divsi %arg1, %jit3A : i32
    %sign3A = arith.constant 0 : i32
    %sign3A_3 = arith.cmpi sgt, %arg1, %sign3A : i32
    %sign3A_4 = arith.extui %sign3A_3 : i1 to i32
    %sign3A_5 = arith.constant 0 : i32
    %sign3A_6 = arith.cmpi slt, %arg1, %sign3A_5 : i32
    %sign3A_7 = arith.extui %sign3A_6 : i1 to i32
    %sign3A_8 = arith.subi %sign3A_4, %sign3A_7 : i32
    %sign3A_9 = arith.constant 0 : i32
    %sign3A_10 = arith.cmpi sgt, %jit3A, %sign3A_9 : i32
    %sign3A_11 = arith.extui %sign3A_10 : i1 to i32
    %sign3A_12 = arith.constant 0 : i32
    %sign3A_13 = arith.cmpi slt, %jit3A, %sign3A_12 : i32
    %sign3A_14 = arith.extui %sign3A_13 : i1 to i32
    %sign3A_15 = arith.subi %sign3A_11, %sign3A_14 : i32
    %ne3A = arith.cmpi ne, %sign3A_8, %sign3A_15 : i32
    %rem3A = arith.remsi %arg1, %jit3A : i32
    %ne3A_16 = arith.constant 0 : i32
    %ne3A_17 = arith.cmpi ne, %rem3A, %ne3A_16 : i32
    %and3A = arith.andi %ne3A, %ne3A_17 : i1
    %sub3A = arith.constant 1 : i32
    %sub3A_18 = arith.subi %div3A, %sub3A : i32
    %select_n3A = arith.select %and3A, %sub3A_18, %div3A : i32
    %jit3A_19 = arith.constant 2 : i32
    %eq3A = arith.constant 0 : i32
    %eq3A_20 = arith.cmpi eq, %jit3A_19, %eq3A : i32
    %jit3A_21 = arith.constant 1 : i32
    %select_n3A_22 = arith.select %eq3A_20, %jit3A_21, %jit3A_19 : i32
    %rem3A_23 = arith.remsi %arg1, %select_n3A_22 : i32
    %ne3A_24 = arith.constant 0 : i32
    %ne3A_25 = arith.cmpi ne, %rem3A_23, %ne3A_24 : i32
    %lt3A = arith.constant 0 : i32
    %lt3A_26 = arith.cmpi slt, %rem3A_23, %lt3A : i32
    %lt3A_27 = arith.constant 0 : i32
    %lt3A_28 = arith.cmpi slt, %select_n3A_22, %lt3A_27 : i32
    %ne3A_29 = arith.xori %lt3A_26, %lt3A_28 : i1
    %and3A_30 = arith.andi %ne3A_29, %ne3A_25 : i1
    %add3A_31 = arith.addi %rem3A_23, %select_n3A_22 : i32
    %select_n3A_32 = arith.select %and3A_30, %add3A_31, %rem3A_23 : i32
    %mul3A_33 = arith.constant 40000 : i32
    %mul3A_34 = arith.muli %select_n3A, %mul3A_33 : i32
    %parallel_loop3A = arith.constant 0 : i32
    %parallel_loop3A_35 = arith.constant 2500 : i32
    %parallel_loop3A_36 = arith.constant 1 : i32
    scf.for %parallel_loop3A_273 = %parallel_loop3A to %parallel_loop3A_35 step %parallel_loop3A_36  : i32 {
      %parallel_loop3A_274 = arith.constant -1 : i32
      %parallel_loop3A_275 = vector.broadcast %parallel_loop3A_274 : i32 to vector<16xi32>
      %parallel_loop3A_276 = arith.constant 16 : i32
      %parallel_loop3A_277 = arith.muli %parallel_loop3A_273, %parallel_loop3A_276 : i32
      %parallel_loop3A_278 = arith.index_cast %parallel_loop3A_277 : i32 to index
      %parallel_loop3A_279 = tpu.vector_load %arg8[%parallel_loop3A_278] {strides = array<i32>} : memref<40000xi32, #tpu.memory_space<vmem>>, vector<16xi32>,
      tpu.vector_store %arg8[%parallel_loop3A_278], %parallel_loop3A_275 {strides = array<i32>} : memref<40000xi32, #tpu.memory_space<vmem>>, vector<16xi32>,
    } {sc.loop_unroll_factor = 8 : i64, sc.parallel_access}
    %mul3A_37 = arith.constant 160000 : i32
    %mul3A_38 = arith.muli %select_n3A_32, %mul3A_37 : i32
    %dma_start3A = tpu.memref_slice %arg2[%mul3A_38] : memref<320000xi32, #tpu.memory_space<hbm>> -> memref<16000xi32, #tpu.memory_space<hbm>>
    %dma_start3A_39 = tpu.memref_slice %arg2[%mul3A_38] : memref<320000xi32, #tpu.memory_space<hbm>> -> memref<16000xi32, #tpu.memory_space<hbm>>
    tpu.enqueue_dma source(%dma_start3A_39 : memref<16000xi32, #tpu.memory_space<hbm>>) target(%arg11 : memref<16000xi32, #tpu.memory_space<vmem>>) target_semaphore(%arg18 : memref<!tpu.dma_semaphore, #tpu.memory_space<semaphore_mem>>)
    %scan3A = arith.constant 0 : i32
    %scan3A_40 = arith.constant 5 : i32
    %scan3A_41 = arith.addi %scan3A, %scan3A_40 : i32
    %scan3A_42 = arith.constant 1 : i32
    scf.for %scan3A_273 = %scan3A to %scan3A_41 step %scan3A_42  : i32 {
      %mul3A_274 = arith.constant 2 : i32
      %mul3A_275 = arith.muli %mul3A_274, %scan3A_273 : i32
      %mul3A_276 = arith.constant 16000 : i32
      %mul3A_277 = arith.muli %mul3A_275, %mul3A_276 : i32
      %add3A_278 = arith.addi %mul3A_38, %mul3A_277 : i32
      %add3A_279 = arith.constant 16000 : i32
      %add3A_280 = arith.addi %add3A_278, %add3A_279 : i32
      %dma_start3A_281 = tpu.memref_slice %arg2[%add3A_280] : memref<320000xi32, #tpu.memory_space<hbm>> -> memref<16000xi32, #tpu.memory_space<hbm>>
      %dma_start3A_282 = tpu.memref_slice %arg2[%add3A_280] : memref<320000xi32, #tpu.memory_space<hbm>> -> memref<16000xi32, #tpu.memory_space<hbm>>
      tpu.enqueue_dma source(%dma_start3A_282 : memref<16000xi32, #tpu.memory_space<hbm>>) target(%arg12 : memref<16000xi32, #tpu.memory_space<vmem>>) target_semaphore(%arg19 : memref<!tpu.dma_semaphore, #tpu.memory_space<semaphore_mem>>)
      %dma_wait3A_283 = tpu.memref_slice %arg2[%add3A_278] : memref<320000xi32, #tpu.memory_space<hbm>> -> memref<16000xi32, #tpu.memory_space<hbm>>
      %dma_wait3A_284 = tpu.memref_slice %arg2[%add3A_278] : memref<320000xi32, #tpu.memory_space<hbm>> -> memref<16000xi32, #tpu.memory_space<hbm>>
      tpu.wait_dma2 semaphore(%arg18 : memref<!tpu.dma_semaphore, #tpu.memory_space<semaphore_mem>>) src(%dma_wait3A_284 : memref<16000xi32, #tpu.memory_space<hbm>>) dst(%arg11 : memref<16000xi32, #tpu.memory_space<vmem>>)
      %parallel_loop3A_285 = arith.constant 0 : i32
      %parallel_loop3A_286 = arith.constant 1000 : i32
      %parallel_loop3A_287 = arith.constant 1 : i32
      scf.for %parallel_loop3A_308 = %parallel_loop3A_285 to %parallel_loop3A_286 step %parallel_loop3A_287  : i32 {
        %parallel_loop3A_309 = arith.constant 16 : i32
        %parallel_loop3A_310 = arith.muli %parallel_loop3A_308, %parallel_loop3A_309 : i32
        %parallel_loop3A_311 = arith.index_cast %parallel_loop3A_310 : i32 to index
        %parallel_loop3A_312 = tpu.vector_load %arg11[%parallel_loop3A_311] {strides = array<i32>} : memref<16000xi32, #tpu.memory_space<vmem>>, vector<16xi32>,
        %parallel_loop3A_313 = arith.constant 16 : i32
        %parallel_loop3A_314 = arith.muli %parallel_loop3A_308, %parallel_loop3A_313 : i32
        %parallel_loop3A_315 = arith.addi %add3A_278, %parallel_loop3A_314 : i32
        %parallel_loop3A_316 = vector.broadcast %parallel_loop3A_315 : i32 to vector<16xi32>
        %parallel_loop3A_317 = arith.addi %parallel_loop3A_316, %iota3A : vector<16xi32>
        %parallel_loop3A_318 = vector.broadcast %mul3A_34 : i32 to vector<16xi32>
        %parallel_loop3A_319 = arith.subi %parallel_loop3A_312, %parallel_loop3A_318 : vector<16xi32>
        %parallel_loop3A_320 = arith.constant 0 : i32
        %parallel_loop3A_321 = vector.broadcast %parallel_loop3A_320 : i32 to vector<16xi32>
        %parallel_loop3A_322 = arith.cmpi sge, %parallel_loop3A_319, %parallel_loop3A_321 : vector<16xi32>
        %parallel_loop3A_323 = arith.constant 40000 : i32
        %parallel_loop3A_324 = vector.broadcast %parallel_loop3A_323 : i32 to vector<16xi32>
        %parallel_loop3A_325 = arith.cmpi slt, %parallel_loop3A_319, %parallel_loop3A_324 : vector<16xi32>
        %parallel_loop3A_326 = arith.andi %parallel_loop3A_322, %parallel_loop3A_325 : vector<16xi1>
        tpu.vector_store_idx %arg8[%parallel_loop3A_319], %parallel_loop3A_317 masked %parallel_loop3A_326 : memref<40000xi32, #tpu.memory_space<vmem>>[vector<16xi32>], vector<16xi32>, vector<16xi1>
      } {sc.loop_unroll_factor = 8 : i64, sc.parallel_access}
      %parallel_loop3A_288 = arith.constant 0 : i32
      %parallel_loop3A_289 = arith.constant 1000 : i32
      %parallel_loop3A_290 = arith.constant 1 : i32
      scf.for %parallel_loop3A_308 = %parallel_loop3A_288 to %parallel_loop3A_289 step %parallel_loop3A_290  : i32 {
        %parallel_loop3A_309 = arith.constant 16 : i32
        %parallel_loop3A_310 = arith.muli %parallel_loop3A_308, %parallel_loop3A_309 : i32
        %parallel_loop3A_311 = arith.index_cast %parallel_loop3A_310 : i32 to index
        %parallel_loop3A_312 = tpu.vector_load %arg11[%parallel_loop3A_311] {strides = array<i32>} : memref<16000xi32, #tpu.memory_space<vmem>>, vector<16xi32>,
        %parallel_loop3A_313 = arith.constant 16 : i32
        %parallel_loop3A_314 = arith.muli %parallel_loop3A_308, %parallel_loop3A_313 : i32
        %parallel_loop3A_315 = arith.addi %add3A_278, %parallel_loop3A_314 : i32
        %parallel_loop3A_316 = vector.broadcast %parallel_loop3A_315 : i32 to vector<16xi32>
        %parallel_loop3A_317 = arith.addi %parallel_loop3A_316, %iota3A : vector<16xi32>
        %parallel_loop3A_318 = vector.broadcast %mul3A_34 : i32 to vector<16xi32>
        %parallel_loop3A_319 = arith.subi %parallel_loop3A_312, %parallel_loop3A_318 : vector<16xi32>
        %parallel_loop3A_320 = arith.constant 0 : i32
        %parallel_loop3A_321 = vector.broadcast %parallel_loop3A_320 : i32 to vector<16xi32>
        %parallel_loop3A_322 = arith.cmpi sge, %parallel_loop3A_319, %parallel_loop3A_321 : vector<16xi32>
        %parallel_loop3A_323 = arith.constant 40000 : i32
        %parallel_loop3A_324 = vector.broadcast %parallel_loop3A_323 : i32 to vector<16xi32>
        %parallel_loop3A_325 = arith.cmpi slt, %parallel_loop3A_319, %parallel_loop3A_324 : vector<16xi32>
        %parallel_loop3A_326 = arith.andi %parallel_loop3A_322, %parallel_loop3A_325 : vector<16xi1>
        %parallel_loop3A_327 = tpu.vector_load_idx %arg8[%parallel_loop3A_319] masked %parallel_loop3A_326 : memref<40000xi32, #tpu.memory_space<vmem>>[vector<16xi32>], vector<16xi32>, vector<16xi1>
        %parallel_loop3A_328 = arith.cmpi slt, %parallel_loop3A_327, %parallel_loop3A_317 : vector<16xi32>
        %parallel_loop3A_329 = arith.andi %parallel_loop3A_326, %parallel_loop3A_328 : vector<16xi1>
        tpu.vector_store_idx %arg8[%parallel_loop3A_319], %parallel_loop3A_317 masked %parallel_loop3A_329 : memref<40000xi32, #tpu.memory_space<vmem>>[vector<16xi32>], vector<16xi32>, vector<16xi1>
      } {sc.loop_unroll_factor = 8 : i64, sc.parallel_access}
      %lt3A_291 = arith.constant 4 : i32
      %lt3A_292 = arith.cmpi slt, %scan3A_273, %lt3A_291 : i32
      %convert_element_type3A = arith.extui %lt3A_292 : i1 to i32
      %cond3A = arith.constant 0 : i32
      %cond3A_293 = arith.cmpi ne, %convert_element_type3A, %cond3A : i32
      scf.if %cond3A_293 {
        %add3A_308 = arith.constant 32000 : i32
        %add3A_309 = arith.addi %add3A_278, %add3A_308 : i32
        %dma_start3A_310 = tpu.memref_slice %arg2[%add3A_309] : memref<320000xi32, #tpu.memory_space<hbm>> -> memref<16000xi32, #tpu.memory_space<hbm>>
        %dma_start3A_311 = tpu.memref_slice %arg2[%add3A_309] : memref<320000xi32, #tpu.memory_space<hbm>> -> memref<16000xi32, #tpu.memory_space<hbm>>
        tpu.enqueue_dma source(%dma_start3A_311 : memref<16000xi32, #tpu.memory_space<hbm>>) target(%arg11 : memref<16000xi32, #tpu.memory_space<vmem>>) target_semaphore(%arg18 : memref<!tpu.dma_semaphore, #tpu.memory_space<semaphore_mem>>)
      } else {
      }
      %add3A_294 = arith.constant 16000 : i32
      %add3A_295 = arith.addi %add3A_278, %add3A_294 : i32
      %dma_wait3A_296 = tpu.memref_slice %arg2[%add3A_295] : memref<320000xi32, #tpu.memory_space<hbm>> -> memref<16000xi32, #tpu.memory_space<hbm>>
      %dma_wait3A_297 = tpu.memref_slice %arg2[%add3A_295] : memref<320000xi32, #tpu.memory_space<hbm>> -> memref<16000xi32, #tpu.memory_space<hbm>>
      tpu.wait_dma2 semaphore(%arg19 : memref<!tpu.dma_semaphore, #tpu.memory_space<semaphore_mem>>) src(%dma_wait3A_297 : memref<16000xi32, #tpu.memory_space<hbm>>) dst(%arg12 : memref<16000xi32, #tpu.memory_space<vmem>>)
      %add3A_298 = arith.constant 16000 : i32
      %add3A_299 = arith.addi %add3A_278, %add3A_298 : i32
      %parallel_loop3A_300 = arith.constant 0 : i32
      %parallel_loop3A_301 = arith.constant 1000 : i32
      %parallel_loop3A_302 = arith.constant 1 : i32
      scf.for %parallel_loop3A_308 = %parallel_loop3A_300 to %parallel_loop3A_301 step %parallel_loop3A_302  : i32 {
        %parallel_loop3A_309 = arith.constant 16 : i32
        %parallel_loop3A_310 = arith.muli %parallel_loop3A_308, %parallel_loop3A_309 : i32
        %parallel_loop3A_311 = arith.index_cast %parallel_loop3A_310 : i32 to index
        %parallel_loop3A_312 = tpu.vector_load %arg12[%parallel_loop3A_311] {strides = array<i32>} : memref<16000xi32, #tpu.memory_space<vmem>>, vector<16xi32>,
        %parallel_loop3A_313 = arith.constant 16 : i32
        %parallel_loop3A_314 = arith.muli %parallel_loop3A_308, %parallel_loop3A_313 : i32
        %parallel_loop3A_315 = arith.addi %add3A_299, %parallel_loop3A_314 : i32
        %parallel_loop3A_316 = vector.broadcast %parallel_loop3A_315 : i32 to vector<16xi32>
        %parallel_loop3A_317 = arith.addi %parallel_loop3A_316, %iota3A : vector<16xi32>
        %parallel_loop3A_318 = vector.broadcast %mul3A_34 : i32 to vector<16xi32>
        %parallel_loop3A_319 = arith.subi %parallel_loop3A_312, %parallel_loop3A_318 : vector<16xi32>
        %parallel_loop3A_320 = arith.constant 0 : i32
        %parallel_loop3A_321 = vector.broadcast %parallel_loop3A_320 : i32 to vector<16xi32>
        %parallel_loop3A_322 = arith.cmpi sge, %parallel_loop3A_319, %parallel_loop3A_321 : vector<16xi32>
        %parallel_loop3A_323 = arith.constant 40000 : i32
        %parallel_loop3A_324 = vector.broadcast %parallel_loop3A_323 : i32 to vector<16xi32>
        %parallel_loop3A_325 = arith.cmpi slt, %parallel_loop3A_319, %parallel_loop3A_324 : vector<16xi32>
        %parallel_loop3A_326 = arith.andi %parallel_loop3A_322, %parallel_loop3A_325 : vector<16xi1>
        tpu.vector_store_idx %arg8[%parallel_loop3A_319], %parallel_loop3A_317 masked %parallel_loop3A_326 : memref<40000xi32, #tpu.memory_space<vmem>>[vector<16xi32>], vector<16xi32>, vector<16xi1>
      } {sc.loop_unroll_factor = 8 : i64, sc.parallel_access}
      %add3A_303 = arith.constant 16000 : i32
      %add3A_304 = arith.addi %add3A_278, %add3A_303 : i32
      %parallel_loop3A_305 = arith.constant 0 : i32
      %parallel_loop3A_306 = arith.constant 1000 : i32
      %parallel_loop3A_307 = arith.constant 1 : i32
      scf.for %parallel_loop3A_308 = %parallel_loop3A_305 to %parallel_loop3A_306 step %parallel_loop3A_307  : i32 {
        %parallel_loop3A_309 = arith.constant 16 : i32
        %parallel_loop3A_310 = arith.muli %parallel_loop3A_308, %parallel_loop3A_309 : i32
        %parallel_loop3A_311 = arith.index_cast %parallel_loop3A_310 : i32 to index
        %parallel_loop3A_312 = tpu.vector_load %arg12[%parallel_loop3A_311] {strides = array<i32>} : memref<16000xi32, #tpu.memory_space<vmem>>, vector<16xi32>,
        %parallel_loop3A_313 = arith.constant 16 : i32
        %parallel_loop3A_314 = arith.muli %parallel_loop3A_308, %parallel_loop3A_313 : i32
        %parallel_loop3A_315 = arith.addi %add3A_304, %parallel_loop3A_314 : i32
        %parallel_loop3A_316 = vector.broadcast %parallel_loop3A_315 : i32 to vector<16xi32>
        %parallel_loop3A_317 = arith.addi %parallel_loop3A_316, %iota3A : vector<16xi32>
        %parallel_loop3A_318 = vector.broadcast %mul3A_34 : i32 to vector<16xi32>
        %parallel_loop3A_319 = arith.subi %parallel_loop3A_312, %parallel_loop3A_318 : vector<16xi32>
        %parallel_loop3A_320 = arith.constant 0 : i32
        %parallel_loop3A_321 = vector.broadcast %parallel_loop3A_320 : i32 to vector<16xi32>
        %parallel_loop3A_322 = arith.cmpi sge, %parallel_loop3A_319, %parallel_loop3A_321 : vector<16xi32>
        %parallel_loop3A_323 = arith.constant 40000 : i32
        %parallel_loop3A_324 = vector.broadcast %parallel_loop3A_323 : i32 to vector<16xi32>
        %parallel_loop3A_325 = arith.cmpi slt, %parallel_loop3A_319, %parallel_loop3A_324 : vector<16xi32>
        %parallel_loop3A_326 = arith.andi %parallel_loop3A_322, %parallel_loop3A_325 : vector<16xi1>
        %parallel_loop3A_327 = tpu.vector_load_idx %arg8[%parallel_loop3A_319] masked %parallel_loop3A_326 : memref<40000xi32, #tpu.memory_space<vmem>>[vector<16xi32>], vector<16xi32>, vector<16xi1>
        %parallel_loop3A_328 = arith.cmpi slt, %parallel_loop3A_327, %parallel_loop3A_317 : vector<16xi32>
        %parallel_loop3A_329 = arith.andi %parallel_loop3A_326, %parallel_loop3A_328 : vector<16xi1>
        tpu.vector_store_idx %arg8[%parallel_loop3A_319], %parallel_loop3A_317 masked %parallel_loop3A_329 : memref<40000xi32, #tpu.memory_space<vmem>>[vector<16xi32>], vector<16xi32>, vector<16xi1>
      } {sc.loop_unroll_factor = 8 : i64, sc.parallel_access}
    }
    %scan3A_43 = arith.constant 5 : i32
    %mul3A_44 = arith.constant 640000 : i32
    %mul3A_45 = arith.muli %arg0, %mul3A_44 : i32
    %mul3A_46 = arith.constant 40000 : i32
    %mul3A_47 = arith.muli %arg1, %mul3A_46 : i32
    %add3A_48 = arith.addi %mul3A_45, %mul3A_47 : i32
    "tpu.region"() ({
      %run_scoped3A = tpu.sem_alloc : memref<!tpu.dma_semaphore, #tpu.memory_space<semaphore_mem>>
      %dma_start3A_273 = tpu.memref_slice %arg6[%add3A_48] : memref<1280000xi32, #tpu.memory_space<hbm>> -> memref<40000xi32, #tpu.memory_space<hbm>>
      %dma_start3A_274 = tpu.memref_slice %arg6[%add3A_48] : memref<1280000xi32, #tpu.memory_space<hbm>> -> memref<40000xi32, #tpu.memory_space<hbm>>
      tpu.enqueue_dma source(%arg8 : memref<40000xi32, #tpu.memory_space<vmem>>) target(%dma_start3A_274 : memref<40000xi32, #tpu.memory_space<hbm>>) target_semaphore(%run_scoped3A : memref<!tpu.dma_semaphore, #tpu.memory_space<semaphore_mem>>)
      %dma_wait3A_275 = tpu.memref_slice %arg6[%add3A_48] : memref<1280000xi32, #tpu.memory_space<hbm>> -> memref<40000xi32, #tpu.memory_space<hbm>>
      %dma_wait3A_276 = tpu.memref_slice %arg6[%add3A_48] : memref<1280000xi32, #tpu.memory_space<hbm>> -> memref<40000xi32, #tpu.memory_space<hbm>>
      tpu.wait_dma2 semaphore(%run_scoped3A : memref<!tpu.dma_semaphore, #tpu.memory_space<semaphore_mem>>) src(%arg8 : memref<40000xi32, #tpu.memory_space<vmem>>) dst(%dma_wait3A_276 : memref<40000xi32, #tpu.memory_space<hbm>>)
      tpu.yield
    }) : () -> ()
    %barrier3A = arith.constant 0 : index
    tpu.barrier barrier_id(%barrier3A)
    %jit3A_49 = arith.constant 4 : i32
    %div3A_50 = arith.divsi %add3A, %jit3A_49 : i32
    %sign3A_51 = arith.constant 0 : i32
    %sign3A_52 = arith.cmpi sgt, %add3A, %sign3A_51 : i32
    %sign3A_53 = arith.extui %sign3A_52 : i1 to i32
    %sign3A_54 = arith.constant 0 : i32
    %sign3A_55 = arith.cmpi slt, %add3A, %sign3A_54 : i32
    %sign3A_56 = arith.extui %sign3A_55 : i1 to i32
    %sign3A_57 = arith.subi %sign3A_53, %sign3A_56 : i32
    %sign3A_58 = arith.constant 0 : i32
    %sign3A_59 = arith.cmpi sgt, %jit3A_49, %sign3A_58 : i32
    %sign3A_60 = arith.extui %sign3A_59 : i1 to i32
    %sign3A_61 = arith.constant 0 : i32
    %sign3A_62 = arith.cmpi slt, %jit3A_49, %sign3A_61 : i32
    %sign3A_63 = arith.extui %sign3A_62 : i1 to i32
    %sign3A_64 = arith.subi %sign3A_60, %sign3A_63 : i32
    %ne3A_65 = arith.cmpi ne, %sign3A_57, %sign3A_64 : i32
    %rem3A_66 = arith.remsi %add3A, %jit3A_49 : i32
    %ne3A_67 = arith.constant 0 : i32
    %ne3A_68 = arith.cmpi ne, %rem3A_66, %ne3A_67 : i32
    %and3A_69 = arith.andi %ne3A_65, %ne3A_68 : i1
    %sub3A_70 = arith.constant 1 : i32
    %sub3A_71 = arith.subi %div3A_50, %sub3A_70 : i32
    %select_n3A_72 = arith.select %and3A_69, %sub3A_71, %div3A_50 : i32
    %jit3A_73 = arith.constant 4 : i32
    %eq3A_74 = arith.constant 0 : i32
    %eq3A_75 = arith.cmpi eq, %jit3A_73, %eq3A_74 : i32
    %jit3A_76 = arith.constant 1 : i32
    %select_n3A_77 = arith.select %eq3A_75, %jit3A_76, %jit3A_73 : i32
    %rem3A_78 = arith.remsi %add3A, %select_n3A_77 : i32
    %ne3A_79 = arith.constant 0 : i32
    %ne3A_80 = arith.cmpi ne, %rem3A_78, %ne3A_79 : i32
    %lt3A_81 = arith.constant 0 : i32
    %lt3A_82 = arith.cmpi slt, %rem3A_78, %lt3A_81 : i32
    %lt3A_83 = arith.constant 0 : i32
    %lt3A_84 = arith.cmpi slt, %select_n3A_77, %lt3A_83 : i32
    %ne3A_85 = arith.xori %lt3A_82, %lt3A_84 : i1
    %and3A_86 = arith.andi %ne3A_85, %ne3A_80 : i1
    %add3A_87 = arith.addi %rem3A_78, %select_n3A_77 : i32
    %select_n3A_88 = arith.select %and3A_86, %add3A_87, %rem3A_78 : i32
    %mul3A_89 = arith.constant 10000 : i32
    %mul3A_90 = arith.muli %select_n3A_88, %mul3A_89 : i32
    %mul3A_91 = arith.constant 640000 : i32
    %mul3A_92 = arith.muli %arg0, %mul3A_91 : i32
    %mul3A_93 = arith.constant 2 : i32
    %mul3A_94 = arith.muli %mul3A_93, %select_n3A_72 : i32
    %mul3A_95 = arith.constant 40000 : i32
    %mul3A_96 = arith.muli %mul3A_94, %mul3A_95 : i32
    %add3A_97 = arith.addi %mul3A_92, %mul3A_96 : i32
    %add3A_98 = arith.addi %add3A_97, %mul3A_90 : i32
    %mul3A_99 = arith.constant 640000 : i32
    %mul3A_100 = arith.muli %arg0, %mul3A_99 : i32
    %mul3A_101 = arith.constant 2 : i32
    %mul3A_102 = arith.muli %mul3A_101, %select_n3A_72 : i32
    %add3A_103 = arith.constant 1 : i32
    %add3A_104 = arith.addi %mul3A_102, %add3A_103 : i32
    %mul3A_105 = arith.constant 40000 : i32
    %mul3A_106 = arith.muli %add3A_104, %mul3A_105 : i32
    %add3A_107 = arith.addi %mul3A_100, %mul3A_106 : i32
    %add3A_108 = arith.addi %add3A_107, %mul3A_90 : i32
    %add3A_109 = arith.constant 0 : i32
    %add3A_110 = arith.addi %add3A_98, %add3A_109 : i32
    "tpu.region"() ({
      %run_scoped3A = tpu.sem_alloc : memref<!tpu.dma_semaphore, #tpu.memory_space<semaphore_mem>>
      %dma_start3A_273 = tpu.memref_slice %arg6[%add3A_110] : memref<1280000xi32, #tpu.memory_space<hbm>> -> memref<2000xi32, #tpu.memory_space<hbm>>
      %dma_start3A_274 = tpu.memref_slice %arg6[%add3A_110] : memref<1280000xi32, #tpu.memory_space<hbm>> -> memref<2000xi32, #tpu.memory_space<hbm>>
      tpu.enqueue_dma source(%dma_start3A_274 : memref<2000xi32, #tpu.memory_space<hbm>>) target(%arg9 : memref<2000xi32, #tpu.memory_space<vmem>>) target_semaphore(%run_scoped3A : memref<!tpu.dma_semaphore, #tpu.memory_space<semaphore_mem>>)
      %dma_wait3A_275 = tpu.memref_slice %arg6[%add3A_110] : memref<1280000xi32, #tpu.memory_space<hbm>> -> memref<2000xi32, #tpu.memory_space<hbm>>
      %dma_wait3A_276 = tpu.memref_slice %arg6[%add3A_110] : memref<1280000xi32, #tpu.memory_space<hbm>> -> memref<2000xi32, #tpu.memory_space<hbm>>
      tpu.wait_dma2 semaphore(%run_scoped3A : memref<!tpu.dma_semaphore, #tpu.memory_space<semaphore_mem>>) src(%dma_wait3A_276 : memref<2000xi32, #tpu.memory_space<hbm>>) dst(%arg9 : memref<2000xi32, #tpu.memory_space<vmem>>)
      tpu.yield
    }) : () -> ()
    %add3A_111 = arith.constant 0 : i32
    %add3A_112 = arith.addi %add3A_108, %add3A_111 : i32
    "tpu.region"() ({
      %run_scoped3A = tpu.sem_alloc : memref<!tpu.dma_semaphore, #tpu.memory_space<semaphore_mem>>
      %dma_start3A_273 = tpu.memref_slice %arg6[%add3A_112] : memref<1280000xi32, #tpu.memory_space<hbm>> -> memref<2000xi32, #tpu.memory_space<hbm>>
      %dma_start3A_274 = tpu.memref_slice %arg6[%add3A_112] : memref<1280000xi32, #tpu.memory_space<hbm>> -> memref<2000xi32, #tpu.memory_space<hbm>>
      tpu.enqueue_dma source(%dma_start3A_274 : memref<2000xi32, #tpu.memory_space<hbm>>) target(%arg10 : memref<2000xi32, #tpu.memory_space<vmem>>) target_semaphore(%run_scoped3A : memref<!tpu.dma_semaphore, #tpu.memory_space<semaphore_mem>>)
      %dma_wait3A_275 = tpu.memref_slice %arg6[%add3A_112] : memref<1280000xi32, #tpu.memory_space<hbm>> -> memref<2000xi32, #tpu.memory_space<hbm>>
      %dma_wait3A_276 = tpu.memref_slice %arg6[%add3A_112] : memref<1280000xi32, #tpu.memory_space<hbm>> -> memref<2000xi32, #tpu.memory_space<hbm>>
      tpu.wait_dma2 semaphore(%run_scoped3A : memref<!tpu.dma_semaphore, #tpu.memory_space<semaphore_mem>>) src(%dma_wait3A_276 : memref<2000xi32, #tpu.memory_space<hbm>>) dst(%arg10 : memref<2000xi32, #tpu.memory_space<vmem>>)
      tpu.yield
    }) : () -> ()
    %parallel_loop3A_113 = arith.constant 0 : i32
    %parallel_loop3A_114 = arith.constant 125 : i32
    %parallel_loop3A_115 = arith.constant 1 : i32
    scf.for %parallel_loop3A_273 = %parallel_loop3A_113 to %parallel_loop3A_114 step %parallel_loop3A_115  : i32 {
      %parallel_loop3A_274 = arith.constant 16 : i32
      %parallel_loop3A_275 = arith.muli %parallel_loop3A_273, %parallel_loop3A_274 : i32
      %parallel_loop3A_276 = arith.index_cast %parallel_loop3A_275 : i32 to index
      %parallel_loop3A_277 = tpu.vector_load %arg9[%parallel_loop3A_276] {strides = array<i32>} : memref<2000xi32, #tpu.memory_space<vmem>>, vector<16xi32>,
      %parallel_loop3A_278 = arith.constant 16 : i32
      %parallel_loop3A_279 = arith.muli %parallel_loop3A_273, %parallel_loop3A_278 : i32
      %parallel_loop3A_280 = arith.index_cast %parallel_loop3A_279 : i32 to index
      %parallel_loop3A_281 = tpu.vector_load %arg10[%parallel_loop3A_280] {strides = array<i32>} : memref<2000xi32, #tpu.memory_space<vmem>>, vector<16xi32>,
      %parallel_loop3A_282 = arith.maxsi %parallel_loop3A_277, %parallel_loop3A_281 : vector<16xi32>
      %parallel_loop3A_283 = arith.constant 16 : i32
      %parallel_loop3A_284 = arith.muli %parallel_loop3A_273, %parallel_loop3A_283 : i32
      %parallel_loop3A_285 = arith.constant 0 : i32
      %parallel_loop3A_286 = arith.addi %parallel_loop3A_285, %parallel_loop3A_284 : i32
      %parallel_loop3A_287 = arith.index_cast %parallel_loop3A_286 : i32 to index
      %parallel_loop3A_288 = tpu.vector_load %arg7[%parallel_loop3A_287] {strides = array<i32>} : memref<10000xi32, #tpu.memory_space<vmem>>, vector<16xi32>,
      tpu.vector_store %arg7[%parallel_loop3A_287], %parallel_loop3A_282 {strides = array<i32>} : memref<10000xi32, #tpu.memory_space<vmem>>, vector<16xi32>,
    } {sc.loop_unroll_factor = 4 : i64, sc.parallel_access}
    %add3A_116 = arith.constant 2000 : i32
    %add3A_117 = arith.addi %add3A_98, %add3A_116 : i32
    "tpu.region"() ({
      %run_scoped3A = tpu.sem_alloc : memref<!tpu.dma_semaphore, #tpu.memory_space<semaphore_mem>>
      %dma_start3A_273 = tpu.memref_slice %arg6[%add3A_117] : memref<1280000xi32, #tpu.memory_space<hbm>> -> memref<2000xi32, #tpu.memory_space<hbm>>
      %dma_start3A_274 = tpu.memref_slice %arg6[%add3A_117] : memref<1280000xi32, #tpu.memory_space<hbm>> -> memref<2000xi32, #tpu.memory_space<hbm>>
      tpu.enqueue_dma source(%dma_start3A_274 : memref<2000xi32, #tpu.memory_space<hbm>>) target(%arg9 : memref<2000xi32, #tpu.memory_space<vmem>>) target_semaphore(%run_scoped3A : memref<!tpu.dma_semaphore, #tpu.memory_space<semaphore_mem>>)
      %dma_wait3A_275 = tpu.memref_slice %arg6[%add3A_117] : memref<1280000xi32, #tpu.memory_space<hbm>> -> memref<2000xi32, #tpu.memory_space<hbm>>
      %dma_wait3A_276 = tpu.memref_slice %arg6[%add3A_117] : memref<1280000xi32, #tpu.memory_space<hbm>> -> memref<2000xi32, #tpu.memory_space<hbm>>
      tpu.wait_dma2 semaphore(%run_scoped3A : memref<!tpu.dma_semaphore, #tpu.memory_space<semaphore_mem>>) src(%dma_wait3A_276 : memref<2000xi32, #tpu.memory_space<hbm>>) dst(%arg9 : memref<2000xi32, #tpu.memory_space<vmem>>)
      tpu.yield
    }) : () -> ()
    %add3A_118 = arith.constant 2000 : i32
    %add3A_119 = arith.addi %add3A_108, %add3A_118 : i32
    "tpu.region"() ({
      %run_scoped3A = tpu.sem_alloc : memref<!tpu.dma_semaphore, #tpu.memory_space<semaphore_mem>>
      %dma_start3A_273 = tpu.memref_slice %arg6[%add3A_119] : memref<1280000xi32, #tpu.memory_space<hbm>> -> memref<2000xi32, #tpu.memory_space<hbm>>
      %dma_start3A_274 = tpu.memref_slice %arg6[%add3A_119] : memref<1280000xi32, #tpu.memory_space<hbm>> -> memref<2000xi32, #tpu.memory_space<hbm>>
      tpu.enqueue_dma source(%dma_start3A_274 : memref<2000xi32, #tpu.memory_space<hbm>>) target(%arg10 : memref<2000xi32, #tpu.memory_space<vmem>>) target_semaphore(%run_scoped3A : memref<!tpu.dma_semaphore, #tpu.memory_space<semaphore_mem>>)
      %dma_wait3A_275 = tpu.memref_slice %arg6[%add3A_119] : memref<1280000xi32, #tpu.memory_space<hbm>> -> memref<2000xi32, #tpu.memory_space<hbm>>
      %dma_wait3A_276 = tpu.memref_slice %arg6[%add3A_119] : memref<1280000xi32, #tpu.memory_space<hbm>> -> memref<2000xi32, #tpu.memory_space<hbm>>
      tpu.wait_dma2 semaphore(%run_scoped3A : memref<!tpu.dma_semaphore, #tpu.memory_space<semaphore_mem>>) src(%dma_wait3A_276 : memref<2000xi32, #tpu.memory_space<hbm>>) dst(%arg10 : memref<2000xi32, #tpu.memory_space<vmem>>)
      tpu.yield
    }) : () -> ()
    %parallel_loop3A_120 = arith.constant 0 : i32
    %parallel_loop3A_121 = arith.constant 125 : i32
    %parallel_loop3A_122 = arith.constant 1 : i32
    scf.for %parallel_loop3A_273 = %parallel_loop3A_120 to %parallel_loop3A_121 step %parallel_loop3A_122  : i32 {
      %parallel_loop3A_274 = arith.constant 16 : i32
      %parallel_loop3A_275 = arith.muli %parallel_loop3A_273, %parallel_loop3A_274 : i32
      %parallel_loop3A_276 = arith.index_cast %parallel_loop3A_275 : i32 to index
      %parallel_loop3A_277 = tpu.vector_load %arg9[%parallel_loop3A_276] {strides = array<i32>} : memref<2000xi32, #tpu.memory_space<vmem>>, vector<16xi32>,
      %parallel_loop3A_278 = arith.constant 16 : i32
      %parallel_loop3A_279 = arith.muli %parallel_loop3A_273, %parallel_loop3A_278 : i32
      %parallel_loop3A_280 = arith.index_cast %parallel_loop3A_279 : i32 to index
      %parallel_loop3A_281 = tpu.vector_load %arg10[%parallel_loop3A_280] {strides = array<i32>} : memref<2000xi32, #tpu.memory_space<vmem>>, vector<16xi32>,
      %parallel_loop3A_282 = arith.maxsi %parallel_loop3A_277, %parallel_loop3A_281 : vector<16xi32>
      %parallel_loop3A_283 = arith.constant 16 : i32
      %parallel_loop3A_284 = arith.muli %parallel_loop3A_273, %parallel_loop3A_283 : i32
      %parallel_loop3A_285 = arith.constant 2000 : i32
      %parallel_loop3A_286 = arith.addi %parallel_loop3A_285, %parallel_loop3A_284 : i32
      %parallel_loop3A_287 = arith.index_cast %parallel_loop3A_286 : i32 to index
      %parallel_loop3A_288 = tpu.vector_load %arg7[%parallel_loop3A_287] {strides = array<i32>} : memref<10000xi32, #tpu.memory_space<vmem>>, vector<16xi32>,
      tpu.vector_store %arg7[%parallel_loop3A_287], %parallel_loop3A_282 {strides = array<i32>} : memref<10000xi32, #tpu.memory_space<vmem>>, vector<16xi32>,
    } {sc.loop_unroll_factor = 4 : i64, sc.parallel_access}
    %add3A_123 = arith.constant 4000 : i32
    %add3A_124 = arith.addi %add3A_98, %add3A_123 : i32
    "tpu.region"() ({
      %run_scoped3A = tpu.sem_alloc : memref<!tpu.dma_semaphore, #tpu.memory_space<semaphore_mem>>
      %dma_start3A_273 = tpu.memref_slice %arg6[%add3A_124] : memref<1280000xi32, #tpu.memory_space<hbm>> -> memref<2000xi32, #tpu.memory_space<hbm>>
      %dma_start3A_274 = tpu.memref_slice %arg6[%add3A_124] : memref<1280000xi32, #tpu.memory_space<hbm>> -> memref<2000xi32, #tpu.memory_space<hbm>>
      tpu.enqueue_dma source(%dma_start3A_274 : memref<2000xi32, #tpu.memory_space<hbm>>) target(%arg9 : memref<2000xi32, #tpu.memory_space<vmem>>) target_semaphore(%run_scoped3A : memref<!tpu.dma_semaphore, #tpu.memory_space<semaphore_mem>>)
      %dma_wait3A_275 = tpu.memref_slice %arg6[%add3A_124] : memref<1280000xi32, #tpu.memory_space<hbm>> -> memref<2000xi32, #tpu.memory_space<hbm>>
      %dma_wait3A_276 = tpu.memref_slice %arg6[%add3A_124] : memref<1280000xi32, #tpu.memory_space<hbm>> -> memref<2000xi32, #tpu.memory_space<hbm>>
      tpu.wait_dma2 semaphore(%run_scoped3A : memref<!tpu.dma_semaphore, #tpu.memory_space<semaphore_mem>>) src(%dma_wait3A_276 : memref<2000xi32, #tpu.memory_space<hbm>>) dst(%arg9 : memref<2000xi32, #tpu.memory_space<vmem>>)
      tpu.yield
    }) : () -> ()
    %add3A_125 = arith.constant 4000 : i32
    %add3A_126 = arith.addi %add3A_108, %add3A_125 : i32
    "tpu.region"() ({
      %run_scoped3A = tpu.sem_alloc : memref<!tpu.dma_semaphore, #tpu.memory_space<semaphore_mem>>
      %dma_start3A_273 = tpu.memref_slice %arg6[%add3A_126] : memref<1280000xi32, #tpu.memory_space<hbm>> -> memref<2000xi32, #tpu.memory_space<hbm>>
      %dma_start3A_274 = tpu.memref_slice %arg6[%add3A_126] : memref<1280000xi32, #tpu.memory_space<hbm>> -> memref<2000xi32, #tpu.memory_space<hbm>>
      tpu.enqueue_dma source(%dma_start3A_274 : memref<2000xi32, #tpu.memory_space<hbm>>) target(%arg10 : memref<2000xi32, #tpu.memory_space<vmem>>) target_semaphore(%run_scoped3A : memref<!tpu.dma_semaphore, #tpu.memory_space<semaphore_mem>>)
      %dma_wait3A_275 = tpu.memref_slice %arg6[%add3A_126] : memref<1280000xi32, #tpu.memory_space<hbm>> -> memref<2000xi32, #tpu.memory_space<hbm>>
      %dma_wait3A_276 = tpu.memref_slice %arg6[%add3A_126] : memref<1280000xi32, #tpu.memory_space<hbm>> -> memref<2000xi32, #tpu.memory_space<hbm>>
      tpu.wait_dma2 semaphore(%run_scoped3A : memref<!tpu.dma_semaphore, #tpu.memory_space<semaphore_mem>>) src(%dma_wait3A_276 : memref<2000xi32, #tpu.memory_space<hbm>>) dst(%arg10 : memref<2000xi32, #tpu.memory_space<vmem>>)
      tpu.yield
    }) : () -> ()
    %parallel_loop3A_127 = arith.constant 0 : i32
    %parallel_loop3A_128 = arith.constant 125 : i32
    %parallel_loop3A_129 = arith.constant 1 : i32
    scf.for %parallel_loop3A_273 = %parallel_loop3A_127 to %parallel_loop3A_128 step %parallel_loop3A_129  : i32 {
      %parallel_loop3A_274 = arith.constant 16 : i32
      %parallel_loop3A_275 = arith.muli %parallel_loop3A_273, %parallel_loop3A_274 : i32
      %parallel_loop3A_276 = arith.index_cast %parallel_loop3A_275 : i32 to index
      %parallel_loop3A_277 = tpu.vector_load %arg9[%parallel_loop3A_276] {strides = array<i32>} : memref<2000xi32, #tpu.memory_space<vmem>>, vector<16xi32>,
      %parallel_loop3A_278 = arith.constant 16 : i32
      %parallel_loop3A_279 = arith.muli %parallel_loop3A_273, %parallel_loop3A_278 : i32
      %parallel_loop3A_280 = arith.index_cast %parallel_loop3A_279 : i32 to index
      %parallel_loop3A_281 = tpu.vector_load %arg10[%parallel_loop3A_280] {strides = array<i32>} : memref<2000xi32, #tpu.memory_space<vmem>>, vector<16xi32>,
      %parallel_loop3A_282 = arith.maxsi %parallel_loop3A_277, %parallel_loop3A_281 : vector<16xi32>
      %parallel_loop3A_283 = arith.constant 16 : i32
      %parallel_loop3A_284 = arith.muli %parallel_loop3A_273, %parallel_loop3A_283 : i32
      %parallel_loop3A_285 = arith.constant 4000 : i32
      %parallel_loop3A_286 = arith.addi %parallel_loop3A_285, %parallel_loop3A_284 : i32
      %parallel_loop3A_287 = arith.index_cast %parallel_loop3A_286 : i32 to index
      %parallel_loop3A_288 = tpu.vector_load %arg7[%parallel_loop3A_287] {strides = array<i32>} : memref<10000xi32, #tpu.memory_space<vmem>>, vector<16xi32>,
      tpu.vector_store %arg7[%parallel_loop3A_287], %parallel_loop3A_282 {strides = array<i32>} : memref<10000xi32, #tpu.memory_space<vmem>>, vector<16xi32>,
    } {sc.loop_unroll_factor = 4 : i64, sc.parallel_access}
    %add3A_130 = arith.constant 6000 : i32
    %add3A_131 = arith.addi %add3A_98, %add3A_130 : i32
    "tpu.region"() ({
      %run_scoped3A = tpu.sem_alloc : memref<!tpu.dma_semaphore, #tpu.memory_space<semaphore_mem>>
      %dma_start3A_273 = tpu.memref_slice %arg6[%add3A_131] : memref<1280000xi32, #tpu.memory_space<hbm>> -> memref<2000xi32, #tpu.memory_space<hbm>>
      %dma_start3A_274 = tpu.memref_slice %arg6[%add3A_131] : memref<1280000xi32, #tpu.memory_space<hbm>> -> memref<2000xi32, #tpu.memory_space<hbm>>
      tpu.enqueue_dma source(%dma_start3A_274 : memref<2000xi32, #tpu.memory_space<hbm>>) target(%arg9 : memref<2000xi32, #tpu.memory_space<vmem>>) target_semaphore(%run_scoped3A : memref<!tpu.dma_semaphore, #tpu.memory_space<semaphore_mem>>)
      %dma_wait3A_275 = tpu.memref_slice %arg6[%add3A_131] : memref<1280000xi32, #tpu.memory_space<hbm>> -> memref<2000xi32, #tpu.memory_space<hbm>>
      %dma_wait3A_276 = tpu.memref_slice %arg6[%add3A_131] : memref<1280000xi32, #tpu.memory_space<hbm>> -> memref<2000xi32, #tpu.memory_space<hbm>>
      tpu.wait_dma2 semaphore(%run_scoped3A : memref<!tpu.dma_semaphore, #tpu.memory_space<semaphore_mem>>) src(%dma_wait3A_276 : memref<2000xi32, #tpu.memory_space<hbm>>) dst(%arg9 : memref<2000xi32, #tpu.memory_space<vmem>>)
      tpu.yield
    }) : () -> ()
    %add3A_132 = arith.constant 6000 : i32
    %add3A_133 = arith.addi %add3A_108, %add3A_132 : i32
    "tpu.region"() ({
      %run_scoped3A = tpu.sem_alloc : memref<!tpu.dma_semaphore, #tpu.memory_space<semaphore_mem>>
      %dma_start3A_273 = tpu.memref_slice %arg6[%add3A_133] : memref<1280000xi32, #tpu.memory_space<hbm>> -> memref<2000xi32, #tpu.memory_space<hbm>>
      %dma_start3A_274 = tpu.memref_slice %arg6[%add3A_133] : memref<1280000xi32, #tpu.memory_space<hbm>> -> memref<2000xi32, #tpu.memory_space<hbm>>
      tpu.enqueue_dma source(%dma_start3A_274 : memref<2000xi32, #tpu.memory_space<hbm>>) target(%arg10 : memref<2000xi32, #tpu.memory_space<vmem>>) target_semaphore(%run_scoped3A : memref<!tpu.dma_semaphore, #tpu.memory_space<semaphore_mem>>)
      %dma_wait3A_275 = tpu.memref_slice %arg6[%add3A_133] : memref<1280000xi32, #tpu.memory_space<hbm>> -> memref<2000xi32, #tpu.memory_space<hbm>>
      %dma_wait3A_276 = tpu.memref_slice %arg6[%add3A_133] : memref<1280000xi32, #tpu.memory_space<hbm>> -> memref<2000xi32, #tpu.memory_space<hbm>>
      tpu.wait_dma2 semaphore(%run_scoped3A : memref<!tpu.dma_semaphore, #tpu.memory_space<semaphore_mem>>) src(%dma_wait3A_276 : memref<2000xi32, #tpu.memory_space<hbm>>) dst(%arg10 : memref<2000xi32, #tpu.memory_space<vmem>>)
      tpu.yield
    }) : () -> ()
    %parallel_loop3A_134 = arith.constant 0 : i32
    %parallel_loop3A_135 = arith.constant 125 : i32
    %parallel_loop3A_136 = arith.constant 1 : i32
    scf.for %parallel_loop3A_273 = %parallel_loop3A_134 to %parallel_loop3A_135 step %parallel_loop3A_136  : i32 {
      %parallel_loop3A_274 = arith.constant 16 : i32
      %parallel_loop3A_275 = arith.muli %parallel_loop3A_273, %parallel_loop3A_274 : i32
      %parallel_loop3A_276 = arith.index_cast %parallel_loop3A_275 : i32 to index
      %parallel_loop3A_277 = tpu.vector_load %arg9[%parallel_loop3A_276] {strides = array<i32>} : memref<2000xi32, #tpu.memory_space<vmem>>, vector<16xi32>,
      %parallel_loop3A_278 = arith.constant 16 : i32
      %parallel_loop3A_279 = arith.muli %parallel_loop3A_273, %parallel_loop3A_278 : i32
      %parallel_loop3A_280 = arith.index_cast %parallel_loop3A_279 : i32 to index
      %parallel_loop3A_281 = tpu.vector_load %arg10[%parallel_loop3A_280] {strides = array<i32>} : memref<2000xi32, #tpu.memory_space<vmem>>, vector<16xi32>,
      %parallel_loop3A_282 = arith.maxsi %parallel_loop3A_277, %parallel_loop3A_281 : vector<16xi32>
      %parallel_loop3A_283 = arith.constant 16 : i32
      %parallel_loop3A_284 = arith.muli %parallel_loop3A_273, %parallel_loop3A_283 : i32
      %parallel_loop3A_285 = arith.constant 6000 : i32
      %parallel_loop3A_286 = arith.addi %parallel_loop3A_285, %parallel_loop3A_284 : i32
      %parallel_loop3A_287 = arith.index_cast %parallel_loop3A_286 : i32 to index
      %parallel_loop3A_288 = tpu.vector_load %arg7[%parallel_loop3A_287] {strides = array<i32>} : memref<10000xi32, #tpu.memory_space<vmem>>, vector<16xi32>,
      tpu.vector_store %arg7[%parallel_loop3A_287], %parallel_loop3A_282 {strides = array<i32>} : memref<10000xi32, #tpu.memory_space<vmem>>, vector<16xi32>,
    } {sc.loop_unroll_factor = 4 : i64, sc.parallel_access}
    %add3A_137 = arith.constant 8000 : i32
    %add3A_138 = arith.addi %add3A_98, %add3A_137 : i32
    "tpu.region"() ({
      %run_scoped3A = tpu.sem_alloc : memref<!tpu.dma_semaphore, #tpu.memory_space<semaphore_mem>>
      %dma_start3A_273 = tpu.memref_slice %arg6[%add3A_138] : memref<1280000xi32, #tpu.memory_space<hbm>> -> memref<2000xi32, #tpu.memory_space<hbm>>
      %dma_start3A_274 = tpu.memref_slice %arg6[%add3A_138] : memref<1280000xi32, #tpu.memory_space<hbm>> -> memref<2000xi32, #tpu.memory_space<hbm>>
      tpu.enqueue_dma source(%dma_start3A_274 : memref<2000xi32, #tpu.memory_space<hbm>>) target(%arg9 : memref<2000xi32, #tpu.memory_space<vmem>>) target_semaphore(%run_scoped3A : memref<!tpu.dma_semaphore, #tpu.memory_space<semaphore_mem>>)
      %dma_wait3A_275 = tpu.memref_slice %arg6[%add3A_138] : memref<1280000xi32, #tpu.memory_space<hbm>> -> memref<2000xi32, #tpu.memory_space<hbm>>
      %dma_wait3A_276 = tpu.memref_slice %arg6[%add3A_138] : memref<1280000xi32, #tpu.memory_space<hbm>> -> memref<2000xi32, #tpu.memory_space<hbm>>
      tpu.wait_dma2 semaphore(%run_scoped3A : memref<!tpu.dma_semaphore, #tpu.memory_space<semaphore_mem>>) src(%dma_wait3A_276 : memref<2000xi32, #tpu.memory_space<hbm>>) dst(%arg9 : memref<2000xi32, #tpu.memory_space<vmem>>)
      tpu.yield
    }) : () -> ()
    %add3A_139 = arith.constant 8000 : i32
    %add3A_140 = arith.addi %add3A_108, %add3A_139 : i32
    "tpu.region"() ({
      %run_scoped3A = tpu.sem_alloc : memref<!tpu.dma_semaphore, #tpu.memory_space<semaphore_mem>>
      %dma_start3A_273 = tpu.memref_slice %arg6[%add3A_140] : memref<1280000xi32, #tpu.memory_space<hbm>> -> memref<2000xi32, #tpu.memory_space<hbm>>
      %dma_start3A_274 = tpu.memref_slice %arg6[%add3A_140] : memref<1280000xi32, #tpu.memory_space<hbm>> -> memref<2000xi32, #tpu.memory_space<hbm>>
      tpu.enqueue_dma source(%dma_start3A_274 : memref<2000xi32, #tpu.memory_space<hbm>>) target(%arg10 : memref<2000xi32, #tpu.memory_space<vmem>>) target_semaphore(%run_scoped3A : memref<!tpu.dma_semaphore, #tpu.memory_space<semaphore_mem>>)
      %dma_wait3A_275 = tpu.memref_slice %arg6[%add3A_140] : memref<1280000xi32, #tpu.memory_space<hbm>> -> memref<2000xi32, #tpu.memory_space<hbm>>
      %dma_wait3A_276 = tpu.memref_slice %arg6[%add3A_140] : memref<1280000xi32, #tpu.memory_space<hbm>> -> memref<2000xi32, #tpu.memory_space<hbm>>
      tpu.wait_dma2 semaphore(%run_scoped3A : memref<!tpu.dma_semaphore, #tpu.memory_space<semaphore_mem>>) src(%dma_wait3A_276 : memref<2000xi32, #tpu.memory_space<hbm>>) dst(%arg10 : memref<2000xi32, #tpu.memory_space<vmem>>)
      tpu.yield
    }) : () -> ()
    %parallel_loop3A_141 = arith.constant 0 : i32
    %parallel_loop3A_142 = arith.constant 125 : i32
    %parallel_loop3A_143 = arith.constant 1 : i32
    scf.for %parallel_loop3A_273 = %parallel_loop3A_141 to %parallel_loop3A_142 step %parallel_loop3A_143  : i32 {
      %parallel_loop3A_274 = arith.constant 16 : i32
      %parallel_loop3A_275 = arith.muli %parallel_loop3A_273, %parallel_loop3A_274 : i32
      %parallel_loop3A_276 = arith.index_cast %parallel_loop3A_275 : i32 to index
      %parallel_loop3A_277 = tpu.vector_load %arg9[%parallel_loop3A_276] {strides = array<i32>} : memref<2000xi32, #tpu.memory_space<vmem>>, vector<16xi32>,
      %parallel_loop3A_278 = arith.constant 16 : i32
      %parallel_loop3A_279 = arith.muli %parallel_loop3A_273, %parallel_loop3A_278 : i32
      %parallel_loop3A_280 = arith.index_cast %parallel_loop3A_279 : i32 to index
      %parallel_loop3A_281 = tpu.vector_load %arg10[%parallel_loop3A_280] {strides = array<i32>} : memref<2000xi32, #tpu.memory_space<vmem>>, vector<16xi32>,
      %parallel_loop3A_282 = arith.maxsi %parallel_loop3A_277, %parallel_loop3A_281 : vector<16xi32>
      %parallel_loop3A_283 = arith.constant 16 : i32
      %parallel_loop3A_284 = arith.muli %parallel_loop3A_273, %parallel_loop3A_283 : i32
      %parallel_loop3A_285 = arith.constant 8000 : i32
      %parallel_loop3A_286 = arith.addi %parallel_loop3A_285, %parallel_loop3A_284 : i32
      %parallel_loop3A_287 = arith.index_cast %parallel_loop3A_286 : i32 to index
      %parallel_loop3A_288 = tpu.vector_load %arg7[%parallel_loop3A_287] {strides = array<i32>} : memref<10000xi32, #tpu.memory_space<vmem>>, vector<16xi32>,
      tpu.vector_store %arg7[%parallel_loop3A_287], %parallel_loop3A_282 {strides = array<i32>} : memref<10000xi32, #tpu.memory_space<vmem>>, vector<16xi32>,
    } {sc.loop_unroll_factor = 4 : i64, sc.parallel_access}
    %parallel_loop3A_144 = arith.constant 0 : i32
    %parallel_loop3A_145 = arith.constant 125 : i32
    %parallel_loop3A_146 = arith.constant 1 : i32
    scf.for %parallel_loop3A_273 = %parallel_loop3A_144 to %parallel_loop3A_145 step %parallel_loop3A_146  : i32 {
      %parallel_loop3A_274 = arith.constant 16 : i32
      %parallel_loop3A_275 = arith.muli %parallel_loop3A_273, %parallel_loop3A_274 : i32
      %parallel_loop3A_276 = arith.constant 0 : i32
      %parallel_loop3A_277 = arith.addi %parallel_loop3A_276, %parallel_loop3A_275 : i32
      %parallel_loop3A_278 = arith.index_cast %parallel_loop3A_277 : i32 to index
      %parallel_loop3A_279 = tpu.vector_load %arg7[%parallel_loop3A_278] {strides = array<i32>} : memref<10000xi32, #tpu.memory_space<vmem>>, vector<16xi32>,
      %parallel_loop3A_280 = arith.constant 0 : i32
      %parallel_loop3A_281 = arith.addi %mul3A_2, %parallel_loop3A_280 : i32
      %parallel_loop3A_282 = arith.constant 16 : i32
      %parallel_loop3A_283 = arith.muli %parallel_loop3A_273, %parallel_loop3A_282 : i32
      %parallel_loop3A_284 = arith.addi %parallel_loop3A_281, %parallel_loop3A_283 : i32
      %parallel_loop3A_285 = vector.broadcast %parallel_loop3A_284 : i32 to vector<16xi32>
      %parallel_loop3A_286 = arith.addi %parallel_loop3A_285, %iota3A : vector<16xi32>
      %parallel_loop3A_287 = arith.constant 0 : i32
      %parallel_loop3A_288 = vector.broadcast %parallel_loop3A_287 : i32 to vector<16xi32>
      %parallel_loop3A_289 = arith.cmpi slt, %parallel_loop3A_279, %parallel_loop3A_288 : vector<16xi32>
      %parallel_loop3A_290 = arith.select %parallel_loop3A_289, %parallel_loop3A_286, %parallel_loop3A_279 : vector<16xi1>, vector<16xi32>
      %parallel_loop3A_291 = arith.constant 16 : i32
      %parallel_loop3A_292 = arith.muli %parallel_loop3A_273, %parallel_loop3A_291 : i32
      %parallel_loop3A_293 = arith.index_cast %parallel_loop3A_292 : i32 to index
      %parallel_loop3A_294 = tpu.vector_load %arg13[%parallel_loop3A_293] {strides = array<i32>} : memref<2000xi32, #tpu.memory_space<vmem>>, vector<16xi32>,
      tpu.vector_store %arg13[%parallel_loop3A_293], %parallel_loop3A_290 {strides = array<i32>} : memref<2000xi32, #tpu.memory_space<vmem>>, vector<16xi32>,
    } {sc.loop_unroll_factor = 4 : i64, sc.parallel_access}
    %dma_start3A_147 = arith.constant 0 : i32
    %dma_start3A_148 = tpu.memref_slice %arg3[%dma_start3A_147] : memref<320000xi32, #tpu.memory_space<hbm>> -> memref<320000xi32, #tpu.memory_space<hbm>>
    tpu.enqueue_indirect_dma source(%dma_start3A_148 : memref<320000xi32, #tpu.memory_space<hbm>>) target(%arg15 : memref<2000xi32, #tpu.memory_space<vmem>>) offsets(%arg13 : memref<2000xi32, #tpu.memory_space<vmem>>) semaphore(%arg20 : memref<!tpu.dma_semaphore, #tpu.memory_space<semaphore_mem>>)
    %dma_wait3A = arith.constant 0 : i32
    %dma_wait3A_149 = tpu.memref_slice %arg3[%dma_wait3A] : memref<320000xi32, #tpu.memory_space<hbm>> -> memref<320000xi32, #tpu.memory_space<hbm>>
    tpu.wait_indirect_dma semaphore(%arg20 : memref<!tpu.dma_semaphore, #tpu.memory_space<semaphore_mem>>) src(%dma_wait3A_149 : memref<320000xi32, #tpu.memory_space<hbm>>) dst(%arg15 : memref<2000xi32, #tpu.memory_space<vmem>>)
    %parallel_loop3A_150 = arith.constant 0 : i32
    %parallel_loop3A_151 = arith.constant 125 : i32
    %parallel_loop3A_152 = arith.constant 1 : i32
    scf.for %parallel_loop3A_273 = %parallel_loop3A_150 to %parallel_loop3A_151 step %parallel_loop3A_152  : i32 {
      %parallel_loop3A_274 = arith.constant 16 : i32
      %parallel_loop3A_275 = arith.muli %parallel_loop3A_273, %parallel_loop3A_274 : i32
      %parallel_loop3A_276 = arith.constant 0 : i32
      %parallel_loop3A_277 = arith.addi %parallel_loop3A_276, %parallel_loop3A_275 : i32
      %parallel_loop3A_278 = arith.index_cast %parallel_loop3A_277 : i32 to index
      %parallel_loop3A_279 = tpu.vector_load %arg7[%parallel_loop3A_278] {strides = array<i32>} : memref<10000xi32, #tpu.memory_space<vmem>>, vector<16xi32>,
      %parallel_loop3A_280 = arith.constant 16 : i32
      %parallel_loop3A_281 = arith.muli %parallel_loop3A_273, %parallel_loop3A_280 : i32
      %parallel_loop3A_282 = arith.index_cast %parallel_loop3A_281 : i32 to index
      %parallel_loop3A_283 = tpu.vector_load %arg15[%parallel_loop3A_282] {strides = array<i32>} : memref<2000xi32, #tpu.memory_space<vmem>>, vector<16xi32>,
      %parallel_loop3A_284 = arith.constant 16 : i32
      %parallel_loop3A_285 = arith.muli %parallel_loop3A_273, %parallel_loop3A_284 : i32
      %parallel_loop3A_286 = arith.constant 0 : i32
      %parallel_loop3A_287 = arith.addi %parallel_loop3A_286, %parallel_loop3A_285 : i32
      %parallel_loop3A_288 = vector.broadcast %parallel_loop3A_287 : i32 to vector<16xi32>
      %parallel_loop3A_289 = arith.addi %parallel_loop3A_288, %iota3A : vector<16xi32>
      %parallel_loop3A_290 = arith.constant 1023 : i32
      %parallel_loop3A_291 = vector.broadcast %parallel_loop3A_290 : i32 to vector<16xi32>
      %parallel_loop3A_292 = arith.andi %parallel_loop3A_289, %parallel_loop3A_291 : vector<16xi32>
      %parallel_loop3A_293 = arith.constant 10000 : i32
      %parallel_loop3A_294 = vector.broadcast %parallel_loop3A_293 : i32 to vector<16xi32>
      %parallel_loop3A_295 = arith.addi %parallel_loop3A_294, %parallel_loop3A_292 : vector<16xi32>
      %parallel_loop3A_296 = arith.constant 0 : i32
      %parallel_loop3A_297 = vector.broadcast %parallel_loop3A_296 : i32 to vector<16xi32>
      %parallel_loop3A_298 = arith.cmpi slt, %parallel_loop3A_279, %parallel_loop3A_297 : vector<16xi32>
      %parallel_loop3A_299 = arith.select %parallel_loop3A_298, %parallel_loop3A_295, %parallel_loop3A_283 : vector<16xi1>, vector<16xi32>
      %parallel_loop3A_300 = arith.constant 16 : i32
      %parallel_loop3A_301 = arith.muli %parallel_loop3A_273, %parallel_loop3A_300 : i32
      %parallel_loop3A_302 = arith.index_cast %parallel_loop3A_301 : i32 to index
      %parallel_loop3A_303 = tpu.vector_load %arg15[%parallel_loop3A_302] {strides = array<i32>} : memref<2000xi32, #tpu.memory_space<vmem>>, vector<16xi32>,
      tpu.vector_store %arg15[%parallel_loop3A_302], %parallel_loop3A_299 {strides = array<i32>} : memref<2000xi32, #tpu.memory_space<vmem>>, vector<16xi32>,
    } {sc.loop_unroll_factor = 4 : i64, sc.parallel_access}
    %dma_start3A_153 = arith.constant 0 : i32
    %dma_start3A_154 = arith.constant 0 : i32
    %dma_start3A_155 = tpu.memref_slice %arg4[%dma_start3A_153, %dma_start3A_154] : memref<11264x16xf32, #tpu.memory_space<hbm>> -> memref<11264x16xf32, #tpu.memory_space<hbm>>
    tpu.enqueue_indirect_dma source(%dma_start3A_155 : memref<11264x16xf32, #tpu.memory_space<hbm>>) target(%arg17 : memref<2000x16xf32, #tpu.memory_space<vmem>>) offsets(%arg15 : memref<2000xi32, #tpu.memory_space<vmem>>) semaphore(%arg22 : memref<!tpu.dma_semaphore, #tpu.memory_space<semaphore_mem>>)
    %parallel_loop3A_156 = arith.constant 0 : i32
    %parallel_loop3A_157 = arith.constant 125 : i32
    %parallel_loop3A_158 = arith.constant 1 : i32
    scf.for %parallel_loop3A_273 = %parallel_loop3A_156 to %parallel_loop3A_157 step %parallel_loop3A_158  : i32 {
      %parallel_loop3A_274 = arith.constant 16 : i32
      %parallel_loop3A_275 = arith.muli %parallel_loop3A_273, %parallel_loop3A_274 : i32
      %parallel_loop3A_276 = arith.constant 2000 : i32
      %parallel_loop3A_277 = arith.addi %parallel_loop3A_276, %parallel_loop3A_275 : i32
      %parallel_loop3A_278 = arith.index_cast %parallel_loop3A_277 : i32 to index
      %parallel_loop3A_279 = tpu.vector_load %arg7[%parallel_loop3A_278] {strides = array<i32>} : memref<10000xi32, #tpu.memory_space<vmem>>, vector<16xi32>,
      %parallel_loop3A_280 = arith.constant 2000 : i32
      %parallel_loop3A_281 = arith.addi %mul3A_2, %parallel_loop3A_280 : i32
      %parallel_loop3A_282 = arith.constant 16 : i32
      %parallel_loop3A_283 = arith.muli %parallel_loop3A_273, %parallel_loop3A_282 : i32
      %parallel_loop3A_284 = arith.addi %parallel_loop3A_281, %parallel_loop3A_283 : i32
      %parallel_loop3A_285 = vector.broadcast %parallel_loop3A_284 : i32 to vector<16xi32>
      %parallel_loop3A_286 = arith.addi %parallel_loop3A_285, %iota3A : vector<16xi32>
      %parallel_loop3A_287 = arith.constant 0 : i32
      %parallel_loop3A_288 = vector.broadcast %parallel_loop3A_287 : i32 to vector<16xi32>
      %parallel_loop3A_289 = arith.cmpi slt, %parallel_loop3A_279, %parallel_loop3A_288 : vector<16xi32>
      %parallel_loop3A_290 = arith.select %parallel_loop3A_289, %parallel_loop3A_286, %parallel_loop3A_279 : vector<16xi1>, vector<16xi32>
      %parallel_loop3A_291 = arith.constant 16 : i32
      %parallel_loop3A_292 = arith.muli %parallel_loop3A_273, %parallel_loop3A_291 : i32
      %parallel_loop3A_293 = arith.index_cast %parallel_loop3A_292 : i32 to index
      %parallel_loop3A_294 = tpu.vector_load %arg14[%parallel_loop3A_293] {strides = array<i32>} : memref<2000xi32, #tpu.memory_space<vmem>>, vector<16xi32>,
      tpu.vector_store %arg14[%parallel_loop3A_293], %parallel_loop3A_290 {strides = array<i32>} : memref<2000xi32, #tpu.memory_space<vmem>>, vector<16xi32>,
    } {sc.loop_unroll_factor = 4 : i64, sc.parallel_access}
    %dma_start3A_159 = arith.constant 0 : i32
    %dma_start3A_160 = tpu.memref_slice %arg3[%dma_start3A_159] : memref<320000xi32, #tpu.memory_space<hbm>> -> memref<320000xi32, #tpu.memory_space<hbm>>
    tpu.enqueue_indirect_dma source(%dma_start3A_160 : memref<320000xi32, #tpu.memory_space<hbm>>) target(%arg16 : memref<2000xi32, #tpu.memory_space<vmem>>) offsets(%arg14 : memref<2000xi32, #tpu.memory_space<vmem>>) semaphore(%arg21 : memref<!tpu.dma_semaphore, #tpu.memory_space<semaphore_mem>>)
    %dma_wait3A_161 = arith.constant 0 : i32
    %dma_wait3A_162 = arith.constant 0 : i32
    %dma_wait3A_163 = tpu.memref_slice %arg4[%dma_wait3A_161, %dma_wait3A_162] : memref<11264x16xf32, #tpu.memory_space<hbm>> -> memref<11264x16xf32, #tpu.memory_space<hbm>>
    tpu.wait_indirect_dma semaphore(%arg22 : memref<!tpu.dma_semaphore, #tpu.memory_space<semaphore_mem>>) src(%dma_wait3A_163 : memref<11264x16xf32, #tpu.memory_space<hbm>>) dst(%arg17 : memref<2000x16xf32, #tpu.memory_space<vmem>>)
    %add3A_164 = arith.constant 0 : i32
    %add3A_165 = arith.addi %mul3A_2, %add3A_164 : i32
    %dma_start3A_166 = arith.constant 0 : i32
    %dma_start3A_167 = tpu.memref_slice %arg5[%add3A_165, %dma_start3A_166] : memref<320000x16xf32, #tpu.memory_space<hbm>> -> memref<2000x16xf32, #tpu.memory_space<hbm>>
    %dma_start3A_168 = arith.constant 0 : i32
    %dma_start3A_169 = tpu.memref_slice %arg5[%add3A_165, %dma_start3A_168] : memref<320000x16xf32, #tpu.memory_space<hbm>> -> memref<2000x16xf32, #tpu.memory_space<hbm>>
    tpu.enqueue_dma source(%arg17 : memref<2000x16xf32, #tpu.memory_space<vmem>>) target(%dma_start3A_169 : memref<2000x16xf32, #tpu.memory_space<hbm>>) target_semaphore(%arg23 : memref<!tpu.dma_semaphore, #tpu.memory_space<semaphore_mem>>)
    %dma_wait3A_170 = arith.constant 0 : i32
    %dma_wait3A_171 = tpu.memref_slice %arg3[%dma_wait3A_170] : memref<320000xi32, #tpu.memory_space<hbm>> -> memref<320000xi32, #tpu.memory_space<hbm>>
    tpu.wait_indirect_dma semaphore(%arg21 : memref<!tpu.dma_semaphore, #tpu.memory_space<semaphore_mem>>) src(%dma_wait3A_171 : memref<320000xi32, #tpu.memory_space<hbm>>) dst(%arg16 : memref<2000xi32, #tpu.memory_space<vmem>>)
    %parallel_loop3A_172 = arith.constant 0 : i32
    %parallel_loop3A_173 = arith.constant 125 : i32
    %parallel_loop3A_174 = arith.constant 1 : i32
    scf.for %parallel_loop3A_273 = %parallel_loop3A_172 to %parallel_loop3A_173 step %parallel_loop3A_174  : i32 {
      %parallel_loop3A_274 = arith.constant 16 : i32
      %parallel_loop3A_275 = arith.muli %parallel_loop3A_273, %parallel_loop3A_274 : i32
      %parallel_loop3A_276 = arith.constant 2000 : i32
      %parallel_loop3A_277 = arith.addi %parallel_loop3A_276, %parallel_loop3A_275 : i32
      %parallel_loop3A_278 = arith.index_cast %parallel_loop3A_277 : i32 to index
      %parallel_loop3A_279 = tpu.vector_load %arg7[%parallel_loop3A_278] {strides = array<i32>} : memref<10000xi32, #tpu.memory_space<vmem>>, vector<16xi32>,
      %parallel_loop3A_280 = arith.constant 16 : i32
      %parallel_loop3A_281 = arith.muli %parallel_loop3A_273, %parallel_loop3A_280 : i32
      %parallel_loop3A_282 = arith.index_cast %parallel_loop3A_281 : i32 to index
      %parallel_loop3A_283 = tpu.vector_load %arg16[%parallel_loop3A_282] {strides = array<i32>} : memref<2000xi32, #tpu.memory_space<vmem>>, vector<16xi32>,
      %parallel_loop3A_284 = arith.constant 16 : i32
      %parallel_loop3A_285 = arith.muli %parallel_loop3A_273, %parallel_loop3A_284 : i32
      %parallel_loop3A_286 = arith.constant 2000 : i32
      %parallel_loop3A_287 = arith.addi %parallel_loop3A_286, %parallel_loop3A_285 : i32
      %parallel_loop3A_288 = vector.broadcast %parallel_loop3A_287 : i32 to vector<16xi32>
      %parallel_loop3A_289 = arith.addi %parallel_loop3A_288, %iota3A : vector<16xi32>
      %parallel_loop3A_290 = arith.constant 1023 : i32
      %parallel_loop3A_291 = vector.broadcast %parallel_loop3A_290 : i32 to vector<16xi32>
      %parallel_loop3A_292 = arith.andi %parallel_loop3A_289, %parallel_loop3A_291 : vector<16xi32>
      %parallel_loop3A_293 = arith.constant 10000 : i32
      %parallel_loop3A_294 = vector.broadcast %parallel_loop3A_293 : i32 to vector<16xi32>
      %parallel_loop3A_295 = arith.addi %parallel_loop3A_294, %parallel_loop3A_292 : vector<16xi32>
      %parallel_loop3A_296 = arith.constant 0 : i32
      %parallel_loop3A_297 = vector.broadcast %parallel_loop3A_296 : i32 to vector<16xi32>
      %parallel_loop3A_298 = arith.cmpi slt, %parallel_loop3A_279, %parallel_loop3A_297 : vector<16xi32>
      %parallel_loop3A_299 = arith.select %parallel_loop3A_298, %parallel_loop3A_295, %parallel_loop3A_283 : vector<16xi1>, vector<16xi32>
      %parallel_loop3A_300 = arith.constant 16 : i32
      %parallel_loop3A_301 = arith.muli %parallel_loop3A_273, %parallel_loop3A_300 : i32
      %parallel_loop3A_302 = arith.index_cast %parallel_loop3A_301 : i32 to index
      %parallel_loop3A_303 = tpu.vector_load %arg16[%parallel_loop3A_302] {strides = array<i32>} : memref<2000xi32, #tpu.memory_space<vmem>>, vector<16xi32>,
      tpu.vector_store %arg16[%parallel_loop3A_302], %parallel_loop3A_299 {strides = array<i32>} : memref<2000xi32, #tpu.memory_space<vmem>>, vector<16xi32>,
    } {sc.loop_unroll_factor = 4 : i64, sc.parallel_access}
    %dma_wait3A_175 = arith.constant 0 : i32
    %dma_wait3A_176 = tpu.memref_slice %arg5[%add3A_165, %dma_wait3A_175] : memref<320000x16xf32, #tpu.memory_space<hbm>> -> memref<2000x16xf32, #tpu.memory_space<hbm>>
    %dma_wait3A_177 = arith.constant 0 : i32
    %dma_wait3A_178 = tpu.memref_slice %arg5[%add3A_165, %dma_wait3A_177] : memref<320000x16xf32, #tpu.memory_space<hbm>> -> memref<2000x16xf32, #tpu.memory_space<hbm>>
    tpu.wait_dma2 semaphore(%arg23 : memref<!tpu.dma_semaphore, #tpu.memory_space<semaphore_mem>>) src(%arg17 : memref<2000x16xf32, #tpu.memory_space<vmem>>) dst(%dma_wait3A_178 : memref<2000x16xf32, #tpu.memory_space<hbm>>)
    %dma_start3A_179 = arith.constant 0 : i32
    %dma_start3A_180 = arith.constant 0 : i32
    %dma_start3A_181 = tpu.memref_slice %arg4[%dma_start3A_179, %dma_start3A_180] : memref<11264x16xf32, #tpu.memory_space<hbm>> -> memref<11264x16xf32, #tpu.memory_space<hbm>>
    tpu.enqueue_indirect_dma source(%dma_start3A_181 : memref<11264x16xf32, #tpu.memory_space<hbm>>) target(%arg17 : memref<2000x16xf32, #tpu.memory_space<vmem>>) offsets(%arg16 : memref<2000xi32, #tpu.memory_space<vmem>>) semaphore(%arg22 : memref<!tpu.dma_semaphore, #tpu.memory_space<semaphore_mem>>)
    %parallel_loop3A_182 = arith.constant 0 : i32
    %parallel_loop3A_183 = arith.constant 125 : i32
    %parallel_loop3A_184 = arith.constant 1 : i32
    scf.for %parallel_loop3A_273 = %parallel_loop3A_182 to %parallel_loop3A_183 step %parallel_loop3A_184  : i32 {
      %parallel_loop3A_274 = arith.constant 16 : i32
      %parallel_loop3A_275 = arith.muli %parallel_loop3A_273, %parallel_loop3A_274 : i32
      %parallel_loop3A_276 = arith.constant 4000 : i32
      %parallel_loop3A_277 = arith.addi %parallel_loop3A_276, %parallel_loop3A_275 : i32
      %parallel_loop3A_278 = arith.index_cast %parallel_loop3A_277 : i32 to index
      %parallel_loop3A_279 = tpu.vector_load %arg7[%parallel_loop3A_278] {strides = array<i32>} : memref<10000xi32, #tpu.memory_space<vmem>>, vector<16xi32>,
      %parallel_loop3A_280 = arith.constant 4000 : i32
      %parallel_loop3A_281 = arith.addi %mul3A_2, %parallel_loop3A_280 : i32
      %parallel_loop3A_282 = arith.constant 16 : i32
      %parallel_loop3A_283 = arith.muli %parallel_loop3A_273, %parallel_loop3A_282 : i32
      %parallel_loop3A_284 = arith.addi %parallel_loop3A_281, %parallel_loop3A_283 : i32
      %parallel_loop3A_285 = vector.broadcast %parallel_loop3A_284 : i32 to vector<16xi32>
      %parallel_loop3A_286 = arith.addi %parallel_loop3A_285, %iota3A : vector<16xi32>
      %parallel_loop3A_287 = arith.constant 0 : i32
      %parallel_loop3A_288 = vector.broadcast %parallel_loop3A_287 : i32 to vector<16xi32>
      %parallel_loop3A_289 = arith.cmpi slt, %parallel_loop3A_279, %parallel_loop3A_288 : vector<16xi32>
      %parallel_loop3A_290 = arith.select %parallel_loop3A_289, %parallel_loop3A_286, %parallel_loop3A_279 : vector<16xi1>, vector<16xi32>
      %parallel_loop3A_291 = arith.constant 16 : i32
      %parallel_loop3A_292 = arith.muli %parallel_loop3A_273, %parallel_loop3A_291 : i32
      %parallel_loop3A_293 = arith.index_cast %parallel_loop3A_292 : i32 to index
      %parallel_loop3A_294 = tpu.vector_load %arg13[%parallel_loop3A_293] {strides = array<i32>} : memref<2000xi32, #tpu.memory_space<vmem>>, vector<16xi32>,
      tpu.vector_store %arg13[%parallel_loop3A_293], %parallel_loop3A_290 {strides = array<i32>} : memref<2000xi32, #tpu.memory_space<vmem>>, vector<16xi32>,
    } {sc.loop_unroll_factor = 4 : i64, sc.parallel_access}
    %dma_start3A_185 = arith.constant 0 : i32
    %dma_start3A_186 = tpu.memref_slice %arg3[%dma_start3A_185] : memref<320000xi32, #tpu.memory_space<hbm>> -> memref<320000xi32, #tpu.memory_space<hbm>>
    tpu.enqueue_indirect_dma source(%dma_start3A_186 : memref<320000xi32, #tpu.memory_space<hbm>>) target(%arg15 : memref<2000xi32, #tpu.memory_space<vmem>>) offsets(%arg13 : memref<2000xi32, #tpu.memory_space<vmem>>) semaphore(%arg20 : memref<!tpu.dma_semaphore, #tpu.memory_space<semaphore_mem>>)
    %dma_wait3A_187 = arith.constant 0 : i32
    %dma_wait3A_188 = arith.constant 0 : i32
    %dma_wait3A_189 = tpu.memref_slice %arg4[%dma_wait3A_187, %dma_wait3A_188] : memref<11264x16xf32, #tpu.memory_space<hbm>> -> memref<11264x16xf32, #tpu.memory_space<hbm>>
    tpu.wait_indirect_dma semaphore(%arg22 : memref<!tpu.dma_semaphore, #tpu.memory_space<semaphore_mem>>) src(%dma_wait3A_189 : memref<11264x16xf32, #tpu.memory_space<hbm>>) dst(%arg17 : memref<2000x16xf32, #tpu.memory_space<vmem>>)
    %add3A_190 = arith.constant 2000 : i32
    %add3A_191 = arith.addi %mul3A_2, %add3A_190 : i32
    %dma_start3A_192 = arith.constant 0 : i32
    %dma_start3A_193 = tpu.memref_slice %arg5[%add3A_191, %dma_start3A_192] : memref<320000x16xf32, #tpu.memory_space<hbm>> -> memref<2000x16xf32, #tpu.memory_space<hbm>>
    %dma_start3A_194 = arith.constant 0 : i32
    %dma_start3A_195 = tpu.memref_slice %arg5[%add3A_191, %dma_start3A_194] : memref<320000x16xf32, #tpu.memory_space<hbm>> -> memref<2000x16xf32, #tpu.memory_space<hbm>>
    tpu.enqueue_dma source(%arg17 : memref<2000x16xf32, #tpu.memory_space<vmem>>) target(%dma_start3A_195 : memref<2000x16xf32, #tpu.memory_space<hbm>>) target_semaphore(%arg23 : memref<!tpu.dma_semaphore, #tpu.memory_space<semaphore_mem>>)
    %dma_wait3A_196 = arith.constant 0 : i32
    %dma_wait3A_197 = tpu.memref_slice %arg3[%dma_wait3A_196] : memref<320000xi32, #tpu.memory_space<hbm>> -> memref<320000xi32, #tpu.memory_space<hbm>>
    tpu.wait_indirect_dma semaphore(%arg20 : memref<!tpu.dma_semaphore, #tpu.memory_space<semaphore_mem>>) src(%dma_wait3A_197 : memref<320000xi32, #tpu.memory_space<hbm>>) dst(%arg15 : memref<2000xi32, #tpu.memory_space<vmem>>)
    %parallel_loop3A_198 = arith.constant 0 : i32
    %parallel_loop3A_199 = arith.constant 125 : i32
    %parallel_loop3A_200 = arith.constant 1 : i32
    scf.for %parallel_loop3A_273 = %parallel_loop3A_198 to %parallel_loop3A_199 step %parallel_loop3A_200  : i32 {
      %parallel_loop3A_274 = arith.constant 16 : i32
      %parallel_loop3A_275 = arith.muli %parallel_loop3A_273, %parallel_loop3A_274 : i32
      %parallel_loop3A_276 = arith.constant 4000 : i32
      %parallel_loop3A_277 = arith.addi %parallel_loop3A_276, %parallel_loop3A_275 : i32
      %parallel_loop3A_278 = arith.index_cast %parallel_loop3A_277 : i32 to index
      %parallel_loop3A_279 = tpu.vector_load %arg7[%parallel_loop3A_278] {strides = array<i32>} : memref<10000xi32, #tpu.memory_space<vmem>>, vector<16xi32>,
      %parallel_loop3A_280 = arith.constant 16 : i32
      %parallel_loop3A_281 = arith.muli %parallel_loop3A_273, %parallel_loop3A_280 : i32
      %parallel_loop3A_282 = arith.index_cast %parallel_loop3A_281 : i32 to index
      %parallel_loop3A_283 = tpu.vector_load %arg15[%parallel_loop3A_282] {strides = array<i32>} : memref<2000xi32, #tpu.memory_space<vmem>>, vector<16xi32>,
      %parallel_loop3A_284 = arith.constant 16 : i32
      %parallel_loop3A_285 = arith.muli %parallel_loop3A_273, %parallel_loop3A_284 : i32
      %parallel_loop3A_286 = arith.constant 4000 : i32
      %parallel_loop3A_287 = arith.addi %parallel_loop3A_286, %parallel_loop3A_285 : i32
      %parallel_loop3A_288 = vector.broadcast %parallel_loop3A_287 : i32 to vector<16xi32>
      %parallel_loop3A_289 = arith.addi %parallel_loop3A_288, %iota3A : vector<16xi32>
      %parallel_loop3A_290 = arith.constant 1023 : i32
      %parallel_loop3A_291 = vector.broadcast %parallel_loop3A_290 : i32 to vector<16xi32>
      %parallel_loop3A_292 = arith.andi %parallel_loop3A_289, %parallel_loop3A_291 : vector<16xi32>
      %parallel_loop3A_293 = arith.constant 10000 : i32
      %parallel_loop3A_294 = vector.broadcast %parallel_loop3A_293 : i32 to vector<16xi32>
      %parallel_loop3A_295 = arith.addi %parallel_loop3A_294, %parallel_loop3A_292 : vector<16xi32>
      %parallel_loop3A_296 = arith.constant 0 : i32
      %parallel_loop3A_297 = vector.broadcast %parallel_loop3A_296 : i32 to vector<16xi32>
      %parallel_loop3A_298 = arith.cmpi slt, %parallel_loop3A_279, %parallel_loop3A_297 : vector<16xi32>
      %parallel_loop3A_299 = arith.select %parallel_loop3A_298, %parallel_loop3A_295, %parallel_loop3A_283 : vector<16xi1>, vector<16xi32>
      %parallel_loop3A_300 = arith.constant 16 : i32
      %parallel_loop3A_301 = arith.muli %parallel_loop3A_273, %parallel_loop3A_300 : i32
      %parallel_loop3A_302 = arith.index_cast %parallel_loop3A_301 : i32 to index
      %parallel_loop3A_303 = tpu.vector_load %arg15[%parallel_loop3A_302] {strides = array<i32>} : memref<2000xi32, #tpu.memory_space<vmem>>, vector<16xi32>,
      tpu.vector_store %arg15[%parallel_loop3A_302], %parallel_loop3A_299 {strides = array<i32>} : memref<2000xi32, #tpu.memory_space<vmem>>, vector<16xi32>,
    } {sc.loop_unroll_factor = 4 : i64, sc.parallel_access}
    %dma_wait3A_201 = arith.constant 0 : i32
    %dma_wait3A_202 = tpu.memref_slice %arg5[%add3A_191, %dma_wait3A_201] : memref<320000x16xf32, #tpu.memory_space<hbm>> -> memref<2000x16xf32, #tpu.memory_space<hbm>>
    %dma_wait3A_203 = arith.constant 0 : i32
    %dma_wait3A_204 = tpu.memref_slice %arg5[%add3A_191, %dma_wait3A_203] : memref<320000x16xf32, #tpu.memory_space<hbm>> -> memref<2000x16xf32, #tpu.memory_space<hbm>>
    tpu.wait_dma2 semaphore(%arg23 : memref<!tpu.dma_semaphore, #tpu.memory_space<semaphore_mem>>) src(%arg17 : memref<2000x16xf32, #tpu.memory_space<vmem>>) dst(%dma_wait3A_204 : memref<2000x16xf32, #tpu.memory_space<hbm>>)
    %dma_start3A_205 = arith.constant 0 : i32
    %dma_start3A_206 = arith.constant 0 : i32
    %dma_start3A_207 = tpu.memref_slice %arg4[%dma_start3A_205, %dma_start3A_206] : memref<11264x16xf32, #tpu.memory_space<hbm>> -> memref<11264x16xf32, #tpu.memory_space<hbm>>
    tpu.enqueue_indirect_dma source(%dma_start3A_207 : memref<11264x16xf32, #tpu.memory_space<hbm>>) target(%arg17 : memref<2000x16xf32, #tpu.memory_space<vmem>>) offsets(%arg15 : memref<2000xi32, #tpu.memory_space<vmem>>) semaphore(%arg22 : memref<!tpu.dma_semaphore, #tpu.memory_space<semaphore_mem>>)
    %parallel_loop3A_208 = arith.constant 0 : i32
    %parallel_loop3A_209 = arith.constant 125 : i32
    %parallel_loop3A_210 = arith.constant 1 : i32
    scf.for %parallel_loop3A_273 = %parallel_loop3A_208 to %parallel_loop3A_209 step %parallel_loop3A_210  : i32 {
      %parallel_loop3A_274 = arith.constant 16 : i32
      %parallel_loop3A_275 = arith.muli %parallel_loop3A_273, %parallel_loop3A_274 : i32
      %parallel_loop3A_276 = arith.constant 6000 : i32
      %parallel_loop3A_277 = arith.addi %parallel_loop3A_276, %parallel_loop3A_275 : i32
      %parallel_loop3A_278 = arith.index_cast %parallel_loop3A_277 : i32 to index
      %parallel_loop3A_279 = tpu.vector_load %arg7[%parallel_loop3A_278] {strides = array<i32>} : memref<10000xi32, #tpu.memory_space<vmem>>, vector<16xi32>,
      %parallel_loop3A_280 = arith.constant 6000 : i32
      %parallel_loop3A_281 = arith.addi %mul3A_2, %parallel_loop3A_280 : i32
      %parallel_loop3A_282 = arith.constant 16 : i32
      %parallel_loop3A_283 = arith.muli %parallel_loop3A_273, %parallel_loop3A_282 : i32
      %parallel_loop3A_284 = arith.addi %parallel_loop3A_281, %parallel_loop3A_283 : i32
      %parallel_loop3A_285 = vector.broadcast %parallel_loop3A_284 : i32 to vector<16xi32>
      %parallel_loop3A_286 = arith.addi %parallel_loop3A_285, %iota3A : vector<16xi32>
      %parallel_loop3A_287 = arith.constant 0 : i32
      %parallel_loop3A_288 = vector.broadcast %parallel_loop3A_287 : i32 to vector<16xi32>
      %parallel_loop3A_289 = arith.cmpi slt, %parallel_loop3A_279, %parallel_loop3A_288 : vector<16xi32>
      %parallel_loop3A_290 = arith.select %parallel_loop3A_289, %parallel_loop3A_286, %parallel_loop3A_279 : vector<16xi1>, vector<16xi32>
      %parallel_loop3A_291 = arith.constant 16 : i32
      %parallel_loop3A_292 = arith.muli %parallel_loop3A_273, %parallel_loop3A_291 : i32
      %parallel_loop3A_293 = arith.index_cast %parallel_loop3A_292 : i32 to index
      %parallel_loop3A_294 = tpu.vector_load %arg14[%parallel_loop3A_293] {strides = array<i32>} : memref<2000xi32, #tpu.memory_space<vmem>>, vector<16xi32>,
      tpu.vector_store %arg14[%parallel_loop3A_293], %parallel_loop3A_290 {strides = array<i32>} : memref<2000xi32, #tpu.memory_space<vmem>>, vector<16xi32>,
    } {sc.loop_unroll_factor = 4 : i64, sc.parallel_access}
    %dma_start3A_211 = arith.constant 0 : i32
    %dma_start3A_212 = tpu.memref_slice %arg3[%dma_start3A_211] : memref<320000xi32, #tpu.memory_space<hbm>> -> memref<320000xi32, #tpu.memory_space<hbm>>
    tpu.enqueue_indirect_dma source(%dma_start3A_212 : memref<320000xi32, #tpu.memory_space<hbm>>) target(%arg16 : memref<2000xi32, #tpu.memory_space<vmem>>) offsets(%arg14 : memref<2000xi32, #tpu.memory_space<vmem>>) semaphore(%arg21 : memref<!tpu.dma_semaphore, #tpu.memory_space<semaphore_mem>>)
    %dma_wait3A_213 = arith.constant 0 : i32
    %dma_wait3A_214 = arith.constant 0 : i32
    %dma_wait3A_215 = tpu.memref_slice %arg4[%dma_wait3A_213, %dma_wait3A_214] : memref<11264x16xf32, #tpu.memory_space<hbm>> -> memref<11264x16xf32, #tpu.memory_space<hbm>>
    tpu.wait_indirect_dma semaphore(%arg22 : memref<!tpu.dma_semaphore, #tpu.memory_space<semaphore_mem>>) src(%dma_wait3A_215 : memref<11264x16xf32, #tpu.memory_space<hbm>>) dst(%arg17 : memref<2000x16xf32, #tpu.memory_space<vmem>>)
    %add3A_216 = arith.constant 4000 : i32
    %add3A_217 = arith.addi %mul3A_2, %add3A_216 : i32
    %dma_start3A_218 = arith.constant 0 : i32
    %dma_start3A_219 = tpu.memref_slice %arg5[%add3A_217, %dma_start3A_218] : memref<320000x16xf32, #tpu.memory_space<hbm>> -> memref<2000x16xf32, #tpu.memory_space<hbm>>
    %dma_start3A_220 = arith.constant 0 : i32
    %dma_start3A_221 = tpu.memref_slice %arg5[%add3A_217, %dma_start3A_220] : memref<320000x16xf32, #tpu.memory_space<hbm>> -> memref<2000x16xf32, #tpu.memory_space<hbm>>
    tpu.enqueue_dma source(%arg17 : memref<2000x16xf32, #tpu.memory_space<vmem>>) target(%dma_start3A_221 : memref<2000x16xf32, #tpu.memory_space<hbm>>) target_semaphore(%arg23 : memref<!tpu.dma_semaphore, #tpu.memory_space<semaphore_mem>>)
    %dma_wait3A_222 = arith.constant 0 : i32
    %dma_wait3A_223 = tpu.memref_slice %arg3[%dma_wait3A_222] : memref<320000xi32, #tpu.memory_space<hbm>> -> memref<320000xi32, #tpu.memory_space<hbm>>
    tpu.wait_indirect_dma semaphore(%arg21 : memref<!tpu.dma_semaphore, #tpu.memory_space<semaphore_mem>>) src(%dma_wait3A_223 : memref<320000xi32, #tpu.memory_space<hbm>>) dst(%arg16 : memref<2000xi32, #tpu.memory_space<vmem>>)
    %parallel_loop3A_224 = arith.constant 0 : i32
    %parallel_loop3A_225 = arith.constant 125 : i32
    %parallel_loop3A_226 = arith.constant 1 : i32
    scf.for %parallel_loop3A_273 = %parallel_loop3A_224 to %parallel_loop3A_225 step %parallel_loop3A_226  : i32 {
      %parallel_loop3A_274 = arith.constant 16 : i32
      %parallel_loop3A_275 = arith.muli %parallel_loop3A_273, %parallel_loop3A_274 : i32
      %parallel_loop3A_276 = arith.constant 6000 : i32
      %parallel_loop3A_277 = arith.addi %parallel_loop3A_276, %parallel_loop3A_275 : i32
      %parallel_loop3A_278 = arith.index_cast %parallel_loop3A_277 : i32 to index
      %parallel_loop3A_279 = tpu.vector_load %arg7[%parallel_loop3A_278] {strides = array<i32>} : memref<10000xi32, #tpu.memory_space<vmem>>, vector<16xi32>,
      %parallel_loop3A_280 = arith.constant 16 : i32
      %parallel_loop3A_281 = arith.muli %parallel_loop3A_273, %parallel_loop3A_280 : i32
      %parallel_loop3A_282 = arith.index_cast %parallel_loop3A_281 : i32 to index
      %parallel_loop3A_283 = tpu.vector_load %arg16[%parallel_loop3A_282] {strides = array<i32>} : memref<2000xi32, #tpu.memory_space<vmem>>, vector<16xi32>,
      %parallel_loop3A_284 = arith.constant 16 : i32
      %parallel_loop3A_285 = arith.muli %parallel_loop3A_273, %parallel_loop3A_284 : i32
      %parallel_loop3A_286 = arith.constant 6000 : i32
      %parallel_loop3A_287 = arith.addi %parallel_loop3A_286, %parallel_loop3A_285 : i32
      %parallel_loop3A_288 = vector.broadcast %parallel_loop3A_287 : i32 to vector<16xi32>
      %parallel_loop3A_289 = arith.addi %parallel_loop3A_288, %iota3A : vector<16xi32>
      %parallel_loop3A_290 = arith.constant 1023 : i32
      %parallel_loop3A_291 = vector.broadcast %parallel_loop3A_290 : i32 to vector<16xi32>
      %parallel_loop3A_292 = arith.andi %parallel_loop3A_289, %parallel_loop3A_291 : vector<16xi32>
      %parallel_loop3A_293 = arith.constant 10000 : i32
      %parallel_loop3A_294 = vector.broadcast %parallel_loop3A_293 : i32 to vector<16xi32>
      %parallel_loop3A_295 = arith.addi %parallel_loop3A_294, %parallel_loop3A_292 : vector<16xi32>
      %parallel_loop3A_296 = arith.constant 0 : i32
      %parallel_loop3A_297 = vector.broadcast %parallel_loop3A_296 : i32 to vector<16xi32>
      %parallel_loop3A_298 = arith.cmpi slt, %parallel_loop3A_279, %parallel_loop3A_297 : vector<16xi32>
      %parallel_loop3A_299 = arith.select %parallel_loop3A_298, %parallel_loop3A_295, %parallel_loop3A_283 : vector<16xi1>, vector<16xi32>
      %parallel_loop3A_300 = arith.constant 16 : i32
      %parallel_loop3A_301 = arith.muli %parallel_loop3A_273, %parallel_loop3A_300 : i32
      %parallel_loop3A_302 = arith.index_cast %parallel_loop3A_301 : i32 to index
      %parallel_loop3A_303 = tpu.vector_load %arg16[%parallel_loop3A_302] {strides = array<i32>} : memref<2000xi32, #tpu.memory_space<vmem>>, vector<16xi32>,
      tpu.vector_store %arg16[%parallel_loop3A_302], %parallel_loop3A_299 {strides = array<i32>} : memref<2000xi32, #tpu.memory_space<vmem>>, vector<16xi32>,
    } {sc.loop_unroll_factor = 4 : i64, sc.parallel_access}
    %dma_wait3A_227 = arith.constant 0 : i32
    %dma_wait3A_228 = tpu.memref_slice %arg5[%add3A_217, %dma_wait3A_227] : memref<320000x16xf32, #tpu.memory_space<hbm>> -> memref<2000x16xf32, #tpu.memory_space<hbm>>
    %dma_wait3A_229 = arith.constant 0 : i32
    %dma_wait3A_230 = tpu.memref_slice %arg5[%add3A_217, %dma_wait3A_229] : memref<320000x16xf32, #tpu.memory_space<hbm>> -> memref<2000x16xf32, #tpu.memory_space<hbm>>
    tpu.wait_dma2 semaphore(%arg23 : memref<!tpu.dma_semaphore, #tpu.memory_space<semaphore_mem>>) src(%arg17 : memref<2000x16xf32, #tpu.memory_space<vmem>>) dst(%dma_wait3A_230 : memref<2000x16xf32, #tpu.memory_space<hbm>>)
    %dma_start3A_231 = arith.constant 0 : i32
    %dma_start3A_232 = arith.constant 0 : i32
    %dma_start3A_233 = tpu.memref_slice %arg4[%dma_start3A_231, %dma_start3A_232] : memref<11264x16xf32, #tpu.memory_space<hbm>> -> memref<11264x16xf32, #tpu.memory_space<hbm>>
    tpu.enqueue_indirect_dma source(%dma_start3A_233 : memref<11264x16xf32, #tpu.memory_space<hbm>>) target(%arg17 : memref<2000x16xf32, #tpu.memory_space<vmem>>) offsets(%arg16 : memref<2000xi32, #tpu.memory_space<vmem>>) semaphore(%arg22 : memref<!tpu.dma_semaphore, #tpu.memory_space<semaphore_mem>>)
    %parallel_loop3A_234 = arith.constant 0 : i32
    %parallel_loop3A_235 = arith.constant 125 : i32
    %parallel_loop3A_236 = arith.constant 1 : i32
    scf.for %parallel_loop3A_273 = %parallel_loop3A_234 to %parallel_loop3A_235 step %parallel_loop3A_236  : i32 {
      %parallel_loop3A_274 = arith.constant 16 : i32
      %parallel_loop3A_275 = arith.muli %parallel_loop3A_273, %parallel_loop3A_274 : i32
      %parallel_loop3A_276 = arith.constant 8000 : i32
      %parallel_loop3A_277 = arith.addi %parallel_loop3A_276, %parallel_loop3A_275 : i32
      %parallel_loop3A_278 = arith.index_cast %parallel_loop3A_277 : i32 to index
      %parallel_loop3A_279 = tpu.vector_load %arg7[%parallel_loop3A_278] {strides = array<i32>} : memref<10000xi32, #tpu.memory_space<vmem>>, vector<16xi32>,
      %parallel_loop3A_280 = arith.constant 8000 : i32
      %parallel_loop3A_281 = arith.addi %mul3A_2, %parallel_loop3A_280 : i32
      %parallel_loop3A_282 = arith.constant 16 : i32
      %parallel_loop3A_283 = arith.muli %parallel_loop3A_273, %parallel_loop3A_282 : i32
      %parallel_loop3A_284 = arith.addi %parallel_loop3A_281, %parallel_loop3A_283 : i32
      %parallel_loop3A_285 = vector.broadcast %parallel_loop3A_284 : i32 to vector<16xi32>
      %parallel_loop3A_286 = arith.addi %parallel_loop3A_285, %iota3A : vector<16xi32>
      %parallel_loop3A_287 = arith.constant 0 : i32
      %parallel_loop3A_288 = vector.broadcast %parallel_loop3A_287 : i32 to vector<16xi32>
      %parallel_loop3A_289 = arith.cmpi slt, %parallel_loop3A_279, %parallel_loop3A_288 : vector<16xi32>
      %parallel_loop3A_290 = arith.select %parallel_loop3A_289, %parallel_loop3A_286, %parallel_loop3A_279 : vector<16xi1>, vector<16xi32>
      %parallel_loop3A_291 = arith.constant 16 : i32
      %parallel_loop3A_292 = arith.muli %parallel_loop3A_273, %parallel_loop3A_291 : i32
      %parallel_loop3A_293 = arith.index_cast %parallel_loop3A_292 : i32 to index
      %parallel_loop3A_294 = tpu.vector_load %arg13[%parallel_loop3A_293] {strides = array<i32>} : memref<2000xi32, #tpu.memory_space<vmem>>, vector<16xi32>,
      tpu.vector_store %arg13[%parallel_loop3A_293], %parallel_loop3A_290 {strides = array<i32>} : memref<2000xi32, #tpu.memory_space<vmem>>, vector<16xi32>,
    } {sc.loop_unroll_factor = 4 : i64, sc.parallel_access}
    %dma_start3A_237 = arith.constant 0 : i32
    %dma_start3A_238 = tpu.memref_slice %arg3[%dma_start3A_237] : memref<320000xi32, #tpu.memory_space<hbm>> -> memref<320000xi32, #tpu.memory_space<hbm>>
    tpu.enqueue_indirect_dma source(%dma_start3A_238 : memref<320000xi32, #tpu.memory_space<hbm>>) target(%arg15 : memref<2000xi32, #tpu.memory_space<vmem>>) offsets(%arg13 : memref<2000xi32, #tpu.memory_space<vmem>>) semaphore(%arg20 : memref<!tpu.dma_semaphore, #tpu.memory_space<semaphore_mem>>)
    %dma_wait3A_239 = arith.constant 0 : i32
    %dma_wait3A_240 = arith.constant 0 : i32
    %dma_wait3A_241 = tpu.memref_slice %arg4[%dma_wait3A_239, %dma_wait3A_240] : memref<11264x16xf32, #tpu.memory_space<hbm>> -> memref<11264x16xf32, #tpu.memory_space<hbm>>
    tpu.wait_indirect_dma semaphore(%arg22 : memref<!tpu.dma_semaphore, #tpu.memory_space<semaphore_mem>>) src(%dma_wait3A_241 : memref<11264x16xf32, #tpu.memory_space<hbm>>) dst(%arg17 : memref<2000x16xf32, #tpu.memory_space<vmem>>)
    %add3A_242 = arith.constant 6000 : i32
    %add3A_243 = arith.addi %mul3A_2, %add3A_242 : i32
    %dma_start3A_244 = arith.constant 0 : i32
    %dma_start3A_245 = tpu.memref_slice %arg5[%add3A_243, %dma_start3A_244] : memref<320000x16xf32, #tpu.memory_space<hbm>> -> memref<2000x16xf32, #tpu.memory_space<hbm>>
    %dma_start3A_246 = arith.constant 0 : i32
    %dma_start3A_247 = tpu.memref_slice %arg5[%add3A_243, %dma_start3A_246] : memref<320000x16xf32, #tpu.memory_space<hbm>> -> memref<2000x16xf32, #tpu.memory_space<hbm>>
    tpu.enqueue_dma source(%arg17 : memref<2000x16xf32, #tpu.memory_space<vmem>>) target(%dma_start3A_247 : memref<2000x16xf32, #tpu.memory_space<hbm>>) target_semaphore(%arg23 : memref<!tpu.dma_semaphore, #tpu.memory_space<semaphore_mem>>)
    %dma_wait3A_248 = arith.constant 0 : i32
    %dma_wait3A_249 = tpu.memref_slice %arg3[%dma_wait3A_248] : memref<320000xi32, #tpu.memory_space<hbm>> -> memref<320000xi32, #tpu.memory_space<hbm>>
    tpu.wait_indirect_dma semaphore(%arg20 : memref<!tpu.dma_semaphore, #tpu.memory_space<semaphore_mem>>) src(%dma_wait3A_249 : memref<320000xi32, #tpu.memory_space<hbm>>) dst(%arg15 : memref<2000xi32, #tpu.memory_space<vmem>>)
    %parallel_loop3A_250 = arith.constant 0 : i32
    %parallel_loop3A_251 = arith.constant 125 : i32
    %parallel_loop3A_252 = arith.constant 1 : i32
    scf.for %parallel_loop3A_273 = %parallel_loop3A_250 to %parallel_loop3A_251 step %parallel_loop3A_252  : i32 {
      %parallel_loop3A_274 = arith.constant 16 : i32
      %parallel_loop3A_275 = arith.muli %parallel_loop3A_273, %parallel_loop3A_274 : i32
      %parallel_loop3A_276 = arith.constant 8000 : i32
      %parallel_loop3A_277 = arith.addi %parallel_loop3A_276, %parallel_loop3A_275 : i32
      %parallel_loop3A_278 = arith.index_cast %parallel_loop3A_277 : i32 to index
      %parallel_loop3A_279 = tpu.vector_load %arg7[%parallel_loop3A_278] {strides = array<i32>} : memref<10000xi32, #tpu.memory_space<vmem>>, vector<16xi32>,
      %parallel_loop3A_280 = arith.constant 16 : i32
      %parallel_loop3A_281 = arith.muli %parallel_loop3A_273, %parallel_loop3A_280 : i32
      %parallel_loop3A_282 = arith.index_cast %parallel_loop3A_281 : i32 to index
      %parallel_loop3A_283 = tpu.vector_load %arg15[%parallel_loop3A_282] {strides = array<i32>} : memref<2000xi32, #tpu.memory_space<vmem>>, vector<16xi32>,
      %parallel_loop3A_284 = arith.constant 16 : i32
      %parallel_loop3A_285 = arith.muli %parallel_loop3A_273, %parallel_loop3A_284 : i32
      %parallel_loop3A_286 = arith.constant 8000 : i32
      %parallel_loop3A_287 = arith.addi %parallel_loop3A_286, %parallel_loop3A_285 : i32
      %parallel_loop3A_288 = vector.broadcast %parallel_loop3A_287 : i32 to vector<16xi32>
      %parallel_loop3A_289 = arith.addi %parallel_loop3A_288, %iota3A : vector<16xi32>
      %parallel_loop3A_290 = arith.constant 1023 : i32
      %parallel_loop3A_291 = vector.broadcast %parallel_loop3A_290 : i32 to vector<16xi32>
      %parallel_loop3A_292 = arith.andi %parallel_loop3A_289, %parallel_loop3A_291 : vector<16xi32>
      %parallel_loop3A_293 = arith.constant 10000 : i32
      %parallel_loop3A_294 = vector.broadcast %parallel_loop3A_293 : i32 to vector<16xi32>
      %parallel_loop3A_295 = arith.addi %parallel_loop3A_294, %parallel_loop3A_292 : vector<16xi32>
      %parallel_loop3A_296 = arith.constant 0 : i32
      %parallel_loop3A_297 = vector.broadcast %parallel_loop3A_296 : i32 to vector<16xi32>
      %parallel_loop3A_298 = arith.cmpi slt, %parallel_loop3A_279, %parallel_loop3A_297 : vector<16xi32>
      %parallel_loop3A_299 = arith.select %parallel_loop3A_298, %parallel_loop3A_295, %parallel_loop3A_283 : vector<16xi1>, vector<16xi32>
      %parallel_loop3A_300 = arith.constant 16 : i32
      %parallel_loop3A_301 = arith.muli %parallel_loop3A_273, %parallel_loop3A_300 : i32
      %parallel_loop3A_302 = arith.index_cast %parallel_loop3A_301 : i32 to index
      %parallel_loop3A_303 = tpu.vector_load %arg15[%parallel_loop3A_302] {strides = array<i32>} : memref<2000xi32, #tpu.memory_space<vmem>>, vector<16xi32>,
      tpu.vector_store %arg15[%parallel_loop3A_302], %parallel_loop3A_299 {strides = array<i32>} : memref<2000xi32, #tpu.memory_space<vmem>>, vector<16xi32>,
    } {sc.loop_unroll_factor = 4 : i64, sc.parallel_access}
    %dma_wait3A_253 = arith.constant 0 : i32
    %dma_wait3A_254 = tpu.memref_slice %arg5[%add3A_243, %dma_wait3A_253] : memref<320000x16xf32, #tpu.memory_space<hbm>> -> memref<2000x16xf32, #tpu.memory_space<hbm>>
    %dma_wait3A_255 = arith.constant 0 : i32
    %dma_wait3A_256 = tpu.memref_slice %arg5[%add3A_243, %dma_wait3A_255] : memref<320000x16xf32, #tpu.memory_space<hbm>> -> memref<2000x16xf32, #tpu.memory_space<hbm>>
    tpu.wait_dma2 semaphore(%arg23 : memref<!tpu.dma_semaphore, #tpu.memory_space<semaphore_mem>>) src(%arg17 : memref<2000x16xf32, #tpu.memory_space<vmem>>) dst(%dma_wait3A_256 : memref<2000x16xf32, #tpu.memory_space<hbm>>)
    %dma_start3A_257 = arith.constant 0 : i32
    %dma_start3A_258 = arith.constant 0 : i32
    %dma_start3A_259 = tpu.memref_slice %arg4[%dma_start3A_257, %dma_start3A_258] : memref<11264x16xf32, #tpu.memory_space<hbm>> -> memref<11264x16xf32, #tpu.memory_space<hbm>>
    tpu.enqueue_indirect_dma source(%dma_start3A_259 : memref<11264x16xf32, #tpu.memory_space<hbm>>) target(%arg17 : memref<2000x16xf32, #tpu.memory_space<vmem>>) offsets(%arg15 : memref<2000xi32, #tpu.memory_space<vmem>>) semaphore(%arg22 : memref<!tpu.dma_semaphore, #tpu.memory_space<semaphore_mem>>)
    %dma_wait3A_260 = arith.constant 0 : i32
    %dma_wait3A_261 = arith.constant 0 : i32
    %dma_wait3A_262 = tpu.memref_slice %arg4[%dma_wait3A_260, %dma_wait3A_261] : memref<11264x16xf32, #tpu.memory_space<hbm>> -> memref<11264x16xf32, #tpu.memory_space<hbm>>
    tpu.wait_indirect_dma semaphore(%arg22 : memref<!tpu.dma_semaphore, #tpu.memory_space<semaphore_mem>>) src(%dma_wait3A_262 : memref<11264x16xf32, #tpu.memory_space<hbm>>) dst(%arg17 : memref<2000x16xf32, #tpu.memory_space<vmem>>)
    %add3A_263 = arith.constant 8000 : i32
    %add3A_264 = arith.addi %mul3A_2, %add3A_263 : i32
    %dma_start3A_265 = arith.constant 0 : i32
    %dma_start3A_266 = tpu.memref_slice %arg5[%add3A_264, %dma_start3A_265] : memref<320000x16xf32, #tpu.memory_space<hbm>> -> memref<2000x16xf32, #tpu.memory_space<hbm>>
    %dma_start3A_267 = arith.constant 0 : i32
    %dma_start3A_268 = tpu.memref_slice %arg5[%add3A_264, %dma_start3A_267] : memref<320000x16xf32, #tpu.memory_space<hbm>> -> memref<2000x16xf32, #tpu.memory_space<hbm>>
    tpu.enqueue_dma source(%arg17 : memref<2000x16xf32, #tpu.memory_space<vmem>>) target(%dma_start3A_268 : memref<2000x16xf32, #tpu.memory_space<hbm>>) target_semaphore(%arg23 : memref<!tpu.dma_semaphore, #tpu.memory_space<semaphore_mem>>)
    %dma_wait3A_269 = arith.constant 0 : i32
    %dma_wait3A_270 = tpu.memref_slice %arg5[%add3A_264, %dma_wait3A_269] : memref<320000x16xf32, #tpu.memory_space<hbm>> -> memref<2000x16xf32, #tpu.memory_space<hbm>>
    %dma_wait3A_271 = arith.constant 0 : i32
    %dma_wait3A_272 = tpu.memref_slice %arg5[%add3A_264, %dma_wait3A_271] : memref<320000x16xf32, #tpu.memory_space<hbm>> -> memref<2000x16xf32, #tpu.memory_space<hbm>>
    tpu.wait_dma2 semaphore(%arg23 : memref<!tpu.dma_semaphore, #tpu.memory_space<semaphore_mem>>) src(%arg17 : memref<2000x16xf32, #tpu.memory_space<vmem>>) dst(%dma_wait3A_272 : memref<2000x16xf32, #tpu.memory_space<hbm>>)
    return
  }
}

module attributes {stable_mosaic.version = 14 : i64} {
  func.func @_tc1_body(%arg0: i32, %arg1: memref<1024x128xf32, #tpu.memory_space<vmem>>, %arg2: memref<16x128xf32, #tpu.memory_space<vmem>>, %arg3: memref<2500x128xi32, #tpu.memory_space<vmem>>, %arg4: memref<2500x128xi32, #tpu.memory_space<vmem>>, %arg5: memref<128x32xf32, #tpu.memory_space<vmem>>, %arg6: memref<32x256xf32, #tpu.memory_space<vmem>>, %arg7: memref<1024x16xf32, #tpu.memory_space<vmem>>, %arg8: memref<2500x128xi32, #tpu.memory_space<vmem>>, %arg9: memref<128x256xf32, #tpu.memory_space<vmem>>) attributes {dimension_semantics = [#tpu.dimension_semantics<arbitrary>], iteration_bounds = array<i64: 11>, scalar_prefetch = 0 : i64, scratch_operands = 0 : i64, tpu.core_type = #tpu.core_type<tc>, window_params = [{transform_indices = @transform_0, window_bounds = array<i64: 1024, 128>}, {pipeline_mode = #tpu.pipeline_mode<synchronous>, transform_indices = @transform_1, window_bounds = array<i64: 16, 128>}, {pipeline_mode = #tpu.pipeline_mode<synchronous>, transform_indices = @transform_2, window_bounds = array<i64: 2500, 128>}, {pipeline_mode = #tpu.pipeline_mode<synchronous>, transform_indices = @transform_3, window_bounds = array<i64: 2500, 128>}, {pipeline_mode = #tpu.pipeline_mode<synchronous>, transform_indices = @transform_4, window_bounds = array<i64: 128, 32>}, {pipeline_mode = #tpu.pipeline_mode<synchronous>, transform_indices = @transform_5, window_bounds = array<i64: 32, 256>}, {transform_indices = @transform_6, window_bounds = array<i64: 1024, 16>}, {pipeline_mode = #tpu.pipeline_mode<synchronous>, transform_indices = @transform_7, window_bounds = array<i64: 2500, 128>}, {pipeline_mode = #tpu.pipeline_mode<synchronous>, transform_indices = @transform_8, window_bounds = array<i64: 128, 256>}]} {
    %get3A = arith.constant 0 : index
    %get3A_0 = arith.constant 0 : index
    %get3A_1 = vector.load %arg1[%get3A, %get3A_0] : memref<1024x128xf32, #tpu.memory_space<vmem>>, vector<1024x128xf32>
    %get3A_2 = arith.constant 0 : index
    %get3A_3 = arith.constant 0 : index
    %get3A_4 = vector.load %arg2[%get3A_2, %get3A_3] : memref<16x128xf32, #tpu.memory_space<vmem>>, vector<16x128xf32>
    %dot_general3A = arith.constant dense<0.000000e+00> : vector<1024x16xf32>
    %dot_general3A_5 = tpu.matmul %get3A_1, %get3A_4, %dot_general3A {dimension_numbers = #tpu.dot_dimension_numbers<[1], [1], [0], [0], [0, 0, 1, 0], [], []>, transpose_lhs_hint = false} : vector<1024x128xf32>, vector<16x128xf32>, vector<1024x16xf32> -> vector<1024x16xf32>
    %logistic3A = arith.negf %dot_general3A_5 : vector<1024x16xf32>
    %logistic3A_6 = math.exp %logistic3A : vector<1024x16xf32>
    %logistic3A_7 = arith.constant 1.000000e+00 : f32
    %logistic3A_8 = vector.broadcast %logistic3A_7 : f32 to vector<1024x16xf32>
    %logistic3A_9 = arith.addf %logistic3A_8, %logistic3A_6 : vector<1024x16xf32>
    %logistic3A_10 = arith.divf %logistic3A_8, %logistic3A_9 : vector<1024x16xf32>
    %mul3A = arith.mulf %dot_general3A_5, %logistic3A_10 : vector<1024x16xf32>
    %swap3A = arith.constant 0 : index
    %swap3A_11 = arith.constant 0 : index
    %swap3A_12 = vector.load %arg7[%swap3A, %swap3A_11] : memref<1024x16xf32, #tpu.memory_space<vmem>>, vector<1024x16xf32>
    tpu.vector_store %arg7[%swap3A, %swap3A_11], %mul3A {strides = array<i32>} : memref<1024x16xf32, #tpu.memory_space<vmem>>, vector<1024x16xf32>,
    %eq3A = arith.constant 0 : i32
    %eq3A_13 = arith.cmpi eq, %arg0, %eq3A : i32
    %convert_element_type3A = arith.extui %eq3A_13 : i1 to i32
    %cond3A = arith.constant 0 : i32
    %cond3A_14 = arith.cmpi ne, %convert_element_type3A, %cond3A : i32
    scf.if %cond3A_14 {
      %get3A_15 = arith.constant 0 : index
      %get3A_16 = arith.constant 0 : index
      %get3A_17 = vector.load %arg3[%get3A_15, %get3A_16] : memref<2500x128xi32, #tpu.memory_space<vmem>>, vector<2500x128xi32>
      %mul3A_18 = arith.constant 32 : i32
      %mul3A_19 = vector.broadcast %mul3A_18 : i32 to vector<2500x128xi32>
      %mul3A_20 = arith.muli %get3A_17, %mul3A_19 : vector<2500x128xi32>
      %get3A_21 = arith.constant 0 : index
      %get3A_22 = arith.constant 0 : index
      %get3A_23 = vector.load %arg4[%get3A_21, %get3A_22] : memref<2500x128xi32, #tpu.memory_space<vmem>>, vector<2500x128xi32>
      %add3A = arith.addi %mul3A_20, %get3A_23 : vector<2500x128xi32>
      %swap3A_24 = arith.constant 0 : index
      %swap3A_25 = arith.constant 0 : index
      %swap3A_26 = vector.load %arg8[%swap3A_24, %swap3A_25] : memref<2500x128xi32, #tpu.memory_space<vmem>>, vector<2500x128xi32>
      tpu.vector_store %arg8[%swap3A_24, %swap3A_25], %add3A {strides = array<i32>} : memref<2500x128xi32, #tpu.memory_space<vmem>>, vector<2500x128xi32>,
      %get3A_27 = arith.constant 0 : index
      %get3A_28 = arith.constant 0 : index
      %get3A_29 = vector.load %arg5[%get3A_27, %get3A_28] : memref<128x32xf32, #tpu.memory_space<vmem>>, vector<128x32xf32>
      %get3A_30 = arith.constant 0 : index
      %get3A_31 = arith.constant 0 : index
      %get3A_32 = vector.load %arg6[%get3A_30, %get3A_31] : memref<32x256xf32, #tpu.memory_space<vmem>>, vector<32x256xf32>
      %dot_general3A_33 = arith.constant dense<0.000000e+00> : vector<128x256xf32>
      %dot_general3A_34 = tpu.matmul %get3A_29, %get3A_32, %dot_general3A_33 {dimension_numbers = #tpu.dot_dimension_numbers<[1], [0], [0], [1], [0, 0, 1, 1], [], []>, transpose_lhs_hint = false} : vector<128x32xf32>, vector<32x256xf32>, vector<128x256xf32> -> vector<128x256xf32>
      %swap3A_35 = arith.constant 0 : index
      %swap3A_36 = arith.constant 0 : index
      %swap3A_37 = vector.load %arg9[%swap3A_35, %swap3A_36] : memref<128x256xf32, #tpu.memory_space<vmem>>, vector<128x256xf32>
      tpu.vector_store %arg9[%swap3A_35, %swap3A_36], %dot_general3A_34 {strides = array<i32>} : memref<128x256xf32, #tpu.memory_space<vmem>>, vector<128x256xf32>,
    } else {
    }
    return
  }
  func.func @transform_0(%arg0: i32) -> (i32, i32) {
    %c0_i32 = arith.constant 0 : i32
    %c0_i32_0 = arith.constant 0 : i32
    return %arg0, %c0_i32 : i32, i32
  }
  func.func @transform_1(%arg0: i32) -> (i32, i32) {
    %c0_i32 = arith.constant 0 : i32
    %c0_i32_0 = arith.constant 0 : i32
    %c0_i32_1 = arith.constant 0 : i32
    return %c0_i32, %c0_i32_0 : i32, i32
  }
  func.func @transform_2(%arg0: i32) -> (i32, i32) {
    %c0_i32 = arith.constant 0 : i32
    %c0_i32_0 = arith.constant 0 : i32
    %c0_i32_1 = arith.constant 0 : i32
    return %c0_i32, %c0_i32_0 : i32, i32
  }
  func.func @transform_3(%arg0: i32) -> (i32, i32) {
    %c0_i32 = arith.constant 0 : i32
    %c0_i32_0 = arith.constant 0 : i32
    %c0_i32_1 = arith.constant 0 : i32
    return %c0_i32, %c0_i32_0 : i32, i32
  }
  func.func @transform_4(%arg0: i32) -> (i32, i32) {
    %c0_i32 = arith.constant 0 : i32
    %c0_i32_0 = arith.constant 0 : i32
    %c0_i32_1 = arith.constant 0 : i32
    return %c0_i32, %c0_i32_0 : i32, i32
  }
  func.func @transform_5(%arg0: i32) -> (i32, i32) {
    %c0_i32 = arith.constant 0 : i32
    %c0_i32_0 = arith.constant 0 : i32
    %c0_i32_1 = arith.constant 0 : i32
    return %c0_i32, %c0_i32_0 : i32, i32
  }
  func.func @transform_6(%arg0: i32) -> (i32, i32) {
    %c0_i32 = arith.constant 0 : i32
    %c0_i32_0 = arith.constant 0 : i32
    return %arg0, %c0_i32 : i32, i32
  }
  func.func @transform_7(%arg0: i32) -> (i32, i32) {
    %c0_i32 = arith.constant 0 : i32
    %c0_i32_0 = arith.constant 0 : i32
    %c0_i32_1 = arith.constant 0 : i32
    return %c0_i32, %c0_i32_0 : i32, i32
  }
  func.func @transform_8(%arg0: i32) -> (i32, i32) {
    %c0_i32 = arith.constant 0 : i32
    %c0_i32_0 = arith.constant 0 : i32
    %c0_i32_1 = arith.constant 0 : i32
    return %c0_i32, %c0_i32_0 : i32, i32
  }
}

module attributes {stable_mosaic.version = 14 : i64} {
  func.func @_tc2_body(%arg0: i32, %arg1: memref<400x16x32xf32, #tpu.memory_space<vmem>>, %arg2: memref<400x512xf32, #tpu.memory_space<vmem>>, %arg3: memref<128x256xf32, #tpu.memory_space<vmem>>, %arg4: memref<400x128xf32, #tpu.memory_space<vmem>>) attributes {dimension_semantics = [#tpu.dimension_semantics<arbitrary>], iteration_bounds = array<i64: 25>, scalar_prefetch = 0 : i64, scratch_operands = 0 : i64, tpu.core_type = #tpu.core_type<tc>, window_params = [{transform_indices = @transform_0, window_bounds = array<i64: 400, 16, 32>}, {transform_indices = @transform_1, window_bounds = array<i64: 400, 512>}, {pipeline_mode = #tpu.pipeline_mode<synchronous>, transform_indices = @transform_2, window_bounds = array<i64: 128, 256>}, {transform_indices = @transform_3, window_bounds = array<i64: 400, 128>}]} {
    %get3A = arith.constant 0 : index
    %get3A_0 = arith.constant 0 : index
    %get3A_1 = vector.load %arg2[%get3A, %get3A_0] : memref<400x512xf32, #tpu.memory_space<vmem>>, vector<400x512xf32>
    %reshape3A = vector.shape_cast %get3A_1 : vector<400x512xf32> to vector<400x32x16xf32>
    %get3A_2 = arith.constant 0 : index
    %get3A_3 = arith.constant 0 : index
    %get3A_4 = arith.constant 0 : index
    %get3A_5 = vector.load %arg1[%get3A_2, %get3A_3, %get3A_4] : memref<400x16x32xf32, #tpu.memory_space<vmem>>, vector<400x16x32xf32>
    %dot_general3A = arith.constant dense<0.000000e+00> : vector<400x16x16xf32>
    %dot_general3A_6 = tpu.matmul %get3A_5, %reshape3A, %dot_general3A {dimension_numbers = #tpu.dot_dimension_numbers<[2], [1], [1], [2], [0, 0, 0, 1, 1, 2], [0], [0]>, transpose_lhs_hint = false} : vector<400x16x32xf32>, vector<400x32x16xf32>, vector<400x16x16xf32> -> vector<400x16x16xf32>
    %reshape3A_7 = vector.shape_cast %dot_general3A_6 : vector<400x16x16xf32> to vector<400x256xf32>
    %get3A_8 = arith.constant 0 : index
    %get3A_9 = arith.constant 0 : index
    %get3A_10 = vector.load %arg3[%get3A_8, %get3A_9] : memref<128x256xf32, #tpu.memory_space<vmem>>, vector<128x256xf32>
    %dot_general3A_11 = arith.constant dense<0.000000e+00> : vector<400x128xf32>
    %dot_general3A_12 = tpu.matmul %reshape3A_7, %get3A_10, %dot_general3A_11 {dimension_numbers = #tpu.dot_dimension_numbers<[1], [1], [0], [0], [0, 0, 1, 0], [], []>, transpose_lhs_hint = false} : vector<400x256xf32>, vector<128x256xf32>, vector<400x128xf32> -> vector<400x128xf32>
    %logistic3A = arith.negf %dot_general3A_12 : vector<400x128xf32>
    %logistic3A_13 = math.exp %logistic3A : vector<400x128xf32>
    %logistic3A_14 = arith.constant 1.000000e+00 : f32
    %logistic3A_15 = vector.broadcast %logistic3A_14 : f32 to vector<400x128xf32>
    %logistic3A_16 = arith.addf %logistic3A_15, %logistic3A_13 : vector<400x128xf32>
    %logistic3A_17 = arith.divf %logistic3A_15, %logistic3A_16 : vector<400x128xf32>
    %mul3A = arith.mulf %dot_general3A_12, %logistic3A_17 : vector<400x128xf32>
    %swap3A = arith.constant 0 : index
    %swap3A_18 = arith.constant 0 : index
    %swap3A_19 = vector.load %arg4[%swap3A, %swap3A_18] : memref<400x128xf32, #tpu.memory_space<vmem>>, vector<400x128xf32>
    tpu.vector_store %arg4[%swap3A, %swap3A_18], %mul3A {strides = array<i32>} : memref<400x128xf32, #tpu.memory_space<vmem>>, vector<400x128xf32>,
    return
  }
  func.func @transform_0(%arg0: i32) -> (i32, i32, i32) {
    %c0_i32 = arith.constant 0 : i32
    %c0_i32_0 = arith.constant 0 : i32
    %c0_i32_1 = arith.constant 0 : i32
    return %arg0, %c0_i32, %c0_i32_0 : i32, i32, i32
  }
  func.func @transform_1(%arg0: i32) -> (i32, i32) {
    %c0_i32 = arith.constant 0 : i32
    %c0_i32_0 = arith.constant 0 : i32
    return %arg0, %c0_i32 : i32, i32
  }
  func.func @transform_2(%arg0: i32) -> (i32, i32) {
    %c0_i32 = arith.constant 0 : i32
    %c0_i32_0 = arith.constant 0 : i32
    %c0_i32_1 = arith.constant 0 : i32
    return %c0_i32, %c0_i32_0 : i32, i32
  }
  func.func @transform_3(%arg0: i32) -> (i32, i32) {
    %c0_i32 = arith.constant 0 : i32
    %c0_i32_0 = arith.constant 0 : i32
    return %arg0, %c0_i32 : i32, i32
  }
}

</mosaic_0001>

<sc_bundles>
// kernel: kernel.5.cloned.1.call-start
scs
__scs_entry_jumppad:
0x0: {  	(pc) =	sbr.rel $0x88, $3  }
0x1: {  	(tag) =	ssettag $0x0;
	lr =	simm.s32 $0x1  }
0x2: {  	[smem:$0x3F9A] =	sst lr;
	_ =	strace $0xD0000000  }
0x3: {  	_ = 	snop  }
0x4: {  	_ = 	snop  }
0x5: {  	_ = 	snop  }
0x6: {  	_ = 	snop  }
0x7: {  	_ = 	snop  }
__scs_overlays_trampoline_lowered:
0x8: {  	[smem:$0x3FA9] =	sst s0  }
0x9: {  	[smem:$0x3FAA] =	sst s1  }
0xa: {  	[smem:$0x3FAB] =	sst s2  }
0xb: {  	[smem:$0x3FAC] =	sst s3  }
0xc: {  	[smem:$0x3FAD] =	sst s4  }
0xd: {  	[smem:$0x3FAE] =	sst s5  }
0xe: {  	[smem:$0x3FAF] =	sst s6  }
0xf: {  	[smem:$0x3FB0] =	sst s7  }
0x10: {  	[smem:$0x3FB1] =	sst s8  }
0x11: {  	[smem:$0x3FB2] =	sst s9;
	s0 =	simm.s32 @!p0 $0x0  }
0x12: {  	s1 =	sld [smem:$0x3F98];
	s0 =	simm.s32 @p0 $0x1  }
0x13: {  	[smem:$0x3FB3] =	sst s0;
	s0 =	simm.s32 @!p1 $0x0  }
0x14: {  	s2 =	sld [smem:$0x3F97];
	s0 =	simm.s32 @p1 $0x1  }
0x15: {  	[smem:$0x3FB4] =	sst s0;
	s0 =	simm.s32 @!p2 $0x0  }
0x16: {  	s3 =	sld [smem:$0x3FDB];
	s0 =	simm.s32 @p2 $0x1  }
0x17: {  	s4 =	simm.s32 $0x1BF5;
	[smem:$0x3FB6] =	sst s0  }
0x18: {  	s0 =	sld [smem:$0x3F99];
	_ =	swait.ge [sflag:s4], $0x0  }
0x19: {  	s7 =	sld [smem:$0x3F9A]  }
0x1a: {  	s8 =	sadd.s32 $0xFFFFE003, lr  }
0x1b: {  	s9 =	sadd.s32 $0xFFFFFEF7, lr;
	s5 =	simm.s32 $0xFFFFFFFF;
	p2 =	slt.u32 s8, $0xFFFFF086  }
0x1c: {  	p1 =	slt.u32 s9, $0xF7A;
	s5 =	simm.s32 @!p2 $0x0  }
0x1d: {  	s5 =	simm.s32 @p1 $0x1;
	p0 =	seq.s32 s7, s2  }
0x1e: {  	s7 =	smul.u32 @!p0 $0xF7A, s2;
	p2 =	seq.s32 @!p0 s5, $0x0  }
0x1f: {  	s9 =	smul.u32 $0xF7A, s1;
	s8 =	simm.s32 @!p0 $0x1BF5;
	p2 =	por !p2, p0  }
0x20: {  	[sflag:s8] =	ssyncset.s32 @!p0 $0xFFFFF086;
	s6 =	sadd.s32 @!p0 s3, s7;
	s7 =	simm.s32 @!p0 $0x108  }
0x21: {  	s3 =	sadd.s32 s3, s9;
	s6 =	sadd.s32 @!p0 $0x88, s6;
	s7 =	simm.s32 @p2 $0x1082  }
0x22: {  	[simem:s7], [sflag:s8] =	dma.local @!p0 [hbm:s6], $0xF7A  }
0x23: {  	s9 =	sor.u32 $0xD0000000, s2;
	s6 =	simm.s32 $0x108;
	_ =	swait.ge @!p0 [sflag:s8], $0x0  }
0x24: {  	s3 =	sadd.s32 $0x88, s3;
	s6 =	simm.s32 @!p1 $0x1082;
	[sflag:s4] =	ssyncset.s32 $0xFFFFF086  }
0x25: {  	[simem:s6], [sflag:s4] =	dma.local [hbm:s3], $0xF7A  }
0x26: {  	[smem:$0x3F9A] =	sst s1;
	(tag) =	ssettag s2;
	_ =	strace s9  }
0x27: {  	s1 =	sld [smem:$0x3FAA]  }
0x28: {  	s2 =	sld [smem:$0x3FAB]  }
0x29: {  	s4 =	sld [smem:$0x3FAD]  }
0x2a: {  	p0 =	seq.s32 s5, $0x0;
	s5 =	sld [smem:$0x3FAE]  }
0x2b: {  	s6 =	sld [smem:$0x3FAF]  }
0x2c: {  	s7 =	sld [smem:$0x3FB0]  }
0x2d: {  	s3 =	simm.s32 $0x108;
	s8 =	sld [smem:$0x3FB1]  }
0x2e: {  	s3 =	simm.s32 @!p0 $0x1082;
	s9 =	sld [smem:$0x3FB2]  }
0x2f: {  	lr =	sadd.s32 s0, s3;
	s0 =	sld [smem:$0x3FA9]  }
0x30: {  	s3 =	sld [smem:$0x3FAC]  }
0x31: {  	[smem:$0x3FB5] =	sst s10  }
0x32: {  	s10 =	sld [smem:$0x3FB3];
	_ =	sdelay $0x3  }
0x33: {  	p0 =	seq.s32 s10, $0x1;
	s10 =	sld [smem:$0x3FB5];
	_ =	sdelay $0x3  }
0x34: {  	[smem:$0x3FB5] =	sst s10  }
0x35: {  	s10 =	sld [smem:$0x3FB4];
	_ =	sdelay $0x3  }
0x36: {  	p1 =	seq.s32 s10, $0x1;
	s10 =	sld [smem:$0x3FB5];
	_ =	sdelay $0x3  }
0x37: {  	[smem:$0x3FB5] =	sst s10  }
0x38: {  	s10 =	sld [smem:$0x3FB6]  }
0x39: {  	_ = 	snop;
	(pc) =	sbr.ind lr, $3  }
0x3a: {  	_ = 	snop  }
0x3b: {  	_ = 	snop  }
0x3c: {  	p2 =	seq.s32 s10, $0x1;
	s10 =	sld [smem:$0x3FB5]  }
0x3d: {  	_ =	shalt  }
0x3e: {  	_ =	shalt  }
0x3f: {  	_ =	shalt  }
0x40: {  	_ =	shalt  }
0x41: {  	_ =	shalt  }
0x42: {  	_ =	shalt  }
0x43: {  	_ =	shalt  }
0x44: {  	_ =	shalt  }
0x45: {  	_ =	shalt  }
0x46: {  	_ =	shalt  }
0x47: {  	_ =	shalt  }
0x48: {  	_ =	shalt  }
0x49: {  	_ =	shalt  }
0x4a: {  	_ =	shalt  }
0x4b: {  	_ =	shalt  }
0x4c: {  	_ =	shalt  }
0x4d: {  	_ =	shalt  }
0x4e: {  	_ =	shalt  }
0x4f: {  	_ =	shalt  }
0x50: {  	_ =	shalt  }
0x51: {  	_ =	shalt  }
0x52: {  	_ =	shalt  }
0x53: {  	_ =	shalt  }
0x54: {  	_ =	shalt  }
0x55: {  	_ =	shalt  }
0x56: {  	_ =	shalt  }
0x57: {  	_ =	shalt  }
0x58: {  	_ =	shalt  }
0x59: {  	_ =	shalt  }
0x5a: {  	_ =	shalt  }
0x5b: {  	_ =	shalt  }
0x5c: {  	_ =	shalt  }
0x5d: {  	_ =	shalt  }
0x5e: {  	_ =	shalt  }
0x5f: {  	_ =	shalt  }
0x60: {  	_ =	shalt  }
0x61: {  	_ =	shalt  }
0x62: {  	_ =	shalt  }
0x63: {  	_ =	shalt  }
0x64: {  	_ =	shalt  }
0x65: {  	_ =	shalt  }
0x66: {  	_ =	shalt  }
0x67: {  	_ =	shalt  }
0x68: {  	_ =	shalt  }
0x69: {  	_ =	shalt  }
0x6a: {  	_ =	shalt  }
0x6b: {  	_ =	shalt  }
0x6c: {  	_ =	shalt  }
0x6d: {  	_ =	shalt  }
0x6e: {  	_ =	shalt  }
0x6f: {  	_ =	shalt  }
0x70: {  	_ =	shalt  }
0x71: {  	_ =	shalt  }
0x72: {  	_ =	shalt  }
0x73: {  	_ =	shalt  }
0x74: {  	_ =	shalt  }
0x75: {  	_ =	shalt  }
0x76: {  	_ =	shalt  }
0x77: {  	_ =	shalt  }
0x78: {  	_ =	shalt  }
0x79: {  	_ =	shalt  }
0x7a: {  	_ =	shalt  }
0x7b: {  	_ =	shalt  }
0x7c: {  	_ =	shalt  }
0x7d: {  	_ =	shalt  }
0x7e: {  	_ =	shalt  }
0x7f: {  	_ =	shalt  }
0x80: {  	_ =	shalt  }
0x81: {  	_ =	shalt  }
0x82: {  	_ =	shalt  }
0x83: {  	_ =	shalt  }
0x84: {  	_ =	shalt  }
0x85: {  	_ =	shalt  }
0x86: {  	_ =	shalt  }
0x87: {  	_ =	shalt  }
.Lfunc_end0:
.L_simem_size_0:
called_computation_lowered:
.L_overlay_start_0:
0x88: {  	s2 =	sld [smem:$0x3FD9]  }
0x89: {  	s3 =	sld [smem:$0x3FFE];
	_ =	sdelay $0x1  }
0x8a: {  	s1 =	srdreg.scid  }
0x8b: {  	s0 =	sand.u32 $0x1, s1  }
0x8c: {  	s17 =	sshll.u32 s0, $0xA;
	s2 =	sadd.s32 s3, s2  }
0x8d: {  	s2 =	sadd.s32 s2, s17  }
0x8e: {  	[smem:$0x3FC1] =	sst s2  }
0x8f: {  	_ = 	snop  }
0x90: {  	s2 =	sld [smem:$0x3FD0];
	(tm) =	ssettm $0x1  }
0x91: {  	s18 =	sld [smem:$0x3FFB];
	_ =	sdelay $0x3  }
0x92: {  	_ =	strace s18  }
0x93: {  	s3 =	sld [smem:$0x3FFC];
	_ =	sdelay $0x3  }
0x94: {  	_ =	strace s3  }
0x95: {  	s3 =	sld [smem:$0x3FFD];
	_ =	sdelay $0x3  }
0x96: {  	_ =	strace s3  }
0x97: {  	_ =	strace $0x8FFFFFFF  }
0x98: {  	s19 =	sld [smem:$0x3FDB];
	_ =	sdelay $0x1  }
0x99: {  	s4 =	simm.s32 $_scs_section_size  }
0x9a: {  	s5 =	simm.s32 $_size__tile_overlayer_lowered;
	s6 =	simm.s32 $_tile_overlayer_lowered  }
0x9b: {  	s22 =	simm.s32 $0x1BFF;
	s21 =	sshll.u32 s6, $0x1;
	s3 =	sadd.s32 s4, s19  }
0x9c: {  	s7 =	simm.s32 $0x0;
	s20 =	sshll.u32 s5, $0x1;
	s5 =	sadd.s32 s21, s3  }
0x9d: {  	[timem:s7], [sflag:s22] =	dma.local [hbm:s5], s20  }
0x9e: {  	_ =	swait.ge [sflag:s22], s20  }
0x9f: {  	s4 =	ssub.s32 $0x0, s20;
	[sflag:s22] =	ssyncset.done $0x0  }
0xa0: {  	[sflag:s22] =	ssyncadd.s32 s4;
	_ =	sdelay $0x1  }
0xa1: {  	s23 =	simm.s32 $0x1B8B  }
0xa2: {  	_ =	swait.ge [sflag:s23], $0x1  }
0xa3: {  	[sflag:s23] =	ssyncset.done $0x0  }
0xa4: {  	s25 =	simm.s32 $0x1B8E;
	s24 =	sld [smem:$0x3FFE];
	[sflag:s23] =	ssyncadd.s32 $0xFFFFFFFF  }
0xa5: {  	s26 =	simm.s32 $execute0_lowered;
	[smem:$0x3FD2] =	sst s25  }
0xa6: {  	s5 =	sshll.u32 s26, $0x1;
	_ =	strace $0x80000046;
	[dreg:$0x1] =	wrdreg $0xFFFFFFFF  }
0xa7: {  	s28 =	simm.s32 $_size_execute0_lowered;
	s3 =	sadd.s32 s3, s5;
	[dreg:$0x0] =	wrdreg $0x0  }
0xa8: {  	s5 =	sshll.u32 s28, $0x1;
	[dreg:$0x2] =	wrdreg s3  }
0xa9: {  	[dreg:$0x3] =	wrdreg s5  }
0xaa: {  	[dreg:$0x4] =	wrdreg $0xC0  }
0xab: {  	_ =	task [dreg:s7], $0x5FFFF  }
0xac: {  	[dreg:$0x1] =	wrdreg $0xFFFFFFFF  }
0xad: {  	[dreg:$0x0] =	wrdreg $0x60  }
0xae: {  	[dreg:$0x2] =	wrdreg s24  }
0xaf: {  	[dreg:$0x3] =	wrdreg s2  }
0xb0: {  	[dreg:$0x4] =	wrdreg $0x9  }
0xb1: {  	_ =	task.clear_ibuf [dreg:s7], $0x5FFFF;
	_ =	strace $0x90000046  }
0xb2: {  	s29 =	simm.s32 $0x9;
	_ =	strace $0x80000048  }
0xb3: {  	_ =	swait.ge [sflag:s29], $0x1  }
0xb4: {  	[sflag:s29] =	ssyncadd.s32 $0xFFFFFFFF  }
0xb5: {  	_ =	strace $0x90000048  }
0xb6: {  	_ =	sfence  }
0xb7: {  	s30 =	sld [smem:$0x0];
	_ =	sdelay $0x2  }
0xb8: {  	s31 =	sshll.u32 s1, $0xD;
	s1 =	sshrl.u32 s1, $0x2  }
0xb9: {  	s3 =	sand.u32 $0x4000, s31;
	s1 =	sadd.s32 s1, s30  }
0xba: {  	s0 =	sor.u32 s3, s0;
	s1 =	sshll.u32 s1, $0x11  }
0xbb: {  	s0 =	sor.u32 s1, s0  }
0xbc: {  	s0 =	sadd.s32 $0x8F2B, s0  }
0xbd: {  	[sflag:s0] =	ssyncadd.remote.s32 $0x1  }
0xbe: {  	_ =	sfence.sel $0xFFFF  }
0xbf: {  	[dreg:$0x0] =	wrdreg $0xFFFFFFFF;
	(pc) =	sbr.abs _section_cstart, $3  }
0xc0: {  	[dreg:$0x1] =	wrdreg $0xFFFFFFFF  }
0xc1: {  	_ =	task.clear_ibuf [dreg:s7], $0x2FFFF;
	_ =	strace $0x9FFFFFFF  }
0xc2: {  	(tm) =	ssettm $0x7FFFFFFF  }
0xc3: {  	_ =	shalt  }
tec
execute0_lowered:
.L_overlay_start_1:
0x0: {  	(tag) =	ssettag $0x1  }
0x1: {  	s0 =	rddreg [dreg:$0x0]  }
0x2: {  	s1 =	rddreg [dreg:$0x1];
	s2 =	simm.s32 $0x0;
	s3 =	srdreg.scid  }
0x3: {  	s14 =	stileid.u32;
	[smem:$0x7FF] =	sst s2  }
0x4: {  	s4 =	sand.u32 $0x1, s3;
	s5 =	sshll.u32 s14, $0x1;
	s11 =	smul.u32 $0x9C40, s14  }
0x5: {  	s3 =	sadd.s32 $0xBE00, s0;
	s22 =	sadd.s32 $0x2000, s0;
	s26 =	smul.u32 $0x4E20, s14  }
0x6: {  	s25 =	sadd.s32 $0x15C00, s0;
	s10 =	sshrl.u32 s14, $0x1;
	s9 =	smul.u32 $0x9C400, s4  }
0x7: {  	s0 =	sadd.s32 $0x1B400, s0;
	s15 =	sand.u32 $0x1, s14;
	s13 =	smul.u32 $0x13880, s10  }
0x8: {  	_ =	strace $0x80000047;
	p0 =	seq.s32 s15, $0x1;
	s15 =	smul.u32 $0x9C40, s10  }
0x9: {  	s5 =	sor.u32 s4, s5;
	s28 =	smul.u32 $0x2710, s4;
	[dreg:$0x3] =	wrdreg s22  }
0xa: {  	s6 =	ssub.s32 $0x2, s4;
	[dreg:$0x4] =	wrdreg s25;
	s7 =	smul.u32 $0x2710, s5  }
0xb: {  	s8 =	sshrl.u32 s6, $0x1;
	s12 =	sand.u32 $0x3, s5;
	s19 =	smul.u32 $0x4E20, s5  }
0xc: {  	s5 =	smul.u32 $0x27100, s5;
	s8 =	ssub.s32 s6, s8;
	s6 =	simm.s32 $0x27100  }
0xd: {  	s12 =	smul.u32 $0x2710, s12;
	s16 =	sadd.s32 s9, s13;
	s9 =	sadd.s32 s11, s9  }
0xe: {  	s6 =	simm.s32 @!p0 $0x0;
	s9 =	sshrl.u32 s9, $0x3;
	s14 =	smax.u32 s8, $0x1  }
0xf: {  	s10 =	sadd.s32 s12, s16;
	s9 =	sadd.s32 s1, s9;
	[dreg:$0x10] =	wrdreg s14  }
0x10: {  	s16 =	sadd.s32 s28, s26;
	s26 =	sor.u32 $0x70, s6;
	[dreg:$0x6] =	wrdreg s9  }
0x11: {  	s17 =	sshrl.u32 s6, $0x3;
	s28 =	sadd.s32 $0x3EF0, s6;
	[dreg:$0x17] =	wrdreg s26  }
0x12: {  	s18 =	sadd.s32 s3, s17;
	s10 =	sshrl.u32 s10, $0x3;
	[dreg:$0x18] =	wrdreg s28  }
0x13: {  	[dreg:$0x5] =	wrdreg s18;
	s10 =	sadd.s32 s1, s10;
	s1 =	sadd.s32 s0, s19  }
0x14: {  	s24 =	sshrl.u32 s5, $0x3;
	s13 =	sadd.s32 $0x1760, s7;
	[dreg:$0xb] =	wrdreg s1  }
0x15: {  	s4 =	sadd.s32 $0x1F30, s7;
	s20 =	sadd.s32 $0x1388, s10;
	[dreg:$0x7] =	wrdreg s10  }
0x16: {  	s8 =	simm.s32 $0x2710;
	s21 =	sadd.s32 $0xFA, s10;
	[dreg:$0x8] =	wrdreg s20  }
0x17: {  	s0 =	sadd.s32 s0, s24;
	s23 =	sadd.s32 $0x1482, s10;
	[dreg:$0x9] =	wrdreg s21  }
0x18: {  	s12 =	sadd.s32 $0xF90, s7;
	s29 =	sadd.s32 $0xFA0, s0;
	[dreg:$0xa] =	wrdreg s23  }
0x19: {  	s14 =	simm.s32 $0x7D0;
	s30 =	sadd.s32 $0x1F40, s0;
	[dreg:$0xc] =	wrdreg s29  }
0x1a: {  	s9 =	sadd.s32 $0x7C0, s7;
	s11 =	sadd.s32 $0x2EE0, s0;
	[dreg:$0xd] =	wrdreg s30  }
0x1b: {  	s17 =	sadd.s32 $0x2700, s7;
	s0 =	sadd.s32 $0x3E80, s0;
	[dreg:$0xe] =	wrdreg s11  }
0x1c: {  	s31 =	sadd.s32 $0x17A0, s16;
	s18 =	sadd.s32 $0x1F4, s10;
	[dreg:$0xf] =	wrdreg s0  }
0x1d: {  	s7 =	simm.s32 $0x1;
	s19 =	sadd.s32 $0x157C, s10;
	[dreg:$0x11] =	wrdreg s18  }
0x1e: {  	s24 =	sadd.s32 $0x1770, s10;
	s1 =	simm.s32 $0x11170;
	[dreg:$0x12] =	wrdreg s19  }
0x1f: {  	s20 =	sadd.s32 $0x2EE, s10;
	s21 =	sadd.s32 $0x1676, s10;
	[dreg:$0x16] =	wrdreg s24  }
0x20: {  	s23 =	sadd.s32 $0x3E8, s10;
	s29 =	sadd.s32 $0x800, s16;
	[dreg:$0x13] =	wrdreg s20  }
0x21: {  	s30 =	sadd.s32 $0xFD0, s16;
	s0 =	sadd.s32 $0x1F70, s16;
	[dreg:$0x14] =	wrdreg s21  }
0x22: {  	v1 =	vlaneseq.u32;
	v7 =	vimm.s32 $0xFFFFFFFF;
	s10 =	simm.s32 $0x2;
	s11 =	simm.s32 $0x7;
	[dreg:$0x15] =	wrdreg s23  }
0x23: {  	v0 =	vmov s15;
	v4 =	vor.u32 s13, v1;
	v5 =	vor.u32 s4, v1;
	s19 =	simm.s32 $0x16F30;
	s24 =	simm.s32 $0x0;
	[dreg:$0x19] =	wrdreg s29  }
0x24: {  	v3 =	vor.u32 s12, v1;
	v2 =	vor.u32 s9, v1;
	v6 =	vor.u32 s17, v1;
	[dreg:$0x1a] =	wrdreg s30;
	s21 =	simm.s32 $0x5;
	s23 =	simm.s32 $0x6  }
.LBB2_1:
0x25: {  	s4 =	simm.s32 $0x2750  }
0x26: {  	[tilespmem:s4+$0xFFFFFFC0] =	vst v7  }
0x27: {  	[tilespmem:s4+$0x30] =	vst v7  }
0x28: {  	[tilespmem:s4+$0x20] =	vst v7  }
0x29: {  	[tilespmem:s4+$0x10] =	vst v7  }
0x2a: {  	[tilespmem:s4+$0x0] =	vst v7  }
0x2b: {  	[tilespmem:s4+$0xFFFFFFF0] =	vst v7  }
0x2c: {  	s5 =	simm.s32 $0x0;
	[tilespmem:s4+$0xFFFFFFE0] =	vst v7  }
.LBB2_2:
0x2d: {  	s5 =	sadd.s32 $0x8, s5;
	[tilespmem:s4+$0xFFFFFFD0] =	vst v7;
	s4 =	sadd.s32 $0x80, s4  }
0x2e: {  	[tilespmem:s4+$0xFFFFFFC0] =	vst v7;
	p0 =	slt.u32 s5, $0x9B8  }
0x2f: {  	[tilespmem:s4+$0x30] =	vst v7  }
.Ltmp0:
0x30: {  	[tilespmem:s4+$0x20] =	vst v7;
	(pc) =	sbr.rel @p0 .LBB2_2-.Ltmp0, $4  }
0x31: {  	[tilespmem:s4+$0x10] =	vst v7  }
0x32: {  	[tilespmem:s4+$0x0] =	vst v7  }
0x33: {  	[tilespmem:s4+$0xFFFFFFF0] =	vst v7  }
0x34: {  	[tilespmem:s4+$0xFFFFFFE0] =	vst v7  }
0x35: {  	[tilespmem:s4+$0xFFFFFFD0] =	vst v7;
	s4 =	simm.s32 $0x0  }
.LBB2_4:
0x36: {  	p0 =	sne.s32 s4, $0xC0  }
.Ltmp1:
0x37: {  	_ = 	snop;
	(pc) =	sbr.rel @p0 .LBB2_4-.Ltmp1, $3  }
0x38: {  	_ =	sdelay $0x1  }
0x39: {  	s5 =	sshra.s32 s4, $0x2  }
0x3a: {  	s4 =	sadd.s32 $0x40, s4;
	[tilespmem:s5+$0xC310] =	vst v7  }
0x3b: {  	s4 =	rddreg [dreg:$0x5]  }
0x3c: {  	s28 =	rddreg [dreg:$0x18]  }
0x3d: {  	s25 =	simm.s32 $0x0;
	s5 =	simm.s32 $0xD2F0;
	s13 =	rddreg [dreg:$0x17]  }
0x3e: {  	[tilespmem:s5], [sflag:$0x1] =	stream.linear.gather [hbm4b:s4+s25], $0x3E80, $0x38;
	[tilespmem:$0x1EC30] =	vst v63  }
.LBB2_6:
0x3f: {  	s4 =	smul.u32 $0x7D00, s25;
	_ =	sdelay $0x1  }
0x40: {  	s9 =	sadd.s32 s6, s4  }
0x41: {  	s4 =	sshrl.u32 s9, $0x3  }
0x42: {  	s4 =	sadd.s32 s3, s4  }
0x43: {  	s4 =	sadd.s32 $0x7D0, s4  }
0x44: {  	[tilespmem:s1], [sflag:$0x2] =	stream.linear.gather [hbm4b:s4+s2], $0x3E80, $0x38;
	[tilespmem:$0x1EC30] =	vst v63  }
0x45: {  	_ =	swait.ge [sflag:s7], $0x3E80  }
0x46: {  	[sflag:s7] =	ssyncset.done $0x0  }
0x47: {  	s15 =	simm.s32 $0xD330;
	[sflag:s7] =	ssyncadd.s32 $0xFFFFC180  }
0x48: {  	v8 =	vld [tilespmem:s15+$0x30]  }
0x49: {  	v11 =	vld [tilespmem:s15+$0xFFFFFFD0]  }
0x4a: {  	v14 =	vld [tilespmem:s15+$0xFFFFFFE0]  }
0x4b: {  	v21 =	vld [tilespmem:s15+$0x0]  }
0x4c: {  	v22 =	vld [tilespmem:s15+$0x10]  }
0x4d: {  	v26 =	vld [tilespmem:s15+$0x20]  }
0x4e: {  	v18 =	vld [tilespmem:s15+$0xFFFFFFC0]  }
0x4f: {  	v9 =	vsub.s32 v8, v0  }
0x50: {  	v10 =	vand.u32 $0x7, v8;
	v27 =	vsub.s32 v11, v0;
	v8 =	vsub.s32 v14, v0  }
0x51: {  	v30 =	vand.u32 $0x7, v11;
	v13 =	vsub.s32 v21, v0;
	v19 =	vand.u32 $0x7, v14  }
0x52: {  	v20 =	vld [tilespmem:s15+$0xFFFFFFF0];
	v14 =	vsub.s32 v22, v0;
	v17 =	vsub.s32 v26, v0;
	v11 =	vor.u32 s13, v1  }
0x53: {  	v23 =	vsub.s32 v18, v0;
	vm1 =	vlt.u32 v9, $0x9C40;
	v9 =	vand.u32 $0xFFFFFFF8, v9  }
0x54: {  	v31 =	vand.u32 $0x7, v18;
	v25 =	vand.u32 $0x7, v21;
	v28 =	vor.u32 v10, v9  }
0x55: {  	v24 =	vand.u32 $0x7, v22;
	v22 =	vand.u32 $0x7, v26;
	v29 =	vand.u32 $0xFFFFFFF8, v27  }
0x56: {  	s12 =	simm.s32 $0x0;
	v15 =	vand.u32 $0xFFFFFFF8, v13;
	v16 =	vand.u32 $0xFFFFFFF8, v14;
	v18 =	vand.u32 $0xFFFFFFF8, v17  }
0x57: {  	s18 =	sadd.s32 $0xFFFFFF90, s13;
	s22 =	sadd.s32 $0xFFFFFFA0, s13;
	s17 =	sadd.s32 $0xFFFFFFB0, s13;
	vm0 =	vlt.u32 v23, $0x9C40;
	v32 =	vand.u32 $0xFFFFFFF8, v23;
	v23 =	vand.u32 $0x7, v20  }
0x58: {  	s29 =	sadd.s32 $0xFFFFFFC0, s13;
	s5 =	sadd.s32 $0xFFFFFFD0, s13;
	s30 =	sadd.s32 $0xFFFFFFF0, s13;
	vm2 =	vlt.u32 v27, $0x9C40;
	v9 =	vand.u32 $0xFFFFFFF8, v8;
	v10 =	vsub.s32 v20, v0  }
0x59: {  	s20 =	simm.s32 $0xD3B0;
	s26 =	smov.u32 s13;
	s4 =	sadd.s32 $0xFFFFFFE0, s13;
	v21 =	vor.u32 v31, v32;
	v20 =	vor.u32 v30, v29;
	v12 =	vand.u32 $0xFFFFFFF8, v10;
	[tilespmem:v28+s8+$0x0] =	vst.idx.msk vm1, v11  }
.LBB2_7:
0x5a: {  	v26 =	vld [tilespmem:s20+$0x30];
	s12 =	sadd.s32 $0x8, s12;
	vm6 =	vlt.u32 v8, $0x9C40;
	v19 =	vor.u32 v19, v9;
	vm4 =	vlt.u32 v10, $0x9C40  }
0x5b: {  	v23 =	vor.u32 v23, v12;
	vm5 =	vlt.u32 v13, $0x9C40;
	v25 =	vor.u32 v25, v15;
	v27 =	vld [tilespmem:s20+$0xFFFFFFD0];
	p0 =	slt.u32 s12, $0x3E0  }
0x5c: {  	vm3 =	vlt.u32 v14, $0x9C40;
	v24 =	vor.u32 v24, v16;
	vm1 =	vlt.u32 v17, $0x9C40;
	v15 =	vld [tilespmem:s20+$0xFFFFFFE0]  }
0x5d: {  	v8 =	vor.u32 s18, v1;
	v9 =	vor.u32 s22, v1;
	v22 =	vor.u32 v22, v18;
	v28 =	vld [tilespmem:s20+$0xFFFFFFF0]  }
0x5e: {  	v12 =	vor.u32 s17, v1;
	v14 =	vor.u32 s29, v1;
	v16 =	vor.u32 s5, v1;
	v29 =	vld [tilespmem:s20+$0x0]  }
0x5f: {  	v18 =	vor.u32 s4, v1;
	v30 =	vld [tilespmem:s20+$0x10];
	v10 =	vsub.s32 v26, v0;
	[tilespmem:v21+s8+$0x0] =	vst.idx.msk vm0, v8;
	v21 =	vor.u32 s30, v1  }
0x60: {  	v13 =	vand.u32 $0x7, v26;
	v31 =	vld [tilespmem:s20+$0x20];
	vm0 =	vlt.u32 v10, $0x9C40;
	v10 =	vand.u32 $0xFFFFFFF8, v10;
	[tilespmem:v20+s8+$0x0] =	vst.idx.msk vm2, v9  }
0x61: {  	v26 =	vsub.s32 v27, v0;
	v20 =	vld [tilespmem:s20+$0xFFFFFFC0];
	v8 =	vsub.s32 v15, v0;
	v32 =	vor.u32 v13, v10  }
0x62: {  	v33 =	vand.u32 $0xFFFFFFF8, v26;
	v9 =	vand.u32 $0xFFFFFFF8, v8;
	v10 =	vsub.s32 v28, v0;
	[tilespmem:v19+s8+$0x0] =	vst.idx.msk vm6, v12  }
0x63: {  	s26 =	sadd.s32 $0x80, s26;
	v27 =	vand.u32 $0x7, v27;
	v12 =	vand.u32 $0xFFFFFFF8, v10;
	v13 =	vsub.s32 v29, v0;
	[tilespmem:v23+s8+$0x0] =	vst.idx.msk vm4, v14  }
0x64: {  	s18 =	sadd.s32 $0xFFFFFF90, s26;
	v19 =	vand.u32 $0x7, v15;
	v15 =	vand.u32 $0xFFFFFFF8, v13;
	v14 =	vsub.s32 v30, v0;
	[tilespmem:v25+s8+$0x0] =	vst.idx.msk vm5, v16  }
.Ltmp2:
0x65: {  	s22 =	sadd.s32 $0xFFFFFFA0, s26;
	s17 =	sadd.s32 $0xFFFFFFB0, s26;
	v23 =	vor.u32 s26, v1;
	v16 =	vand.u32 $0xFFFFFFF8, v14;
	v17 =	vsub.s32 v31, v0;
	[tilespmem:v24+s8+$0x0] =	vst.idx.msk vm3, v18;
	(pc) =	sbr.rel @p0 .LBB2_7-.Ltmp2, $4  }
0x66: {  	s29 =	sadd.s32 $0xFFFFFFC0, s26;
	s5 =	sadd.s32 $0xFFFFFFD0, s26;
	s4 =	sadd.s32 $0xFFFFFFE0, s26;
	v24 =	vsub.s32 v20, v0;
	v20 =	vand.u32 $0x7, v20;
	v18 =	vand.u32 $0xFFFFFFF8, v17;
	[tilespmem:v32+s8+$0x0] =	vst.idx.msk vm0, v23  }
0x67: {  	s30 =	sadd.s32 $0xFFFFFFF0, s26;
	v25 =	vand.u32 $0x7, v29;
	v23 =	vand.u32 $0x7, v28;
	v32 =	vand.u32 $0xFFFFFFF8, v24;
	[tilespmem:v22+s8+$0x0] =	vst.idx.msk vm1, v21  }
0x68: {  	vm0 =	vlt.u32 v24, $0x9C40;
	v24 =	vand.u32 $0x7, v30;
	v22 =	vand.u32 $0x7, v31  }
0x69: {  	vm2 =	vlt.u32 v26, $0x9C40;
	s20 =	sadd.s32 $0x80, s20;
	v21 =	vor.u32 v20, v32;
	v20 =	vor.u32 v27, v33  }
0x6a: {  	_ = 	snop  }
0x6b: {  	vm1 =	vlt.u32 v8, $0x9C40  }
0x6c: {  	v8 =	vor.u32 v19, v9;
	vm3 =	vlt.u32 v10, $0x9C40  }
0x6d: {  	v9 =	vor.u32 v23, v12;
	vm4 =	vlt.u32 v13, $0x9C40  }
0x6e: {  	v10 =	vor.u32 v25, v15;
	vm5 =	vlt.u32 v14, $0x9C40;
	v12 =	vor.u32 s18, v1  }
0x6f: {  	v13 =	vor.u32 v24, v16;
	vm6 =	vlt.u32 v17, $0x9C40;
	v14 =	vor.u32 s22, v1;
	[tilespmem:v21+s8+$0x0] =	vst.idx.msk vm0, v12  }
0x70: {  	v15 =	vor.u32 s17, v1;
	v12 =	vor.u32 v22, v18;
	[tilespmem:v20+s8+$0x0] =	vst.idx.msk vm2, v14  }
0x71: {  	v14 =	vor.u32 s29, v1;
	[tilespmem:v8+s8+$0x0] =	vst.idx.msk vm1, v15  }
0x72: {  	v8 =	vor.u32 s5, v1;
	[tilespmem:v9+s8+$0x0] =	vst.idx.msk vm3, v14  }
0x73: {  	v9 =	vor.u32 s4, v1;
	[tilespmem:v10+s8+$0x0] =	vst.idx.msk vm4, v8  }
0x74: {  	v8 =	vor.u32 s30, v1;
	[tilespmem:v13+s8+$0x0] =	vst.idx.msk vm5, v9  }
0x75: {  	[tilespmem:v12+s8+$0x0] =	vst.idx.msk vm6, v8  }
0x76: {  	v8 =	vld [tilespmem:s15+$0x30]  }
0x77: {  	v9 =	vld [tilespmem:s15+$0xFFFFFFD0]  }
0x78: {  	v10 =	vld [tilespmem:s15+$0xFFFFFFE0]  }
0x79: {  	v13 =	vld [tilespmem:s15+$0x0];
	_ =	sdelay $0x1  }
0x7a: {  	s18 =	sadd.s32 $0xFFFFFF90, s13;
	s22 =	sadd.s32 $0xFFFFFFA0, s13;
	v15 =	vld [tilespmem:s15+$0xFFFFFFC0]  }
0x7b: {  	v25 =	vimm.s32 $0x0;
	v29 =	vor.u32 s18, v1;
	v36 =	vor.u32 s22, v1  }
0x7c: {  	v12 =	vld [tilespmem:s15+$0xFFFFFFF0];
	v14 =	vsub.s32 v8, v0;
	v8 =	vand.u32 $0x7, v8;
	v16 =	vsub.s32 v9, v0  }
0x7d: {  	v19 =	vld [tilespmem:s15+$0x20];
	v17 =	vsub.s32 v10, v0;
	v9 =	vand.u32 $0x7, v9;
	v22 =	vsub.s32 v13, v0  }
0x7e: {  	v18 =	vld [tilespmem:s15+$0x10];
	v10 =	vand.u32 $0x7, v10;
	vm0 =	vlt.u32 v14, $0x9C40;
	v14 =	vand.u32 $0xFFFFFFF8, v14  }
0x7f: {  	v23 =	vsub.s32 v15, v0;
	v15 =	vand.u32 $0x7, v15;
	v26 =	vor.u32 v8, v14  }
0x80: {  	v20 =	vand.u32 $0xFFFFFFF8, v17;
	v24 =	vand.u32 $0xFFFFFFF8, v23;
	vm1 =	vlt.u32 v23, $0x9C40  }
0x81: {  	v23 =	vand.u32 $0xFFFFFFF8, v22;
	vm5 =	vlt.u32 v16, $0x9C40;
	vm2 =	vlt.u32 v17, $0x9C40  }
0x82: {  	v17 =	vsub.s32 v19, v0;
	vm3 =	vlt.u32 v22, $0x9C40;
	v8 =	vand.u32 $0xFFFFFFF8, v16  }
0x83: {  	v14 =	vsub.s32 v12, v0;
	v27 =	vor.u32 v15, v24;
	v15 =	vsub.s32 v18, v0  }
0x84: {  	vm8 =	vlt.u32 v17, $0x9C40;
	v21 =	vand.u32 $0xFFFFFFF8, v14;
	v28 =	vor.u32 v9, v8;
	v16 =	vld.idx.msk [tilespmem:v26+s8+$0x0], vm0  }
0x85: {  	s26 =	simm.s32 $0xD3B0;
	v9 =	vand.u32 $0x7, v12;
	v8 =	vor.u32 v10, v20;
	v10 =	vand.u32 $0xFFFFFFF8, v15  }
0x86: {  	v24 =	vld [tilespmem:s26+$0xFFFFFFE0];
	v20 =	vand.u32 $0xFFFFFFF8, v17;
	v12 =	vand.u32 $0x7, v13;
	v13 =	vand.u32 $0x7, v18  }
0x87: {  	s30 =	sadd.s32 $0xFFFFFFD0, s13;
	v18 =	vand.u32 $0x7, v19;
	vm4 =	vlt.u32 v14, $0x9C40;
	vm6 =	vlt.u32 v15, $0x9C40  }
0x88: {  	v17 =	vor.u32 s30, v1;
	v14 =	vor.u32 v9, v21;
	v12 =	vor.u32 v12, v23;
	v23 =	vld [tilespmem:s26+$0xFFFFFFD0]  }
0x89: {  	s12 =	sadd.s32 $0xFFFFFFB0, s13;
	v9 =	vor.u32 v13, v10;
	v10 =	vor.u32 v18, v20;
	v19 =	vld.idx.msk [tilespmem:v27+s8+$0x0], vm1;
	vm7 =	vlt.s32 v16, v11  }
0x8a: {  	s29 =	sadd.s32 $0xFFFFFFC0, s13;
	v22 =	vld [tilespmem:s26+$0x30];
	v13 =	vor.u32 s12, v1;
	vm11 =	vmand vm0, vm7;
	vm0 =	vmmov vm2  }
0x8b: {  	s12 =	sadd.s32 $0xFFFFFFF0, s13;
	v18 =	vor.u32 s29, v1;
	v34 =	vsub.s32 v24, v0;
	v21 =	vld.idx.msk [tilespmem:v28+s8+$0x0], vm5;
	v25 =	vsel vm0, $0xFFFFFFFF, v25  }
0x8c: {  	s20 =	sadd.s32 $0xFFFFFFE0, s13;
	v15 =	vor.u32 s12, v1;
	v24 =	vand.u32 $0x7, v24;
	v20 =	vld.idx.msk [tilespmem:v8+s8+$0x0], vm2;
	v35 =	vand.u32 $0xFFFFFFF8, v34;
	[tilespmem:$0x1FFD0] =	vst v25  }
0x8d: {  	v33 =	vsub.s32 v23, v0;
	v23 =	vand.u32 $0x7, v23;
	v16 =	vor.u32 s20, v1;
	v25 =	vld [tilespmem:s26+$0xFFFFFFF0]  }
0x8e: {  	vm2 =	vmmov vm4;
	vm4 =	vmmov vm3;
	vm0 =	vlt.s32 v19, v29;
	v19 =	vld [tilespmem:s26+$0x0]  }
0x8f: {  	vm3 =	vmmov vm6;
	vm6 =	vlt.u32 v33, $0x9C40;
	vm15 =	vmand vm1, vm0;
	v30 =	vld [tilespmem:s26+$0x10]  }
0x90: {  	vm0 =	vlt.s32 v21, v36;
	vm1 =	vmmov vm8;
	v21 =	vsub.s32 v22, v0;
	v31 =	vld [tilespmem:s26+$0xFFFFFFC0]  }
0x91: {  	s15 =	sadd.s32 $0x80, s13;
	vm8 =	vlt.u32 v34, $0x9C40;
	vm14 =	vmand vm5, vm0;
	vm5 =	vlt.s32 v20, v13;
	v32 =	vld [tilespmem:s26+$0x20]  }
0x92: {  	s20 =	sadd.s32 $0xFFFFFFB0, s15;
	vm13 =	vlt.u32 v21, $0x9C40;
	v20 =	vand.u32 $0xFFFFFFF8, v21;
	v21 =	vand.u32 $0x7, v22  }
0x93: {  	v34 =	vor.u32 s20, v1;
	v22 =	vor.u32 v21, v20;
	v20 =	vand.u32 $0xFFFFFFF8, v33  }
0x94: {  	v20 =	vor.u32 v23, v20;
	v37 =	vsub.s32 v25, v0;
	v39 =	vsub.s32 v19, v0  }
0x95: {  	v41 =	vsub.s32 v30, v0;
	v42 =	vand.u32 $0x7, v25;
	v25 =	vsub.s32 v31, v0  }
0x96: {  	v44 =	vsub.s32 v32, v0;
	v21 =	vand.u32 $0x7, v31;
	v23 =	vand.u32 $0x7, v19  }
0x97: {  	v30 =	vand.u32 $0x7, v30;
	v32 =	vand.u32 $0x7, v32;
	v19 =	vimm.s32 $0x0  }
0x98: {  	v38 =	vand.u32 $0xFFFFFFF8, v37;
	v40 =	vand.u32 $0xFFFFFFF8, v39;
	v43 =	vand.u32 $0xFFFFFFF8, v41  }
0x99: {  	v31 =	vand.u32 $0xFFFFFFF8, v25;
	v45 =	vand.u32 $0xFFFFFFF8, v44;
	vm7 =	vlt.u32 v25, $0x9C40  }
0x9a: {  	v25 =	vor.u32 v24, v35;
	v19 =	vsel vm2, $0xFFFFFFFF, v19;
	v24 =	vimm.s32 $0x0  }
0x9b: {  	v46 =	vld.idx.msk [tilespmem:v22+s8+$0x0], vm13;
	vm9 =	vlt.u32 v37, $0x9C40;
	v35 =	vor.u32 s15, v1;
	[tilespmem:$0x1FFE0] =	vst v19;
	v24 =	vsel vm4, $0xFFFFFFFF, v24  }
0x9c: {  	vm10 =	vlt.u32 v39, $0x9C40;
	vm12 =	vlt.u32 v41, $0x9C40;
	v21 =	vor.u32 v21, v31;
	v47 =	vld.idx.msk [tilespmem:v14+s8+$0x0], vm2;
	[tilespmem:$0x1FFF0] =	vst v24  }
0x9d: {  	s18 =	sadd.s32 $0xFFFFFFA0, s15;
	v19 =	vor.u32 v42, v38;
	v23 =	vor.u32 v23, v40;
	v24 =	vor.u32 v30, v43;
	v63 =	vld.idx.msk [tilespmem:v12+s8+$0x0], vm4  }
0x9e: {  	s17 =	sadd.s32 $0xFFFFFF90, s15;
	vm2 =	vmmov vm3;
	v30 =	vor.u32 s18, v1;
	v31 =	vld.idx.msk [tilespmem:v9+s8+$0x0], vm3;
	[tilespmem:v26+s8+$0x0] =	vst.idx.msk vm11, v11;
	vm4 =	vmmov vm1  }
0x9f: {  	s22 =	sadd.s32 $0xFFFFFFC0, s15;
	s26 =	sadd.s32 $0xFFFFFFD0, s15;
	v33 =	vld.idx.msk [tilespmem:v10+s8+$0x0], vm1;
	vm1 =	vmmov vm5;
	v11 =	vor.u32 v32, v45;
	[tilespmem:v27+s8+$0x0] =	vst.idx.msk vm15, v29;
	v32 =	vor.u32 s17, v1  }
0xa0: {  	s30 =	sadd.s32 $0xFFFFFFF0, s15;
	s29 =	sadd.s32 $0xFFFFFFE0, s15;
	[tilespmem:v28+s8+$0x0] =	vst.idx.msk vm14, v36;
	v38 =	vld.idx.msk [tilespmem:v20+s8+$0x0], vm6;
	v29 =	vor.u32 s22, v1;
	v28 =	vor.u32 s26, v1;
	vm0 =	vlt.s32 v46, v35  }
0xa1: {  	v26 =	vor.u32 s29, v1;
	v27 =	vor.u32 s30, v1;
	v36 =	vld.idx.msk [tilespmem:v25+s8+$0x0], vm8;
	vm11 =	vmand vm13, vm0  }
0xa2: {  	s12 =	simm.s32 $0xD430;
	s20 =	simm.s32 $0x8;
	vm13 =	vlt.u32 v44, $0x9C40;
	v37 =	vld.idx.msk [tilespmem:v21+s8+$0x0], vm7;
	vm3 =	vlt.s32 v47, v18;
	vm14 =	vlt.s32 v63, v17  }
.LBB2_9:
0xa3: {  	v39 =	vld [tilespmem:s12+$0x30]  }
0xa4: {  	v40 =	vld [tilespmem:$0x1FFD0]  }
0xa5: {  	vm15 =	vlt.s32 v31, v16;
	v31 =	vld [tilespmem:s12+$0xFFFFFFD0]  }
0xa6: {  	v53 =	vld [tilespmem:$0x1FFE0]  }
0xa7: {  	v55 =	vld [tilespmem:s12+$0xFFFFFFE0]  }
0xa8: {  	v61 =	vld [tilespmem:s12+$0xFFFFFFF0]  }
0xa9: {  	v62 =	vld [tilespmem:s12+$0x0]  }
0xaa: {  	[tilespmem:v22+s8+$0x0] =	vst.idx.msk vm11, v35;
	v22 =	vimm.s32 $0x0;
	v63 =	vld [tilespmem:s12+$0x10]  }
0xab: {  	v56 =	vld [tilespmem:s12+$0x20];
	v43 =	vimm.s32 $0x0;
	s15 =	sadd.s32 $0x80, s15;
	vm15 =	vmand vm2, vm15;
	vm2 =	vmmov vm9  }
0xac: {  	vm9 =	vmmov vm13;
	v35 =	vor.u32 s15, v1;
	v43 =	vsel vm2, $0xFFFFFFFF, v43  }
0xad: {  	v54 =	vld [tilespmem:$0x1FFF0];
	vm0 =	vnez.u8 v40;
	vm5 =	vnez.u8 v53;
	v57 =	vsub.s32 v31, v0  }
0xae: {  	v58 =	vsub.s32 v55, v0;
	v42 =	vsub.s32 v61, v0;
	v45 =	vsub.s32 v62, v0  }
0xaf: {  	v47 =	vand.u32 $0x7, v55;
	v49 =	vsub.s32 v63, v0;
	v61 =	vand.u32 $0x7, v61  }
0xb0: {  	v51 =	vsub.s32 v56, v0;
	v62 =	vand.u32 $0x7, v62;
	v63 =	vand.u32 $0x7, v63  }
0xb1: {  	vm0 =	vmand vm0, vm1;
	vm1 =	vlt.s32 v33, v15;
	vm5 =	vmand vm5, vm3  }
0xb2: {  	vm3 =	vnez.u8 v54;
	v59 =	vand.u32 $0xFFFFFFF8, v57;
	v41 =	vand.u32 $0xFFFFFFF8, v58  }
0xb3: {  	vm3 =	vmand vm3, vm14;
	vm14 =	vmand vm4, vm1;
	vm1 =	vmmov vm8  }
0xb4: {  	v44 =	vand.u32 $0xFFFFFFF8, v42;
	v22 =	vsel vm1, $0xFFFFFFFF, v22;
	vm1 =	vlt.s32 v37, v32  }
0xb5: {  	v48 =	vand.u32 $0xFFFFFFF8, v45;
	vm7 =	vmand vm7, vm1;
	vm1 =	vlt.s32 v38, v30  }
0xb6: {  	v50 =	vand.u32 $0xFFFFFFF8, v49;
	v33 =	vld.idx.msk [tilespmem:v11+s8+$0x0], vm13;
	vm13 =	vlt.u32 v51, $0x9C40;
	[tilespmem:$0x1FFD0] =	vst v22;
	vm6 =	vmand vm6, vm1  }
0xb7: {  	vm4 =	vmmov vm10;
	vm8 =	vmmov vm12;
	v22 =	vsub.s32 v39, v0;
	[tilespmem:v8+s8+$0x0] =	vst.idx.msk vm0, v13;
	v8 =	vmovc v25;
	v25 =	vld [tilespmem:s12+$0xFFFFFFC0]  }
0xb8: {  	v46 =	vld.idx.msk [tilespmem:v23+s8+$0x0], vm10;
	v39 =	vand.u32 $0x7, v39;
	vm11 =	vlt.u32 v22, $0x9C40;
	v22 =	vand.u32 $0xFFFFFFF8, v22  }
0xb9: {  	v60 =	vld.idx.msk [tilespmem:v19+s8+$0x0], vm2;
	vm10 =	vlt.u32 v45, $0x9C40;
	vm2 =	vmmov vm8;
	v22 =	vor.u32 v39, v22;
	[tilespmem:v14+s8+$0x0] =	vst.idx.msk vm5, v18  }
0xba: {  	vm8 =	vlt.u32 v58, $0x9C40;
	vm1 =	vlt.s32 v36, v34;
	v18 =	vand.u32 $0x7, v31;
	v31 =	vld.idx.msk [tilespmem:v24+s8+$0x0], vm12;
	[tilespmem:v9+s8+$0x0] =	vst.idx.msk vm15, v16  }
0xbb: {  	v36 =	vand.u32 $0x7, v56;
	v14 =	vimm.s32 $0x0;
	v9 =	vmovc v24;
	vm12 =	vlt.u32 v49, $0x9C40;
	[tilespmem:v12+s8+$0x0] =	vst.idx.msk vm3, v17  }
0xbc: {  	v24 =	vor.u32 v63, v50;
	[tilespmem:v20+s8+$0x0] =	vst.idx.msk vm6, v30;
	v17 =	vsub.s32 v25, v0;
	v20 =	vand.u32 $0x7, v25  }
0xbd: {  	[tilespmem:v21+s8+$0x0] =	vst.idx.msk vm7, v32;
	v25 =	vor.u32 v47, v41;
	v16 =	vand.u32 $0xFFFFFFF8, v17;
	vm7 =	vlt.u32 v17, $0x9C40  }
0xbe: {  	s20 =	sadd.s32 $0x8, s20;
	s17 =	sadd.s32 $0xFFFFFFB0, s15;
	v14 =	vsel vm4, $0xFFFFFFFF, v14;
	v52 =	vld.idx.msk [tilespmem:v22+s8+$0x0], vm11;
	vm6 =	vlt.u32 v57, $0x9C40;
	v21 =	vor.u32 v20, v16  }
0xbf: {  	p0 =	slt.u32 s20, $0x3E0;
	s29 =	sadd.s32 $0xFFFFFFF0, s15;
	v13 =	vmovc v34;
	v34 =	vor.u32 s17, v1;
	vm4 =	vmmov vm9;
	[tilespmem:v10+s8+$0x0] =	vst.idx.msk vm14, v15;
	v20 =	vor.u32 v18, v59  }
.Ltmp3:
0xc0: {  	s4 =	sadd.s32 $0xFFFFFF90, s15;
	v12 =	vmovc v23;
	vm9 =	vlt.u32 v42, $0x9C40;
	v15 =	vmovc v27;
	v23 =	vor.u32 v62, v48;
	v27 =	vor.u32 s29, v1;
	(pc) =	sbr.rel @p0 .LBB2_9-.Ltmp3, $4  }
0xc1: {  	s5 =	sadd.s32 $0xFFFFFFA0, s15;
	s18 =	sadd.s32 $0xFFFFFFC0, s15;
	[tilespmem:$0x1FFF0] =	vst v14;
	v32 =	vor.u32 s4, v1;
	v30 =	vand.u32 $0xFFFFFFF8, v51;
	v14 =	vmovc v19;
	v19 =	vor.u32 v61, v44  }
0xc2: {  	s22 =	sadd.s32 $0xFFFFFFD0, s15;
	v10 =	vmovc v11;
	v11 =	vor.u32 v36, v30;
	v30 =	vor.u32 s5, v1;
	v18 =	vmovc v29;
	v29 =	vor.u32 s18, v1;
	v36 =	vld.idx.msk [tilespmem:v25+s8+$0x0], vm8  }
0xc3: {  	s26 =	sadd.s32 $0xFFFFFFE0, s15;
	v17 =	vmovc v28;
	v28 =	vor.u32 s22, v1;
	vm3 =	vlt.s32 v60, v18;
	vm0 =	vlt.s32 v52, v35;
	v37 =	vld.idx.msk [tilespmem:v21+s8+$0x0], vm7  }
0xc4: {  	[tilespmem:$0x1FFE0] =	vst v43;
	s12 =	sadd.s32 $0x80, s12;
	v16 =	vmovc v26;
	v26 =	vor.u32 s26, v1;
	vm14 =	vlt.s32 v46, v17;
	vm11 =	vmand vm11, vm0;
	v38 =	vld.idx.msk [tilespmem:v20+s8+$0x0], vm6  }
0xc5: {  	v39 =	vld [tilespmem:$0x1FFD0]  }
0xc6: {  	v54 =	vld [tilespmem:$0x1FFE0]  }
0xc7: {  	vm15 =	vmmov vm1;
	vm1 =	vmmov vm9;
	vm9 =	vmmov vm12;
	v55 =	vld [tilespmem:$0x1FFF0]  }
0xc8: {  	vm0 =	vmmov vm13;
	_ =	sdelay $0x1  }
0xc9: {  	vm5 =	vmmov vm10;
	vm13 =	vnez.u8 v39  }
0xca: {  	vm12 =	vnez.u8 v54;
	vm10 =	vmand vm13, vm15  }
0xcb: {  	vm12 =	vmand vm12, vm3;
	vm3 =	vnez.u8 v55  }
0xcc: {  	vm13 =	vlt.s32 v37, v32;
	v58 =	vld.idx.msk [tilespmem:v24+s8+$0x0], vm9;
	vm3 =	vmand vm3, vm14  }
0xcd: {  	[tilespmem:v22+s8+$0x0] =	vst.idx.msk vm11, v35;
	vm15 =	vlt.s32 v38, v30;
	v22 =	vld.idx.msk [tilespmem:v11+s8+$0x0], vm0;
	vm13 =	vmand vm7, vm13  }
0xce: {  	v56 =	vld.idx.msk [tilespmem:v19+s8+$0x0], vm1;
	vm6 =	vmand vm6, vm15;
	vm14 =	vlt.s32 v31, v16  }
0xcf: {  	v57 =	vld.idx.msk [tilespmem:v23+s8+$0x0], vm5;
	vm15 =	vlt.s32 v33, v15;
	vm7 =	vmand vm2, vm14  }
0xd0: {  	vm8 =	vmmov vm8;
	vm11 =	vmand vm4, vm15;
	vm4 =	vlt.s32 v36, v34;
	[tilespmem:v8+s8+$0x0] =	vst.idx.msk vm10, v13  }
0xd1: {  	vm2 =	vmand vm8, vm4;
	vm14 =	vlt.s32 v58, v26;
	[tilespmem:v14+s8+$0x0] =	vst.idx.msk vm12, v18  }
0xd2: {  	vm15 =	vlt.s32 v22, v27;
	vm4 =	vmand vm9, vm14;
	[tilespmem:v12+s8+$0x0] =	vst.idx.msk vm3, v17  }
0xd3: {  	vm12 =	vlt.s32 v56, v29;
	vm0 =	vmand vm0, vm15;
	[tilespmem:v21+s8+$0x0] =	vst.idx.msk vm13, v32  }
0xd4: {  	vm1 =	vmand vm1, vm12;
	vm3 =	vlt.s32 v57, v28;
	[tilespmem:v20+s8+$0x0] =	vst.idx.msk vm6, v30  }
0xd5: {  	vm3 =	vmand vm5, vm3;
	[tilespmem:v9+s8+$0x0] =	vst.idx.msk vm7, v16  }
0xd6: {  	[tilespmem:v10+s8+$0x0] =	vst.idx.msk vm11, v15  }
0xd7: {  	[tilespmem:v25+s8+$0x0] =	vst.idx.msk vm2, v34  }
0xd8: {  	p0 =	seq.s32 s25, $0x4;
	[tilespmem:v24+s8+$0x0] =	vst.idx.msk vm4, v26  }
0xd9: {  	s4 =	sshrl.u32 @!p0 s9, $0x3;
	[tilespmem:v11+s8+$0x0] =	vst.idx.msk vm0, v27  }
0xda: {  	s4 =	sadd.s32 @!p0 s3, s4;
	[tilespmem:v19+s8+$0x0] =	vst.idx.msk vm1, v29  }
0xdb: {  	s5 =	simm.s32 @!p0 $0x0;
	s9 =	simm.s32 @!p0 $0xD2F0;
	s4 =	sadd.s32 @!p0 $0xFA0, s4;
	[tilespmem:v23+s8+$0x0] =	vst.idx.msk vm3, v28  }
0xdc: {  	[tilespmem:s9], [sflag:$0x1] =	stream.linear.gather @!p0 [hbm4b:s4+s5], $0x3E80, $0x38;
	[tilespmem:$0x1EC30] =	vst v63  }
0xdd: {  	_ =	swait.ge [sflag:s10], $0x3E80  }
0xde: {  	[sflag:s10] =	ssyncset.done $0x0  }
0xdf: {  	s9 =	simm.s32 $0x111B0;
	[sflag:s10] =	ssyncadd.s32 $0xFFFFC180  }
0xe0: {  	v8 =	vld [tilespmem:s9+$0x30]  }
0xe1: {  	v11 =	vld [tilespmem:s9+$0xFFFFFFD0]  }
0xe2: {  	v14 =	vld [tilespmem:s9+$0xFFFFFFE0]  }
0xe3: {  	v21 =	vld [tilespmem:s9+$0x0]  }
0xe4: {  	v22 =	vld [tilespmem:s9+$0x10]  }
0xe5: {  	v26 =	vld [tilespmem:s9+$0x20]  }
0xe6: {  	v18 =	vld [tilespmem:s9+$0xFFFFFFC0]  }
0xe7: {  	v20 =	vld [tilespmem:s9+$0xFFFFFFF0];
	v9 =	vsub.s32 v8, v0  }
0xe8: {  	v10 =	vand.u32 $0x7, v8;
	v27 =	vsub.s32 v11, v0;
	v8 =	vsub.s32 v14, v0  }
0xe9: {  	v61 =	vand.u32 $0x7, v11;
	v13 =	vsub.s32 v21, v0;
	v19 =	vand.u32 $0x7, v14  }
0xea: {  	v14 =	vsub.s32 v22, v0;
	v17 =	vsub.s32 v26, v0;
	v11 =	vor.u32 s28, v1  }
0xeb: {  	v25 =	vsub.s32 v18, v0;
	vm0 =	vlt.u32 v9, $0x9C40;
	v9 =	vand.u32 $0xFFFFFFF8, v9  }
0xec: {  	v62 =	vand.u32 $0x7, v18;
	v24 =	vand.u32 $0x7, v20;
	v59 =	vor.u32 v10, v9  }
0xed: {  	v23 =	vand.u32 $0x7, v21;
	v60 =	vand.u32 $0xFFFFFFF8, v27;
	v15 =	vand.u32 $0xFFFFFFF8, v13  }
0xee: {  	s12 =	simm.s32 $0x0;
	v16 =	vand.u32 $0xFFFFFFF8, v14;
	v18 =	vand.u32 $0xFFFFFFF8, v17;
	v63 =	vand.u32 $0xFFFFFFF8, v25  }
0xef: {  	s22 =	sadd.s32 $0xFFFFFFA0, s28;
	s17 =	sadd.s32 $0xFFFFFFB0, s28;
	s18 =	sadd.s32 $0xFFFFFFC0, s28;
	vm1 =	vlt.u32 v25, $0x9C40;
	v25 =	vand.u32 $0x7, v22;
	v22 =	vand.u32 $0x7, v26  }
0xf0: {  	s26 =	sadd.s32 $0xFFFFFFE0, s28;
	s29 =	sadd.s32 $0xFFFFFFF0, s28;
	s15 =	simm.s32 $0x11230;
	vm2 =	vlt.u32 v27, $0x9C40;
	v9 =	vand.u32 $0xFFFFFFF8, v8;
	v10 =	vsub.s32 v20, v0  }
0xf1: {  	s20 =	smov.u32 s28;
	s4 =	sadd.s32 $0xFFFFFF90, s28;
	s5 =	sadd.s32 $0xFFFFFFD0, s28;
	v21 =	vor.u32 v62, v63;
	v20 =	vor.u32 v61, v60;
	v12 =	vand.u32 $0xFFFFFFF8, v10;
	[tilespmem:v59+s8+$0x0] =	vst.idx.msk vm0, v11  }
.LBB2_11:
0xf2: {  	v26 =	vld [tilespmem:s15+$0x30];
	s12 =	sadd.s32 $0x8, s12;
	vm6 =	vlt.u32 v8, $0x9C40;
	v19 =	vor.u32 v19, v9;
	vm4 =	vlt.u32 v10, $0x9C40  }
0xf3: {  	v24 =	vor.u32 v24, v12;
	vm5 =	vlt.u32 v13, $0x9C40;
	v23 =	vor.u32 v23, v15;
	v27 =	vld [tilespmem:s15+$0xFFFFFFD0];
	p0 =	slt.u32 s12, $0x3E0  }
0xf4: {  	vm3 =	vlt.u32 v14, $0x9C40;
	v25 =	vor.u32 v25, v16;
	vm0 =	vlt.u32 v17, $0x9C40;
	v15 =	vld [tilespmem:s15+$0xFFFFFFE0]  }
0xf5: {  	v8 =	vor.u32 s4, v1;
	v9 =	vor.u32 s22, v1;
	v22 =	vor.u32 v22, v18;
	v28 =	vld [tilespmem:s15+$0xFFFFFFF0]  }
0xf6: {  	v12 =	vor.u32 s17, v1;
	v14 =	vor.u32 s18, v1;
	v16 =	vor.u32 s5, v1;
	v29 =	vld [tilespmem:s15+$0x0]  }
0xf7: {  	v18 =	vor.u32 s26, v1;
	v30 =	vld [tilespmem:s15+$0x10];
	v10 =	vsub.s32 v26, v0;
	[tilespmem:v21+s8+$0x0] =	vst.idx.msk vm1, v8;
	v21 =	vor.u32 s29, v1  }
0xf8: {  	v13 =	vand.u32 $0x7, v26;
	v31 =	vld [tilespmem:s15+$0x20];
	vm1 =	vlt.u32 v10, $0x9C40;
	v10 =	vand.u32 $0xFFFFFFF8, v10;
	[tilespmem:v20+s8+$0x0] =	vst.idx.msk vm2, v9  }
0xf9: {  	v26 =	vsub.s32 v27, v0;
	v20 =	vld [tilespmem:s15+$0xFFFFFFC0];
	v8 =	vsub.s32 v15, v0;
	v32 =	vor.u32 v13, v10  }
0xfa: {  	v33 =	vand.u32 $0xFFFFFFF8, v26;
	v9 =	vand.u32 $0xFFFFFFF8, v8;
	v10 =	vsub.s32 v28, v0;
	[tilespmem:v19+s8+$0x0] =	vst.idx.msk vm6, v12  }
0xfb: {  	s20 =	sadd.s32 $0x80, s20;
	v27 =	vand.u32 $0x7, v27;
	v12 =	vand.u32 $0xFFFFFFF8, v10;
	v13 =	vsub.s32 v29, v0;
	[tilespmem:v24+s8+$0x0] =	vst.idx.msk vm4, v14  }
0xfc: {  	s4 =	sadd.s32 $0xFFFFFF90, s20;
	v19 =	vand.u32 $0x7, v15;
	v15 =	vand.u32 $0xFFFFFFF8, v13;
	v14 =	vsub.s32 v30, v0;
	[tilespmem:v23+s8+$0x0] =	vst.idx.msk vm5, v16  }
.Ltmp4:
0xfd: {  	s22 =	sadd.s32 $0xFFFFFFA0, s20;
	s17 =	sadd.s32 $0xFFFFFFB0, s20;
	v23 =	vor.u32 s20, v1;
	v16 =	vand.u32 $0xFFFFFFF8, v14;
	v17 =	vsub.s32 v31, v0;
	[tilespmem:v25+s8+$0x0] =	vst.idx.msk vm3, v18;
	(pc) =	sbr.rel @p0 .LBB2_11-.Ltmp4, $4  }
0xfe: {  	s18 =	sadd.s32 $0xFFFFFFC0, s20;
	s5 =	sadd.s32 $0xFFFFFFD0, s20;
	s26 =	sadd.s32 $0xFFFFFFE0, s20;
	v25 =	vsub.s32 v20, v0;
	v20 =	vand.u32 $0x7, v20;
	v18 =	vand.u32 $0xFFFFFFF8, v17;
	[tilespmem:v32+s8+$0x0] =	vst.idx.msk vm1, v23  }
0xff: {  	s29 =	sadd.s32 $0xFFFFFFF0, s20;
	v24 =	vand.u32 $0x7, v28;
	v23 =	vand.u32 $0x7, v29;
	v32 =	vand.u32 $0xFFFFFFF8, v25;
	[tilespmem:v22+s8+$0x0] =	vst.idx.msk vm0, v21  }
0x100: {  	vm1 =	vlt.u32 v25, $0x9C40;
	v25 =	vand.u32 $0x7, v30;
	v22 =	vand.u32 $0x7, v31  }
0x101: {  	vm2 =	vlt.u32 v26, $0x9C40;
	s15 =	sadd.s32 $0x80, s15;
	v21 =	vor.u32 v20, v32;
	v20 =	vor.u32 v27, v33  }
0x102: {  	_ = 	snop  }
0x103: {  	vm0 =	vlt.u32 v8, $0x9C40  }
0x104: {  	v8 =	vor.u32 v19, v9;
	vm3 =	vlt.u32 v10, $0x9C40  }
0x105: {  	v9 =	vor.u32 v24, v12;
	vm4 =	vlt.u32 v13, $0x9C40  }
0x106: {  	v10 =	vor.u32 v23, v15;
	vm5 =	vlt.u32 v14, $0x9C40;
	v12 =	vor.u32 s4, v1  }
0x107: {  	v13 =	vor.u32 v25, v16;
	vm6 =	vlt.u32 v17, $0x9C40;
	v14 =	vor.u32 s22, v1;
	[tilespmem:v21+s8+$0x0] =	vst.idx.msk vm1, v12  }
0x108: {  	v15 =	vor.u32 s17, v1;
	v12 =	vor.u32 v22, v18;
	[tilespmem:v20+s8+$0x0] =	vst.idx.msk vm2, v14  }
0x109: {  	v14 =	vor.u32 s18, v1;
	[tilespmem:v8+s8+$0x0] =	vst.idx.msk vm0, v15  }
0x10a: {  	v8 =	vor.u32 s5, v1;
	[tilespmem:v9+s8+$0x0] =	vst.idx.msk vm3, v14  }
0x10b: {  	v9 =	vor.u32 s26, v1;
	[tilespmem:v10+s8+$0x0] =	vst.idx.msk vm4, v8  }
0x10c: {  	v8 =	vor.u32 s29, v1;
	[tilespmem:v13+s8+$0x0] =	vst.idx.msk vm5, v9  }
0x10d: {  	[tilespmem:v12+s8+$0x0] =	vst.idx.msk vm6, v8  }
0x10e: {  	v8 =	vld [tilespmem:s9+$0x30]  }
0x10f: {  	v9 =	vld [tilespmem:s9+$0xFFFFFFD0]  }
0x110: {  	v10 =	vld [tilespmem:s9+$0xFFFFFFE0]  }
0x111: {  	v13 =	vld [tilespmem:s9+$0x0];
	_ =	sdelay $0x1  }
0x112: {  	s20 =	sadd.s32 $0xFFFFFF90, s28;
	s22 =	sadd.s32 $0xFFFFFFA0, s28;
	v15 =	vld [tilespmem:s9+$0xFFFFFFC0]  }
0x113: {  	v25 =	vimm.s32 $0x0;
	v29 =	vor.u32 s20, v1;
	v36 =	vor.u32 s22, v1  }
0x114: {  	v12 =	vld [tilespmem:s9+$0xFFFFFFF0];
	v14 =	vsub.s32 v8, v0;
	v8 =	vand.u32 $0x7, v8;
	v16 =	vsub.s32 v9, v0  }
0x115: {  	v19 =	vld [tilespmem:s9+$0x20];
	v17 =	vsub.s32 v10, v0;
	v9 =	vand.u32 $0x7, v9;
	v22 =	vsub.s32 v13, v0  }
0x116: {  	v18 =	vld [tilespmem:s9+$0x10];
	v10 =	vand.u32 $0x7, v10;
	vm0 =	vlt.u32 v14, $0x9C40;
	v14 =	vand.u32 $0xFFFFFFF8, v14  }
0x117: {  	v23 =	vsub.s32 v15, v0;
	v15 =	vand.u32 $0x7, v15;
	v26 =	vor.u32 v8, v14  }
0x118: {  	v20 =	vand.u32 $0xFFFFFFF8, v17;
	v24 =	vand.u32 $0xFFFFFFF8, v23;
	vm1 =	vlt.u32 v23, $0x9C40  }
0x119: {  	v23 =	vand.u32 $0xFFFFFFF8, v22;
	vm5 =	vlt.u32 v16, $0x9C40;
	vm2 =	vlt.u32 v17, $0x9C40  }
0x11a: {  	v17 =	vsub.s32 v19, v0;
	vm3 =	vlt.u32 v22, $0x9C40;
	v8 =	vand.u32 $0xFFFFFFF8, v16  }
0x11b: {  	v14 =	vsub.s32 v12, v0;
	v27 =	vor.u32 v15, v24;
	v15 =	vsub.s32 v18, v0  }
0x11c: {  	vm8 =	vlt.u32 v17, $0x9C40;
	v21 =	vand.u32 $0xFFFFFFF8, v14;
	v28 =	vor.u32 v9, v8;
	v16 =	vld.idx.msk [tilespmem:v26+s8+$0x0], vm0  }
0x11d: {  	s12 =	simm.s32 $0x11230;
	v9 =	vand.u32 $0x7, v12;
	v8 =	vor.u32 v10, v20;
	v10 =	vand.u32 $0xFFFFFFF8, v15  }
0x11e: {  	v24 =	vld [tilespmem:s12+$0xFFFFFFE0];
	v20 =	vand.u32 $0xFFFFFFF8, v17;
	v12 =	vand.u32 $0x7, v13;
	v13 =	vand.u32 $0x7, v18  }
0x11f: {  	s29 =	sadd.s32 $0xFFFFFFD0, s28;
	s9 =	sadd.s32 $0xFFFFFFF0, s28;
	v18 =	vand.u32 $0x7, v19;
	vm4 =	vlt.u32 v14, $0x9C40;
	vm6 =	vlt.u32 v15, $0x9C40  }
0x120: {  	v17 =	vor.u32 s29, v1;
	v15 =	vor.u32 s9, v1;
	v12 =	vor.u32 v12, v23;
	v23 =	vld [tilespmem:s12+$0xFFFFFFD0]  }
0x121: {  	v14 =	vor.u32 v9, v21;
	v9 =	vor.u32 v13, v10;
	v19 =	vld.idx.msk [tilespmem:v27+s8+$0x0], vm1;
	vm7 =	vlt.s32 v16, v11  }
0x122: {  	s26 =	sadd.s32 $0xFFFFFFB0, s28;
	v22 =	vld [tilespmem:s12+$0x30];
	v10 =	vor.u32 v18, v20;
	vm11 =	vmand vm0, vm7;
	vm0 =	vmmov vm2  }
0x123: {  	s15 =	sadd.s32 $0xFFFFFFC0, s28;
	v13 =	vor.u32 s26, v1;
	v34 =	vsub.s32 v24, v0;
	v21 =	vld.idx.msk [tilespmem:v28+s8+$0x0], vm5;
	v25 =	vsel vm0, $0xFFFFFFFF, v25  }
0x124: {  	s30 =	sadd.s32 $0xFFFFFFE0, s28;
	v18 =	vor.u32 s15, v1;
	v24 =	vand.u32 $0x7, v24;
	v20 =	vld.idx.msk [tilespmem:v8+s8+$0x0], vm2;
	v35 =	vand.u32 $0xFFFFFFF8, v34;
	[tilespmem:$0x1FFA0] =	vst v25  }
0x125: {  	v33 =	vsub.s32 v23, v0;
	v23 =	vand.u32 $0x7, v23;
	v16 =	vor.u32 s30, v1;
	v25 =	vld [tilespmem:s12+$0xFFFFFFF0]  }
0x126: {  	vm2 =	vmmov vm4;
	vm4 =	vmmov vm3;
	vm0 =	vlt.s32 v19, v29;
	v19 =	vld [tilespmem:s12+$0x0]  }
0x127: {  	vm3 =	vmmov vm6;
	vm6 =	vlt.u32 v33, $0x9C40;
	vm15 =	vmand vm1, vm0;
	v30 =	vld [tilespmem:s12+$0x10]  }
0x128: {  	vm0 =	vlt.s32 v21, v36;
	vm1 =	vmmov vm8;
	v21 =	vsub.s32 v22, v0;
	v31 =	vld [tilespmem:s12+$0xFFFFFFC0]  }
0x129: {  	s9 =	sadd.s32 $0x80, s28;
	vm8 =	vlt.u32 v34, $0x9C40;
	vm14 =	vmand vm5, vm0;
	vm5 =	vlt.s32 v20, v13;
	v32 =	vld [tilespmem:s12+$0x20]  }
0x12a: {  	s20 =	sadd.s32 $0xFFFFFFB0, s9;
	vm13 =	vlt.u32 v21, $0x9C40;
	v20 =	vand.u32 $0xFFFFFFF8, v21;
	v21 =	vand.u32 $0x7, v22  }
0x12b: {  	v34 =	vor.u32 s20, v1;
	v22 =	vor.u32 v21, v20;
	v20 =	vand.u32 $0xFFFFFFF8, v33  }
0x12c: {  	v20 =	vor.u32 v23, v20;
	v37 =	vsub.s32 v25, v0;
	v39 =	vsub.s32 v19, v0  }
0x12d: {  	v41 =	vsub.s32 v30, v0;
	v42 =	vand.u32 $0x7, v25;
	v25 =	vsub.s32 v31, v0  }
0x12e: {  	v44 =	vsub.s32 v32, v0;
	v21 =	vand.u32 $0x7, v31;
	v23 =	vand.u32 $0x7, v19  }
0x12f: {  	v30 =	vand.u32 $0x7, v30;
	v32 =	vand.u32 $0x7, v32;
	v19 =	vimm.s32 $0x0  }
0x130: {  	v38 =	vand.u32 $0xFFFFFFF8, v37;
	v40 =	vand.u32 $0xFFFFFFF8, v39;
	v43 =	vand.u32 $0xFFFFFFF8, v41  }
0x131: {  	v31 =	vand.u32 $0xFFFFFFF8, v25;
	v45 =	vand.u32 $0xFFFFFFF8, v44;
	vm7 =	vlt.u32 v25, $0x9C40  }
0x132: {  	v25 =	vor.u32 v24, v35;
	v19 =	vsel vm2, $0xFFFFFFFF, v19;
	v24 =	vimm.s32 $0x0  }
0x133: {  	v46 =	vld.idx.msk [tilespmem:v22+s8+$0x0], vm13;
	vm9 =	vlt.u32 v37, $0x9C40;
	v35 =	vor.u32 s9, v1;
	[tilespmem:$0x1FFB0] =	vst v19;
	v24 =	vsel vm4, $0xFFFFFFFF, v24  }
0x134: {  	vm10 =	vlt.u32 v39, $0x9C40;
	vm12 =	vlt.u32 v41, $0x9C40;
	v21 =	vor.u32 v21, v31;
	v47 =	vld.idx.msk [tilespmem:v14+s8+$0x0], vm2;
	[tilespmem:$0x1FFC0] =	vst v24  }
0x135: {  	s18 =	sadd.s32 $0xFFFFFFA0, s9;
	v19 =	vor.u32 v42, v38;
	v23 =	vor.u32 v23, v40;
	v24 =	vor.u32 v30, v43;
	v63 =	vld.idx.msk [tilespmem:v12+s8+$0x0], vm4  }
0x136: {  	s17 =	sadd.s32 $0xFFFFFF90, s9;
	vm2 =	vmmov vm3;
	v30 =	vor.u32 s18, v1;
	v31 =	vld.idx.msk [tilespmem:v9+s8+$0x0], vm3;
	[tilespmem:v26+s8+$0x0] =	vst.idx.msk vm11, v11;
	vm4 =	vmmov vm1  }
0x137: {  	s22 =	sadd.s32 $0xFFFFFFC0, s9;
	s26 =	sadd.s32 $0xFFFFFFD0, s9;
	v33 =	vld.idx.msk [tilespmem:v10+s8+$0x0], vm1;
	vm1 =	vmmov vm5;
	v11 =	vor.u32 v32, v45;
	[tilespmem:v27+s8+$0x0] =	vst.idx.msk vm15, v29;
	v32 =	vor.u32 s17, v1  }
0x138: {  	s29 =	sadd.s32 $0xFFFFFFE0, s9;
	s30 =	sadd.s32 $0xFFFFFFF0, s9;
	[tilespmem:v28+s8+$0x0] =	vst.idx.msk vm14, v36;
	v38 =	vld.idx.msk [tilespmem:v20+s8+$0x0], vm6;
	v28 =	vor.u32 s22, v1;
	v29 =	vor.u32 s26, v1;
	vm0 =	vlt.s32 v46, v35  }
0x139: {  	v26 =	vor.u32 s29, v1;
	v27 =	vor.u32 s30, v1;
	v36 =	vld.idx.msk [tilespmem:v25+s8+$0x0], vm8;
	vm11 =	vmand vm13, vm0  }
0x13a: {  	s15 =	simm.s32 $0x8;
	s12 =	simm.s32 $0x112B0;
	vm13 =	vlt.u32 v44, $0x9C40;
	v37 =	vld.idx.msk [tilespmem:v21+s8+$0x0], vm7;
	vm3 =	vlt.s32 v47, v18;
	vm14 =	vlt.s32 v63, v17  }
.LBB2_13:
0x13b: {  	v39 =	vld [tilespmem:s12+$0x30]  }
0x13c: {  	v40 =	vld [tilespmem:$0x1FFA0]  }
0x13d: {  	vm15 =	vlt.s32 v31, v16;
	v31 =	vld [tilespmem:s12+$0xFFFFFFD0]  }
0x13e: {  	v53 =	vld [tilespmem:$0x1FFB0]  }
0x13f: {  	v55 =	vld [tilespmem:s12+$0xFFFFFFE0]  }
0x140: {  	v61 =	vld [tilespmem:s12+$0xFFFFFFF0]  }
0x141: {  	v62 =	vld [tilespmem:s12+$0x0]  }
0x142: {  	[tilespmem:v22+s8+$0x0] =	vst.idx.msk vm11, v35;
	v22 =	vimm.s32 $0x0;
	v63 =	vld [tilespmem:s12+$0x10]  }
0x143: {  	v56 =	vld [tilespmem:s12+$0x20];
	v43 =	vimm.s32 $0x0;
	s9 =	sadd.s32 $0x80, s9;
	vm15 =	vmand vm2, vm15;
	vm2 =	vmmov vm9  }
0x144: {  	vm9 =	vmmov vm13;
	v35 =	vor.u32 s9, v1;
	v43 =	vsel vm2, $0xFFFFFFFF, v43  }
0x145: {  	v54 =	vld [tilespmem:$0x1FFC0];
	vm0 =	vnez.u8 v40;
	vm5 =	vnez.u8 v53;
	v57 =	vsub.s32 v31, v0  }
0x146: {  	v58 =	vsub.s32 v55, v0;
	v42 =	vsub.s32 v61, v0;
	v45 =	vsub.s32 v62, v0  }
0x147: {  	v47 =	vand.u32 $0x7, v55;
	v49 =	vsub.s32 v63, v0;
	v61 =	vand.u32 $0x7, v61  }
0x148: {  	v51 =	vsub.s32 v56, v0;
	v62 =	vand.u32 $0x7, v62;
	v63 =	vand.u32 $0x7, v63  }
0x149: {  	vm0 =	vmand vm0, vm1;
	vm1 =	vlt.s32 v33, v15;
	vm5 =	vmand vm5, vm3  }
0x14a: {  	vm3 =	vnez.u8 v54;
	v59 =	vand.u32 $0xFFFFFFF8, v57;
	v41 =	vand.u32 $0xFFFFFFF8, v58  }
0x14b: {  	vm3 =	vmand vm3, vm14;
	vm14 =	vmand vm4, vm1;
	vm1 =	vmmov vm8  }
0x14c: {  	v44 =	vand.u32 $0xFFFFFFF8, v42;
	v22 =	vsel vm1, $0xFFFFFFFF, v22;
	vm1 =	vlt.s32 v37, v32  }
0x14d: {  	v48 =	vand.u32 $0xFFFFFFF8, v45;
	vm7 =	vmand vm7, vm1;
	vm1 =	vlt.s32 v38, v30  }
0x14e: {  	v50 =	vand.u32 $0xFFFFFFF8, v49;
	v33 =	vld.idx.msk [tilespmem:v11+s8+$0x0], vm13;
	vm13 =	vlt.u32 v51, $0x9C40;
	[tilespmem:$0x1FFA0] =	vst v22;
	vm6 =	vmand vm6, vm1  }
0x14f: {  	vm4 =	vmmov vm10;
	vm8 =	vmmov vm12;
	v22 =	vsub.s32 v39, v0;
	[tilespmem:v8+s8+$0x0] =	vst.idx.msk vm0, v13;
	v8 =	vmovc v25;
	v25 =	vld [tilespmem:s12+$0xFFFFFFC0]  }
0x150: {  	v46 =	vld.idx.msk [tilespmem:v23+s8+$0x0], vm10;
	v39 =	vand.u32 $0x7, v39;
	vm11 =	vlt.u32 v22, $0x9C40;
	v22 =	vand.u32 $0xFFFFFFF8, v22  }
0x151: {  	v60 =	vld.idx.msk [tilespmem:v19+s8+$0x0], vm2;
	vm10 =	vlt.u32 v45, $0x9C40;
	vm2 =	vmmov vm8;
	v22 =	vor.u32 v39, v22;
	[tilespmem:v14+s8+$0x0] =	vst.idx.msk vm5, v18  }
0x152: {  	vm8 =	vlt.u32 v58, $0x9C40;
	vm1 =	vlt.s32 v36, v34;
	v18 =	vand.u32 $0x7, v31;
	v31 =	vld.idx.msk [tilespmem:v24+s8+$0x0], vm12;
	[tilespmem:v9+s8+$0x0] =	vst.idx.msk vm15, v16  }
0x153: {  	v36 =	vand.u32 $0x7, v56;
	v14 =	vimm.s32 $0x0;
	v9 =	vmovc v24;
	vm12 =	vlt.u32 v49, $0x9C40;
	[tilespmem:v12+s8+$0x0] =	vst.idx.msk vm3, v17  }
0x154: {  	v24 =	vor.u32 v63, v50;
	[tilespmem:v20+s8+$0x0] =	vst.idx.msk vm6, v30;
	v17 =	vsub.s32 v25, v0;
	v20 =	vand.u32 $0x7, v25  }
0x155: {  	[tilespmem:v21+s8+$0x0] =	vst.idx.msk vm7, v32;
	v25 =	vor.u32 v47, v41;
	v16 =	vand.u32 $0xFFFFFFF8, v17;
	vm7 =	vlt.u32 v17, $0x9C40  }
0x156: {  	s15 =	sadd.s32 $0x8, s15;
	s17 =	sadd.s32 $0xFFFFFFB0, s9;
	v14 =	vsel vm4, $0xFFFFFFFF, v14;
	v52 =	vld.idx.msk [tilespmem:v22+s8+$0x0], vm11;
	vm6 =	vlt.u32 v57, $0x9C40;
	v21 =	vor.u32 v20, v16  }
0x157: {  	p0 =	slt.u32 s15, $0x3E0;
	s26 =	sadd.s32 $0xFFFFFFF0, s9;
	v13 =	vmovc v34;
	v34 =	vor.u32 s17, v1;
	vm4 =	vmmov vm9;
	[tilespmem:v10+s8+$0x0] =	vst.idx.msk vm14, v15;
	v20 =	vor.u32 v18, v59  }
.Ltmp5:
0x158: {  	s4 =	sadd.s32 $0xFFFFFF90, s9;
	v12 =	vmovc v23;
	vm9 =	vlt.u32 v42, $0x9C40;
	v15 =	vmovc v27;
	v23 =	vor.u32 v62, v48;
	v27 =	vor.u32 s26, v1;
	(pc) =	sbr.rel @p0 .LBB2_13-.Ltmp5, $4  }
0x159: {  	s5 =	sadd.s32 $0xFFFFFFA0, s9;
	s18 =	sadd.s32 $0xFFFFFFC0, s9;
	[tilespmem:$0x1FFC0] =	vst v14;
	v32 =	vor.u32 s4, v1;
	v30 =	vand.u32 $0xFFFFFFF8, v51;
	v14 =	vmovc v19;
	v19 =	vor.u32 v61, v44  }
0x15a: {  	s20 =	sadd.s32 $0xFFFFFFD0, s9;
	v10 =	vmovc v11;
	v11 =	vor.u32 v36, v30;
	v30 =	vor.u32 s5, v1;
	v18 =	vmovc v28;
	v28 =	vor.u32 s18, v1;
	v36 =	vld.idx.msk [tilespmem:v25+s8+$0x0], vm8  }
0x15b: {  	s22 =	sadd.s32 $0xFFFFFFE0, s9;
	v17 =	vmovc v29;
	v29 =	vor.u32 s20, v1;
	vm3 =	vlt.s32 v60, v18;
	vm0 =	vlt.s32 v52, v35;
	v37 =	vld.idx.msk [tilespmem:v21+s8+$0x0], vm7  }
0x15c: {  	[tilespmem:$0x1FFB0] =	vst v43;
	s12 =	sadd.s32 $0x80, s12;
	v16 =	vmovc v26;
	v26 =	vor.u32 s22, v1;
	vm14 =	vlt.s32 v46, v17;
	vm11 =	vmand vm11, vm0;
	v38 =	vld.idx.msk [tilespmem:v20+s8+$0x0], vm6  }
0x15d: {  	v39 =	vld [tilespmem:$0x1FFA0]  }
0x15e: {  	v58 =	vld [tilespmem:$0x1FFB0]  }
0x15f: {  	vm15 =	vmmov vm1;
	vm1 =	vmmov vm9;
	v59 =	vld [tilespmem:$0x1FFC0]  }
0x160: {  	vm9 =	vmmov vm12  }
0x161: {  	vm0 =	vmmov vm13  }
0x162: {  	vm5 =	vmmov vm10;
	vm12 =	vnez.u8 v39  }
0x163: {  	vm10 =	vmand vm12, vm15;
	vm12 =	vnez.u8 v58  }
0x164: {  	vm13 =	vnez.u8 v59;
	vm12 =	vmand vm12, vm3  }
0x165: {  	v60 =	vld.idx.msk [tilespmem:v19+s8+$0x0], vm1;
	vm15 =	vlt.s32 v38, v30;
	vm3 =	vmand vm13, vm14  }
0x166: {  	v62 =	vld.idx.msk [tilespmem:v24+s8+$0x0], vm9;
	vm13 =	vlt.s32 v37, v32;
	vm6 =	vmand vm6, vm15  }
0x167: {  	v63 =	vld.idx.msk [tilespmem:v11+s8+$0x0], vm0;
	vm14 =	vlt.s32 v31, v16;
	vm13 =	vmand vm7, vm13  }
0x168: {  	[tilespmem:v22+s8+$0x0] =	vst.idx.msk vm11, v35;
	v61 =	vld.idx.msk [tilespmem:v23+s8+$0x0], vm5;
	vm15 =	vlt.s32 v33, v15;
	vm7 =	vmand vm2, vm14  }
0x169: {  	vm8 =	vmmov vm8;
	vm11 =	vmand vm4, vm15;
	vm2 =	vlt.s32 v36, v34;
	[tilespmem:v8+s8+$0x0] =	vst.idx.msk vm10, v13  }
0x16a: {  	vm2 =	vmand vm8, vm2;
	vm4 =	vlt.s32 v60, v28;
	[tilespmem:v14+s8+$0x0] =	vst.idx.msk vm12, v18  }
0x16b: {  	vm14 =	vlt.s32 v62, v26;
	vm1 =	vmand vm1, vm4;
	[tilespmem:v12+s8+$0x0] =	vst.idx.msk vm3, v17  }
0x16c: {  	vm15 =	vlt.s32 v63, v27;
	vm4 =	vmand vm9, vm14;
	[tilespmem:v20+s8+$0x0] =	vst.idx.msk vm6, v30  }
0x16d: {  	vm0 =	vmand vm0, vm15;
	vm12 =	vlt.s32 v61, v29;
	[tilespmem:v21+s8+$0x0] =	vst.idx.msk vm13, v32  }
0x16e: {  	s25 =	sadd.s32 $0x1, s25;
	vm3 =	vmand vm5, vm12;
	[tilespmem:v9+s8+$0x0] =	vst.idx.msk vm7, v16  }
0x16f: {  	p0 =	sne.s32 s25, $0x5;
	[tilespmem:v10+s8+$0x0] =	vst.idx.msk vm11, v15  }
.Ltmp6:
0x170: {  	[tilespmem:v25+s8+$0x0] =	vst.idx.msk vm2, v34;
	(pc) =	sbr.rel @p0 .LBB2_6-.Ltmp6, $4  }
0x171: {  	[tilespmem:v19+s8+$0x0] =	vst.idx.msk vm1, v28  }
0x172: {  	[tilespmem:v24+s8+$0x0] =	vst.idx.msk vm4, v26  }
0x173: {  	[tilespmem:v11+s8+$0x0] =	vst.idx.msk vm0, v27  }
0x174: {  	s13 =	sadd.s32 $0x7D00, s13;
	s28 =	sadd.s32 $0x7D00, s28;
	[tilespmem:v23+s8+$0x0] =	vst.idx.msk vm3, v29  }
0x175: {  	s4 =	rddreg [dreg:$0x6]  }
0x176: {  	[hbm4b:s4+s2] =	stream.linear.scatter [tilespmem:s8], [sflag:$0x7], $0x9C40, $0x38;
	[tilespmem:$0x1EC30] =	vst v63  }
0x177: {  	_ =	swait.ge [sflag:s11], $0x9C40  }
0x178: {  	[sflag:s11] =	ssyncset.done $0x0  }
0x179: {  	[sflag:s11] =	ssyncadd.s32 $0xFFFF63C0  }
0x17a: {  	[bflag:$0x0] =	sbarrier.arrive $0xFFFF  }
0x17b: {  	s13 =	simm.s32 $0xC350;
	s29 =	rddreg [dreg:$0x7]  }
0x17c: {  	[tilespmem:s13], [sflag:$0x7] =	stream.linear.gather [hbm4b:s29+s2], $0x7D0, $0x38;
	[tilespmem:$0x1EC30] =	vst v63  }
0x17d: {  	_ =	swait.ge [sflag:s11], $0x7D0  }
0x17e: {  	[sflag:s11] =	ssyncset.done $0x0  }
0x17f: {  	s15 =	simm.s32 $0xCB20;
	s30 =	rddreg [dreg:$0x8];
	[sflag:s11] =	ssyncadd.s32 $0xFFFFF830  }
0x180: {  	[tilespmem:s15], [sflag:$0x7] =	stream.linear.gather [hbm4b:s30+s2], $0x7D0, $0x38;
	[tilespmem:$0x1EC30] =	vst v63  }
0x181: {  	_ =	swait.ge [sflag:s11], $0x7D0  }
0x182: {  	[sflag:s11] =	ssyncset.done $0x0  }
0x183: {  	s12 =	simm.s32 $0xC370;
	[sflag:s11] =	ssyncadd.s32 $0xFFFFF830  }
0x184: {  	s5 =	simm.s32 $0xCB40;
	v14 =	vld [tilespmem:s12+$0x10]  }
0x185: {  	v15 =	vld [tilespmem:s5+$0x10]  }
0x186: {  	v10 =	vld [tilespmem:s5+$0xFFFFFFE0]  }
0x187: {  	v9 =	vld [tilespmem:s12+$0xFFFFFFF0]  }
0x188: {  	v12 =	vld [tilespmem:s5+$0xFFFFFFF0]  }
0x189: {  	v8 =	vld [tilespmem:s12+$0x0]  }
0x18a: {  	v11 =	vld [tilespmem:s5+$0x0];
	vm0 =	vgt.s32 v14, v15  }
0x18b: {  	s9 =	simm.s32 $0x0;
	s4 =	simm.s32 $0x20;
	v13 =	vld [tilespmem:s12+$0xFFFFFFE0];
	s12 =	simm.s32 $0xC3B0;
	v14 =	vsel vm0, v14, v15  }
.LBB2_16:
0x18c: {  	v15 =	vld [tilespmem:s12+$0x10];
	[tilespmem:s4+$0x10] =	vst v14;
	s5 =	sadd.s32 $0x40, s5  }
0x18d: {  	s9 =	sadd.s32 $0x4, s9;
	v14 =	vld [tilespmem:s5+$0x10];
	vm0 =	vgt.s32 v9, v12  }
0x18e: {  	p0 =	slt.u32 s9, $0x78;
	v16 =	vld [tilespmem:s5+$0xFFFFFFE0];
	v12 =	vsel vm0, v9, v12  }
.Ltmp7:
0x18f: {  	v9 =	vld [tilespmem:s12+$0xFFFFFFF0];
	[tilespmem:s4+$0xFFFFFFF0] =	vst v12;
	vm0 =	vgt.s32 v8, v11;
	(pc) =	sbr.rel @p0 .LBB2_16-.Ltmp7, $4  }
0x190: {  	v12 =	vld [tilespmem:s5+$0xFFFFFFF0];
	vm1 =	vgt.s32 v13, v10;
	v11 =	vsel vm0, v8, v11  }
0x191: {  	v8 =	vld [tilespmem:s12+$0x0];
	v17 =	vsel vm1, v13, v10;
	[tilespmem:s4+$0x0] =	vst v11  }
0x192: {  	v11 =	vld [tilespmem:s5+$0x0];
	vm0 =	vgt.s32 v15, v14;
	[tilespmem:s4+$0xFFFFFFE0] =	vst v17  }
0x193: {  	s4 =	sadd.s32 $0x40, s4;
	v13 =	vld [tilespmem:s12+$0xFFFFFFE0];
	v14 =	vsel vm0, v15, v14;
	s12 =	sadd.s32 $0x40, s12;
	v10 =	vmov v16  }
0x194: {  	_ =	sdelay $0x1  }
0x195: {  	vm0 =	vgt.s32 v9, v12  }
0x196: {  	[tilespmem:s4+$0x10] =	vst v14;
	v9 =	vsel vm0, v9, v12;
	vm13 =	vgt.s32 v8, v11  }
0x197: {  	[tilespmem:s4+$0xFFFFFFF0] =	vst v9;
	vm1 =	vgt.s32 v13, v10;
	v8 =	vsel vm13, v8, v11  }
0x198: {  	v9 =	vsel vm1, v13, v10;
	[tilespmem:s4+$0x0] =	vst v8  }
0x199: {  	[tilespmem:s4+$0xFFFFFFE0] =	vst v9  }
0x19a: {  	v8 =	vld [tilespmem:$0xCB10]  }
0x19b: {  	v9 =	vld [tilespmem:$0xD2E0];
	_ =	sdelay $0x4  }
0x19c: {  	vm14 =	vgt.s32 v8, v9  }
0x19d: {  	v8 =	vsel vm14, v8, v9  }
0x19e: {  	s4 =	rddreg [dreg:$0x9];
	[tilespmem:$0x7C0] =	vst v8  }
0x19f: {  	[tilespmem:s13], [sflag:$0x7] =	stream.linear.gather [hbm4b:s4+s2], $0x7D0, $0x38;
	[tilespmem:$0x1EC30] =	vst v63  }
0x1a0: {  	_ =	swait.ge [sflag:s11], $0x7D0  }
0x1a1: {  	[sflag:s11] =	ssyncset.done $0x0  }
0x1a2: {  	s30 =	rddreg [dreg:$0xa];
	[sflag:s11] =	ssyncadd.s32 $0xFFFFF830  }
0x1a3: {  	[tilespmem:s15], [sflag:$0x7] =	stream.linear.gather [hbm4b:s30+s2], $0x7D0, $0x38;
	[tilespmem:$0x1EC30] =	vst v63  }
0x1a4: {  	_ =	swait.ge [sflag:s11], $0x7D0  }
0x1a5: {  	[sflag:s11] =	ssyncset.done $0x0  }
0x1a6: {  	s12 =	simm.s32 $0xC370;
	[sflag:s11] =	ssyncadd.s32 $0xFFFFF830  }
0x1a7: {  	s5 =	simm.s32 $0xCB40;
	v14 =	vld [tilespmem:s12+$0x10]  }
0x1a8: {  	v15 =	vld [tilespmem:s5+$0x10]  }
0x1a9: {  	v10 =	vld [tilespmem:s5+$0xFFFFFFE0]  }
0x1aa: {  	v9 =	vld [tilespmem:s12+$0xFFFFFFF0]  }
0x1ab: {  	v12 =	vld [tilespmem:s5+$0xFFFFFFF0]  }
0x1ac: {  	s9 =	simm.s32 $0x0;
	s26 =	simm.s32 $0x14FF0;
	s28 =	simm.s32 $0x15F90;
	v8 =	vld [tilespmem:s12+$0x0]  }
0x1ad: {  	s29 =	simm.s32 $0x3;
	s20 =	simm.s32 $0x16760;
	s22 =	rddreg [dreg:$0x3];
	v11 =	vld [tilespmem:s5+$0x0];
	vm15 =	vgt.s32 v14, v15  }
0x1ae: {  	s4 =	simm.s32 $0x800;
	s25 =	rddreg [dreg:$0x4];
	v13 =	vld [tilespmem:s12+$0xFFFFFFE0];
	s12 =	simm.s32 $0xC3B0;
	v14 =	vsel vm15, v14, v15  }
.LBB2_18:
0x1af: {  	v15 =	vld [tilespmem:s12+$0x10];
	[tilespmem:s4+$0x0] =	vst v14;
	s5 =	sadd.s32 $0x40, s5  }
0x1b0: {  	s9 =	sadd.s32 $0x4, s9;
	v14 =	vld [tilespmem:s5+$0x10];
	vm0 =	vgt.s32 v9, v12  }
0x1b1: {  	p0 =	slt.u32 s9, $0x78;
	v16 =	vld [tilespmem:s5+$0xFFFFFFE0];
	v12 =	vsel vm0, v9, v12  }
.Ltmp8:
0x1b2: {  	v9 =	vld [tilespmem:s12+$0xFFFFFFF0];
	[tilespmem:s4+$0xFFFFFFE0] =	vst v12;
	vm0 =	vgt.s32 v8, v11;
	(pc) =	sbr.rel @p0 .LBB2_18-.Ltmp8, $4  }
0x1b3: {  	v12 =	vld [tilespmem:s5+$0xFFFFFFF0];
	vm1 =	vgt.s32 v13, v10;
	v11 =	vsel vm0, v8, v11  }
0x1b4: {  	v8 =	vld [tilespmem:s12+$0x0];
	v17 =	vsel vm1, v13, v10;
	[tilespmem:s4+$0xFFFFFFF0] =	vst v11  }
0x1b5: {  	v11 =	vld [tilespmem:s5+$0x0];
	vm0 =	vgt.s32 v15, v14;
	[tilespmem:s4+$0xFFFFFFD0] =	vst v17  }
0x1b6: {  	s4 =	sadd.s32 $0x40, s4;
	v13 =	vld [tilespmem:s12+$0xFFFFFFE0];
	v14 =	vsel vm0, v15, v14;
	s12 =	sadd.s32 $0x40, s12;
	v10 =	vmov v16  }
0x1b7: {  	_ =	sdelay $0x1  }
0x1b8: {  	vm0 =	vgt.s32 v9, v12  }
0x1b9: {  	[tilespmem:s4+$0x0] =	vst v14;
	v9 =	vsel vm0, v9, v12;
	vm13 =	vgt.s32 v8, v11  }
0x1ba: {  	[tilespmem:s4+$0xFFFFFFE0] =	vst v9;
	vm1 =	vgt.s32 v13, v10;
	v8 =	vsel vm13, v8, v11  }
0x1bb: {  	v9 =	vsel vm1, v13, v10;
	[tilespmem:s4+$0xFFFFFFF0] =	vst v8  }
0x1bc: {  	[tilespmem:s4+$0xFFFFFFD0] =	vst v9  }
0x1bd: {  	v8 =	vld [tilespmem:$0xCB10]  }
0x1be: {  	v9 =	vld [tilespmem:$0xD2E0];
	_ =	sdelay $0x4  }
0x1bf: {  	vm14 =	vgt.s32 v8, v9  }
0x1c0: {  	v8 =	vsel vm14, v8, v9  }
0x1c1: {  	s4 =	rddreg [dreg:$0x11];
	[tilespmem:$0xF90] =	vst v8  }
0x1c2: {  	[tilespmem:s13], [sflag:$0x7] =	stream.linear.gather [hbm4b:s4+s2], $0x7D0, $0x38;
	[tilespmem:$0x1EC30] =	vst v63  }
0x1c3: {  	_ =	swait.ge [sflag:s11], $0x7D0  }
0x1c4: {  	[sflag:s11] =	ssyncset.done $0x0  }
0x1c5: {  	s30 =	rddreg [dreg:$0x12];
	[sflag:s11] =	ssyncadd.s32 $0xFFFFF830  }
0x1c6: {  	[tilespmem:s15], [sflag:$0x7] =	stream.linear.gather [hbm4b:s30+s2], $0x7D0, $0x38;
	[tilespmem:$0x1EC30] =	vst v63  }
0x1c7: {  	_ =	swait.ge [sflag:s11], $0x7D0  }
0x1c8: {  	[sflag:s11] =	ssyncset.done $0x0  }
0x1c9: {  	s12 =	simm.s32 $0xC370;
	[sflag:s11] =	ssyncadd.s32 $0xFFFFF830  }
0x1ca: {  	s5 =	simm.s32 $0xCB40;
	v14 =	vld [tilespmem:s12+$0x10]  }
0x1cb: {  	v15 =	vld [tilespmem:s5+$0x10]  }
0x1cc: {  	v10 =	vld [tilespmem:s5+$0xFFFFFFE0]  }
0x1cd: {  	v9 =	vld [tilespmem:s12+$0xFFFFFFF0]  }
0x1ce: {  	v12 =	vld [tilespmem:s5+$0xFFFFFFF0]  }
0x1cf: {  	v8 =	vld [tilespmem:s12+$0x0]  }
0x1d0: {  	v11 =	vld [tilespmem:s5+$0x0];
	vm15 =	vgt.s32 v14, v15  }
0x1d1: {  	s9 =	simm.s32 $0x0;
	s4 =	simm.s32 $0xFD0;
	v13 =	vld [tilespmem:s12+$0xFFFFFFE0];
	s12 =	simm.s32 $0xC3B0;
	v14 =	vsel vm15, v14, v15  }
.LBB2_20:
0x1d2: {  	v15 =	vld [tilespmem:s12+$0x10];
	[tilespmem:s4+$0x0] =	vst v14;
	s5 =	sadd.s32 $0x40, s5  }
0x1d3: {  	s9 =	sadd.s32 $0x4, s9;
	v14 =	vld [tilespmem:s5+$0x10];
	vm0 =	vgt.s32 v9, v12  }
0x1d4: {  	p0 =	slt.u32 s9, $0x78;
	v16 =	vld [tilespmem:s5+$0xFFFFFFE0];
	v12 =	vsel vm0, v9, v12  }
.Ltmp9:
0x1d5: {  	v9 =	vld [tilespmem:s12+$0xFFFFFFF0];
	[tilespmem:s4+$0xFFFFFFE0] =	vst v12;
	vm0 =	vgt.s32 v8, v11;
	(pc) =	sbr.rel @p0 .LBB2_20-.Ltmp9, $4  }
0x1d6: {  	v12 =	vld [tilespmem:s5+$0xFFFFFFF0];
	vm1 =	vgt.s32 v13, v10;
	v11 =	vsel vm0, v8, v11  }
0x1d7: {  	v8 =	vld [tilespmem:s12+$0x0];
	v17 =	vsel vm1, v13, v10;
	[tilespmem:s4+$0xFFFFFFF0] =	vst v11  }
0x1d8: {  	v11 =	vld [tilespmem:s5+$0x0];
	vm0 =	vgt.s32 v15, v14;
	[tilespmem:s4+$0xFFFFFFD0] =	vst v17  }
0x1d9: {  	s4 =	sadd.s32 $0x40, s4;
	v13 =	vld [tilespmem:s12+$0xFFFFFFE0];
	v14 =	vsel vm0, v15, v14;
	s12 =	sadd.s32 $0x40, s12;
	v10 =	vmov v16  }
0x1da: {  	_ =	sdelay $0x1  }
0x1db: {  	vm0 =	vgt.s32 v9, v12  }
0x1dc: {  	[tilespmem:s4+$0x0] =	vst v14;
	v9 =	vsel vm0, v9, v12;
	vm13 =	vgt.s32 v8, v11  }
0x1dd: {  	[tilespmem:s4+$0xFFFFFFE0] =	vst v9;
	vm1 =	vgt.s32 v13, v10;
	v8 =	vsel vm13, v8, v11  }
0x1de: {  	v9 =	vsel vm1, v13, v10;
	[tilespmem:s4+$0xFFFFFFF0] =	vst v8  }
0x1df: {  	[tilespmem:s4+$0xFFFFFFD0] =	vst v9  }
0x1e0: {  	v8 =	vld [tilespmem:$0xCB10]  }
0x1e1: {  	v9 =	vld [tilespmem:$0xD2E0];
	_ =	sdelay $0x4  }
0x1e2: {  	vm14 =	vgt.s32 v8, v9  }
0x1e3: {  	v8 =	vsel vm14, v8, v9  }
0x1e4: {  	s4 =	rddreg [dreg:$0x13];
	[tilespmem:$0x1760] =	vst v8  }
0x1e5: {  	[tilespmem:s13], [sflag:$0x7] =	stream.linear.gather [hbm4b:s4+s2], $0x7D0, $0x38;
	[tilespmem:$0x1EC30] =	vst v63  }
0x1e6: {  	_ =	swait.ge [sflag:s11], $0x7D0  }
0x1e7: {  	[sflag:s11] =	ssyncset.done $0x0  }
0x1e8: {  	s30 =	rddreg [dreg:$0x14];
	[sflag:s11] =	ssyncadd.s32 $0xFFFFF830  }
0x1e9: {  	[tilespmem:s15], [sflag:$0x7] =	stream.linear.gather [hbm4b:s30+s2], $0x7D0, $0x38;
	[tilespmem:$0x1EC30] =	vst v63  }
0x1ea: {  	_ =	swait.ge [sflag:s11], $0x7D0  }
0x1eb: {  	[sflag:s11] =	ssyncset.done $0x0  }
0x1ec: {  	s12 =	simm.s32 $0xC370;
	[sflag:s11] =	ssyncadd.s32 $0xFFFFF830  }
0x1ed: {  	s5 =	simm.s32 $0xCB40;
	v14 =	vld [tilespmem:s12+$0x10]  }
0x1ee: {  	v15 =	vld [tilespmem:s5+$0x10]  }
0x1ef: {  	v10 =	vld [tilespmem:s5+$0xFFFFFFE0]  }
0x1f0: {  	v9 =	vld [tilespmem:s12+$0xFFFFFFF0]  }
0x1f1: {  	v12 =	vld [tilespmem:s5+$0xFFFFFFF0]  }
0x1f2: {  	v8 =	vld [tilespmem:s12+$0x0]  }
0x1f3: {  	v11 =	vld [tilespmem:s5+$0x0];
	vm15 =	vgt.s32 v14, v15  }
0x1f4: {  	s9 =	simm.s32 $0x0;
	s4 =	simm.s32 $0x17A0;
	v13 =	vld [tilespmem:s12+$0xFFFFFFE0];
	s12 =	simm.s32 $0xC3B0;
	v14 =	vsel vm15, v14, v15  }
.LBB2_22:
0x1f5: {  	v15 =	vld [tilespmem:s12+$0x10];
	[tilespmem:s4+$0x0] =	vst v14;
	s5 =	sadd.s32 $0x40, s5  }
0x1f6: {  	s9 =	sadd.s32 $0x4, s9;
	v14 =	vld [tilespmem:s5+$0x10];
	vm0 =	vgt.s32 v9, v12  }
0x1f7: {  	p0 =	slt.u32 s9, $0x78;
	v16 =	vld [tilespmem:s5+$0xFFFFFFE0];
	v12 =	vsel vm0, v9, v12  }
.Ltmp10:
0x1f8: {  	v9 =	vld [tilespmem:s12+$0xFFFFFFF0];
	[tilespmem:s4+$0xFFFFFFE0] =	vst v12;
	vm0 =	vgt.s32 v8, v11;
	(pc) =	sbr.rel @p0 .LBB2_22-.Ltmp10, $4  }
0x1f9: {  	v12 =	vld [tilespmem:s5+$0xFFFFFFF0];
	vm1 =	vgt.s32 v13, v10;
	v11 =	vsel vm0, v8, v11  }
0x1fa: {  	v8 =	vld [tilespmem:s12+$0x0];
	v17 =	vsel vm1, v13, v10;
	[tilespmem:s4+$0xFFFFFFF0] =	vst v11  }
0x1fb: {  	v11 =	vld [tilespmem:s5+$0x0];
	vm0 =	vgt.s32 v15, v14;
	[tilespmem:s4+$0xFFFFFFD0] =	vst v17  }
0x1fc: {  	s4 =	sadd.s32 $0x40, s4;
	v13 =	vld [tilespmem:s12+$0xFFFFFFE0];
	v14 =	vsel vm0, v15, v14;
	s12 =	sadd.s32 $0x40, s12;
	v10 =	vmov v16  }
0x1fd: {  	_ =	sdelay $0x1  }
0x1fe: {  	vm0 =	vgt.s32 v9, v12  }
0x1ff: {  	[tilespmem:s4+$0x0] =	vst v14;
	v9 =	vsel vm0, v9, v12;
	vm13 =	vgt.s32 v8, v11  }
0x200: {  	[tilespmem:s4+$0xFFFFFFE0] =	vst v9;
	vm1 =	vgt.s32 v13, v10;
	v8 =	vsel vm13, v8, v11  }
0x201: {  	v9 =	vsel vm1, v13, v10;
	[tilespmem:s4+$0xFFFFFFF0] =	vst v8  }
0x202: {  	[tilespmem:s4+$0xFFFFFFD0] =	vst v9  }
0x203: {  	v8 =	vld [tilespmem:$0xCB10]  }
0x204: {  	v9 =	vld [tilespmem:$0xD2E0];
	_ =	sdelay $0x4  }
0x205: {  	vm14 =	vgt.s32 v8, v9  }
0x206: {  	v8 =	vsel vm14, v8, v9  }
0x207: {  	s4 =	rddreg [dreg:$0x15];
	[tilespmem:$0x1F30] =	vst v8  }
0x208: {  	[tilespmem:s13], [sflag:$0x7] =	stream.linear.gather [hbm4b:s4+s2], $0x7D0, $0x38;
	[tilespmem:$0x1EC30] =	vst v63  }
0x209: {  	_ =	swait.ge [sflag:s11], $0x7D0  }
0x20a: {  	[sflag:s11] =	ssyncset.done $0x0  }
0x20b: {  	s30 =	rddreg [dreg:$0x16];
	[sflag:s11] =	ssyncadd.s32 $0xFFFFF830  }
0x20c: {  	[tilespmem:s15], [sflag:$0x7] =	stream.linear.gather [hbm4b:s30+s2], $0x7D0, $0x38;
	[tilespmem:$0x1EC30] =	vst v63  }
0x20d: {  	_ =	swait.ge [sflag:s11], $0x7D0  }
0x20e: {  	[sflag:s11] =	ssyncset.done $0x0  }
0x20f: {  	s12 =	simm.s32 $0xC370;
	[sflag:s11] =	ssyncadd.s32 $0xFFFFF830  }
0x210: {  	s5 =	simm.s32 $0xCB40;
	v14 =	vld [tilespmem:s12+$0x10]  }
0x211: {  	v15 =	vld [tilespmem:s5+$0x10]  }
0x212: {  	v10 =	vld [tilespmem:s5+$0xFFFFFFE0]  }
0x213: {  	v9 =	vld [tilespmem:s12+$0xFFFFFFF0]  }
0x214: {  	v12 =	vld [tilespmem:s5+$0xFFFFFFF0]  }
0x215: {  	v8 =	vld [tilespmem:s12+$0x0]  }
0x216: {  	v11 =	vld [tilespmem:s5+$0x0];
	vm15 =	vgt.s32 v14, v15  }
0x217: {  	s9 =	simm.s32 $0x0;
	s4 =	simm.s32 $0x1F70;
	v13 =	vld [tilespmem:s12+$0xFFFFFFE0];
	s12 =	simm.s32 $0xC3B0;
	v14 =	vsel vm15, v14, v15  }
.LBB2_24:
0x218: {  	v15 =	vld [tilespmem:s12+$0x10];
	[tilespmem:s4+$0x0] =	vst v14;
	s5 =	sadd.s32 $0x40, s5  }
0x219: {  	s9 =	sadd.s32 $0x4, s9;
	v14 =	vld [tilespmem:s5+$0x10];
	vm0 =	vgt.s32 v9, v12  }
0x21a: {  	p0 =	slt.u32 s9, $0x78;
	v16 =	vld [tilespmem:s5+$0xFFFFFFE0];
	v12 =	vsel vm0, v9, v12  }
.Ltmp11:
0x21b: {  	v9 =	vld [tilespmem:s12+$0xFFFFFFF0];
	[tilespmem:s4+$0xFFFFFFE0] =	vst v12;
	vm0 =	vgt.s32 v8, v11;
	(pc) =	sbr.rel @p0 .LBB2_24-.Ltmp11, $4  }
0x21c: {  	v12 =	vld [tilespmem:s5+$0xFFFFFFF0];
	vm1 =	vgt.s32 v13, v10;
	v11 =	vsel vm0, v8, v11  }
0x21d: {  	v8 =	vld [tilespmem:s12+$0x0];
	v17 =	vsel vm1, v13, v10;
	[tilespmem:s4+$0xFFFFFFF0] =	vst v11  }
0x21e: {  	v11 =	vld [tilespmem:s5+$0x0];
	vm0 =	vgt.s32 v15, v14;
	[tilespmem:s4+$0xFFFFFFD0] =	vst v17  }
0x21f: {  	s4 =	sadd.s32 $0x40, s4;
	v13 =	vld [tilespmem:s12+$0xFFFFFFE0];
	v14 =	vsel vm0, v15, v14;
	s12 =	sadd.s32 $0x40, s12;
	v10 =	vmov v16  }
0x220: {  	_ =	sdelay $0x1  }
0x221: {  	vm0 =	vgt.s32 v9, v12  }
0x222: {  	[tilespmem:s4+$0x0] =	vst v14;
	v9 =	vsel vm0, v9, v12;
	vm10 =	vgt.s32 v8, v11  }
0x223: {  	[tilespmem:s4+$0xFFFFFFE0] =	vst v9;
	vm1 =	vgt.s32 v13, v10;
	v8 =	vsel vm10, v8, v11  }
0x224: {  	v9 =	vsel vm1, v13, v10;
	[tilespmem:s4+$0xFFFFFFF0] =	vst v8  }
0x225: {  	[tilespmem:s4+$0xFFFFFFD0] =	vst v9  }
0x226: {  	v8 =	vld [tilespmem:$0xCB10]  }
0x227: {  	v9 =	vld [tilespmem:$0xD2E0];
	_ =	sdelay $0x4  }
0x228: {  	vm11 =	vgt.s32 v8, v9  }
0x229: {  	v8 =	vsel vm11, v8, v9  }
0x22a: {  	s18 =	simm.s32 $0x20;
	[tilespmem:$0x2700] =	vst v8  }
0x22b: {  	v8 =	vld [tilespmem:s18+$0xFFFFFFE0]  }
0x22c: {  	v10 =	vld [tilespmem:s18+$0x10]  }
0x22d: {  	v11 =	vld [tilespmem:s18+$0x0]  }
0x22e: {  	v12 =	vld [tilespmem:s18+$0xFFFFFFF0];
	_ =	sdelay $0x1  }
0x22f: {  	s9 =	sadd.s32 $0x30, s16;
	s5 =	simm.s32 $0x60;
	v13 =	vor.u32 s16, v1;
	vm12 =	vlt.s32 v8, $0x0  }
0x230: {  	s12 =	sadd.s32 $0x20, s16;
	v14 =	vor.u32 s9, v1;
	s4 =	simm.s32 $0x15010;
	v9 =	vld [tilespmem:s5+$0xFFFFFFE0];
	vm13 =	vlt.s32 v10, $0x0;
	v13 =	vsel vm12, v13, v8  }
0x231: {  	s30 =	sadd.s32 $0x10, s16;
	vm14 =	vlt.s32 v11, $0x0;
	v8 =	vld [tilespmem:s5+$0x10];
	v14 =	vsel vm13, v14, v10;
	[tilespmem:s4+$0xFFFFFFE0] =	vst v13;
	v13 =	vor.u32 s12, v1  }
0x232: {  	v15 =	vor.u32 s30, v1;
	vm15 =	vlt.s32 v12, $0x0;
	v10 =	vld [tilespmem:s5+$0x0];
	[tilespmem:s4+$0x10] =	vst v14;
	v13 =	vsel vm14, v13, v11  }
0x233: {  	s9 =	simm.s32 $0x4;
	v12 =	vsel vm15, v15, v12;
	s12 =	smov.u32 s16;
	v11 =	vld [tilespmem:s5+$0xFFFFFFF0];
	[tilespmem:s4+$0x0] =	vst v13  }
.LBB2_26:
0x234: {  	s9 =	sadd.s32 $0x4, s9  }
0x235: {  	[tilespmem:s4+$0xFFFFFFF0] =	vst v12;
	s12 =	sadd.s32 $0x40, s12;
	s4 =	sadd.s32 $0x40, s4;
	p0 =	slt.u32 s9, $0x78  }
.Ltmp12:
0x236: {  	s5 =	sadd.s32 $0x40, s5;
	v12 =	vor.u32 s12, v1;
	vm0 =	vlt.s32 v9, $0x0;
	s13 =	sadd.s32 $0x30, s12;
	(pc) =	sbr.rel @p0 .LBB2_26-.Ltmp12, $4  }
0x237: {  	s15 =	sadd.s32 $0x20, s12;
	v12 =	vsel vm0, v12, v9;
	v9 =	vld [tilespmem:s5+$0xFFFFFFE0];
	v13 =	vor.u32 s13, v1;
	vm0 =	vlt.s32 v8, $0x0  }
0x238: {  	s13 =	sadd.s32 $0x10, s12;
	[tilespmem:s4+$0xFFFFFFE0] =	vst v12;
	v12 =	vor.u32 s15, v1;
	vm1 =	vlt.s32 v10, $0x0;
	v13 =	vsel vm0, v13, v8;
	v8 =	vld [tilespmem:s5+$0x10]  }
0x239: {  	v14 =	vor.u32 s13, v1;
	vm0 =	vlt.s32 v11, $0x0;
	v15 =	vsel vm1, v12, v10;
	v10 =	vld [tilespmem:s5+$0x0];
	[tilespmem:s4+$0x10] =	vst v13  }
0x23a: {  	v12 =	vsel vm0, v14, v11;
	v11 =	vld [tilespmem:s5+$0xFFFFFFF0];
	[tilespmem:s4+$0x0] =	vst v15  }
0x23b: {  	s5 =	sadd.s32 $0x40, s12  }
0x23c: {  	v13 =	vor.u32 s5, v1;
	vm0 =	vlt.s32 v9, $0x0;
	s9 =	sadd.s32 $0x30, s5  }
0x23d: {  	[tilespmem:s4+$0xFFFFFFF0] =	vst v12;
	s30 =	sadd.s32 $0x40, s4;
	s12 =	sadd.s32 $0x20, s5;
	v9 =	vsel vm0, v13, v9;
	v12 =	vor.u32 s9, v1;
	vm0 =	vlt.s32 v8, $0x0  }
0x23e: {  	s5 =	sadd.s32 $0x10, s5;
	[tilespmem:s30+$0xFFFFFFE0] =	vst v9;
	v9 =	vor.u32 s12, v1;
	vm1 =	vlt.s32 v10, $0x0;
	v8 =	vsel vm0, v12, v8  }
0x23f: {  	v12 =	vor.u32 s5, v1;
	vm0 =	vlt.s32 v11, $0x0;
	v9 =	vsel vm1, v9, v10;
	[tilespmem:s30+$0x10] =	vst v8  }
0x240: {  	v8 =	vsel vm0, v12, v11;
	[tilespmem:s30+$0x0] =	vst v9  }
0x241: {  	[tilespmem:s30+$0xFFFFFFF0] =	vst v8  }
0x242: {  	v8 =	vld [tilespmem:$0x7C0];
	_ =	sdelay $0x4  }
0x243: {  	vm0 =	vlt.s32 v8, $0x0  }
0x244: {  	v8 =	vsel vm0, v2, v8  }
0x245: {  	[tilespmem:$0x157B0] =	vst v8  }
0x246: {  	[tilespmem:s28], [sflag:$0x3] =	stream.indirect.gather [hbm4b:s22+s14], $0x1, s26, s14, $0xb8;
	[tilespmem:$0x1EC30] =	vst v63  }
0x247: {  	_ =	swait.ge [sflag:s29], $0x7D0  }
0x248: {  	[sflag:s29] =	ssyncset.done $0x0  }
0x249: {  	s12 =	simm.s32 $0x20;
	[sflag:s29] =	ssyncadd.s32 $0xFFFFF830  }
0x24a: {  	s9 =	simm.s32 $0x15FB0;
	v8 =	vld [tilespmem:s12+$0x10]  }
0x24b: {  	v10 =	vld [tilespmem:s9+$0x10]  }
0x24c: {  	v11 =	vld [tilespmem:s12+$0xFFFFFFF0]  }
0x24d: {  	s15 =	simm.s32 $0x10;
	v12 =	vld [tilespmem:s12+$0x0]  }
0x24e: {  	s13 =	simm.s32 $0x0;
	s17 =	simm.s32 $0x20;
	v14 =	vor.u32 s15, v1;
	v13 =	vld [tilespmem:s12+$0xFFFFFFE0]  }
0x24f: {  	v15 =	vor.u32 s17, v1;
	s17 =	simm.s32 $0x70;
	v14 =	vand.u32 $0x3DF, v14;
	v9 =	vor.u32 s13, v1;
	s13 =	simm.s32 $0x30;
	v17 =	vld [tilespmem:s9+$0xFFFFFFE0]  }
0x250: {  	v15 =	vand.u32 $0x3EF, v15;
	v22 =	vor.u32 s17, v1;
	v16 =	vor.u32 s13, v1;
	v18 =	vld [tilespmem:s9+$0xFFFFFFF0]  }
0x251: {  	s18 =	simm.s32 $0x60;
	v20 =	vadd.s32 $0x2710, v14;
	v19 =	vand.u32 $0x3CF, v9;
	v16 =	vand.u32 $0x3FF, v16;
	v9 =	vld [tilespmem:s9+$0x0]  }
0x252: {  	v22 =	vand.u32 $0x3FF, v22;
	v16 =	vadd.s32 $0x2710, v16;
	v14 =	vld [tilespmem:s18+$0x10];
	s12 =	simm.s32 $0x15FF0;
	vm0 =	vlt.s32 v8, $0x0  }
0x253: {  	v22 =	vadd.s32 $0x2710, v22;
	v8 =	vadd.s32 $0x2710, v15;
	v10 =	vsel vm0, v16, v10;
	v16 =	vld [tilespmem:s12+$0x10]  }
0x254: {  	s13 =	simm.s32 $0x40;
	s30 =	simm.s32 $0x50;
	v21 =	vld [tilespmem:s18+$0xFFFFFFF0];
	v15 =	vadd.s32 $0x2710, v19;
	vm2 =	vlt.s32 v11, $0x0;
	vm1 =	vlt.s32 v13, $0x0  }
0x255: {  	s15 =	simm.s32 $0x60;
	v19 =	vor.u32 s13, v1;
	v13 =	vor.u32 s30, v1;
	v11 =	vld [tilespmem:s18+$0x0];
	vm0 =	vlt.s32 v12, $0x0  }
0x256: {  	v15 =	vsel vm1, v15, v17;
	v17 =	vor.u32 s15, v1;
	v12 =	vld [tilespmem:s18+$0xFFFFFFE0];
	v23 =	vand.u32 $0x3DF, v13  }
0x257: {  	vm1 =	vlt.s32 v14, $0x0;
	v13 =	vld [tilespmem:s12+$0xFFFFFFE0];
	v19 =	vand.u32 $0x3CF, v19;
	v18 =	vsel vm2, v20, v18;
	[tilespmem:s9+$0x10] =	vst v10  }
0x258: {  	v14 =	vld [tilespmem:s12+$0xFFFFFFF0];
	v17 =	vand.u32 $0x3EF, v17;
	[tilespmem:s9+$0xFFFFFFE0] =	vst v15;
	v10 =	vadd.s32 $0x2710, v23;
	v22 =	vsel vm1, v22, v16  }
0x259: {  	s4 =	simm.s32 $0x4;
	s5 =	simm.s32 $0xA0;
	s15 =	simm.s32 $0x15FF0;
	v15 =	vld [tilespmem:s12+$0x0];
	v17 =	vadd.s32 $0x2710, v17;
	v16 =	vadd.s32 $0x2710, v19;
	vm1 =	vlt.s32 v21, $0x0;
	[tilespmem:s12+$0x10] =	vst v22  }
.LBB2_28:
0x25a: {  	v19 =	vld [tilespmem:s5+$0x10];
	s4 =	sadd.s32 $0x4, s4;
	s12 =	sadd.s32 $0x40, s12;
	[tilespmem:s9+$0xFFFFFFF0] =	vst v18;
	v9 =	vsel vm0, v8, v9;
	vm0 =	vlt.s32 v11, $0x0;
	v8 =	vmov v17  }
0x25b: {  	s13 =	sadd.s32 $0x40, s13;
	v18 =	vld [tilespmem:s12+$0x10];
	p0 =	slt.u32 s4, $0x78;
	vm2 =	vlt.s32 v12, $0x0;
	[tilespmem:s9+$0x0] =	vst v9;
	s9 =	smov.u32 s15  }
0x25c: {  	v17 =	vor.u32 s13, v1;
	s15 =	sadd.s32 $0x10, s13;
	s17 =	sadd.s32 $0x20, s13;
	s18 =	sadd.s32 $0x30, s13;
	v20 =	vld [tilespmem:s5+$0xFFFFFFF0];
	v24 =	vsel vm2, v16, v13  }
.Ltmp13:
0x25d: {  	v13 =	vor.u32 s15, v1;
	v16 =	vor.u32 s17, v1;
	v21 =	vor.u32 s18, v1;
	s15 =	smov.u32 s12;
	v11 =	vld [tilespmem:s5+$0x0];
	v22 =	vmovc v14;
	(pc) =	sbr.rel @p0 .LBB2_28-.Ltmp13, $4  }
0x25e: {  	v23 =	vand.u32 $0x3DF, v13;
	v16 =	vand.u32 $0x3EF, v16;
	v14 =	vand.u32 $0x3FF, v21;
	v12 =	vld [tilespmem:s5+$0xFFFFFFE0];
	[tilespmem:s9+$0xFFFFFFE0] =	vst v24;
	v9 =	vmovc v15  }
0x25f: {  	v15 =	vand.u32 $0x3CF, v17;
	v21 =	vadd.s32 $0x2710, v14;
	v13 =	vld [tilespmem:s12+$0xFFFFFFE0];
	vm2 =	vlt.s32 v19, $0x0  }
0x260: {  	v17 =	vadd.s32 $0x2710, v16;
	v19 =	vadd.s32 $0x2710, v23;
	v14 =	vld [tilespmem:s12+$0xFFFFFFF0];
	v18 =	vsel vm2, v21, v18  }
0x261: {  	s5 =	sadd.s32 $0x40, s5;
	v16 =	vadd.s32 $0x2710, v15;
	v15 =	vld [tilespmem:s12+$0x0];
	[tilespmem:s12+$0x10] =	vst v18;
	v18 =	vsel vm1, v10, v22;
	vm1 =	vlt.s32 v20, $0x0;
	v10 =	vmovc v19  }
0x262: {  	_ = 	snop  }
0x263: {  	[tilespmem:s9+$0xFFFFFFF0] =	vst v18;
	v8 =	vsel vm0, v8, v9;
	vm9 =	vlt.s32 v12, $0x0  }
0x264: {  	[tilespmem:s9+$0x0] =	vst v8;
	v8 =	vsel vm9, v16, v13  }
0x265: {  	vm10 =	vlt.s32 v11, $0x0;
	[tilespmem:s15+$0xFFFFFFE0] =	vst v8;
	v8 =	vsel vm1, v10, v14  }
0x266: {  	[tilespmem:s15+$0xFFFFFFF0] =	vst v8;
	v8 =	vsel vm10, v17, v15  }
0x267: {  	[tilespmem:s15+$0x0] =	vst v8  }
0x268: {  	v8 =	vld [tilespmem:$0x7C0]  }
0x269: {  	v9 =	vld [tilespmem:$0x16750];
	_ =	sdelay $0x3  }
0x26a: {  	vm11 =	vlt.s32 v8, $0x0;
	v8 =	vor.u32 $0x2AD0, v1  }
0x26b: {  	v8 =	vsel vm11, v8, v9  }
0x26c: {  	s4 =	simm.s32 $0x800;
	[tilespmem:$0x16750] =	vst v8  }
0x26d: {  	[tilespmem:s19], [sflag:$0x5] =	stream.indirect.gather [hbm4b:s25+s14], $0x10, s28, s14, $0xb8;
	[tilespmem:$0x1EC30] =	vst v63  }
0x26e: {  	v8 =	vld [tilespmem:s4+$0xFFFFFFD0]  }
0x26f: {  	v10 =	vld [tilespmem:s4+$0x0]  }
0x270: {  	v11 =	vld [tilespmem:s4+$0xFFFFFFF0]  }
0x271: {  	s13 =	rddreg [dreg:$0x19];
	v12 =	vld [tilespmem:s4+$0xFFFFFFE0]  }
0x272: {  	s18 =	sadd.s32 $0xFFFFFFD0, s13  }
0x273: {  	s5 =	simm.s32 $0x840;
	v13 =	vor.u32 s18, v1;
	vm12 =	vlt.s32 v8, $0x0  }
0x274: {  	s30 =	sadd.s32 $0xFFFFFFF0, s13;
	v14 =	vor.u32 s13, v1;
	s4 =	simm.s32 $0x157E0;
	v9 =	vld [tilespmem:s5+$0xFFFFFFD0];
	vm13 =	vlt.s32 v10, $0x0;
	v13 =	vsel vm12, v13, v8  }
0x275: {  	s12 =	sadd.s32 $0xFFFFFFE0, s13;
	vm14 =	vlt.s32 v11, $0x0;
	v8 =	vld [tilespmem:s5+$0x0];
	v14 =	vsel vm13, v14, v10;
	[tilespmem:s4+$0xFFFFFFE0] =	vst v13;
	v13 =	vor.u32 s30, v1  }
0x276: {  	s9 =	sadd.s32 $0x40, s13;
	v15 =	vor.u32 s12, v1;
	vm15 =	vlt.s32 v12, $0x0;
	v10 =	vld [tilespmem:s5+$0xFFFFFFF0];
	[tilespmem:s4+$0x10] =	vst v14;
	v13 =	vsel vm14, v13, v11  }
0x277: {  	s15 =	sadd.s32 $0xFFFFFFD0, s9;
	s12 =	simm.s32 $0x4;
	s13 =	sadd.s32 $0x40, s9;
	v12 =	vsel vm15, v15, v12;
	v11 =	vld [tilespmem:s5+$0xFFFFFFE0];
	[tilespmem:s4+$0x0] =	vst v13  }
.LBB2_30:
0x278: {  	s12 =	sadd.s32 $0x4, s12  }
0x279: {  	s17 =	sadd.s32 $0xFFFFFFD0, s13;
	[tilespmem:s4+$0xFFFFFFF0] =	vst v12;
	s4 =	sadd.s32 $0x40, s4;
	p0 =	slt.u32 s12, $0x78  }
.Ltmp14:
0x27a: {  	v12 =	vor.u32 s15, v1;
	s5 =	sadd.s32 $0x40, s5;
	vm0 =	vlt.s32 v9, $0x0;
	(pc) =	sbr.rel @p0 .LBB2_30-.Ltmp14, $4  }
0x27b: {  	s18 =	sadd.s32 $0xFFFFFFF0, s9;
	v13 =	vor.u32 s9, v1;
	s15 =	smov.u32 s17;
	v12 =	vsel vm0, v12, v9;
	v9 =	vld [tilespmem:s5+$0xFFFFFFD0];
	vm0 =	vlt.s32 v8, $0x0  }
0x27c: {  	s17 =	sadd.s32 $0xFFFFFFE0, s9;
	s9 =	smov.u32 s13;
	[tilespmem:s4+$0xFFFFFFE0] =	vst v12;
	v12 =	vor.u32 s18, v1;
	vm1 =	vlt.s32 v10, $0x0;
	v13 =	vsel vm0, v13, v8;
	v8 =	vld [tilespmem:s5+$0x0]  }
0x27d: {  	v14 =	vor.u32 s17, v1;
	vm0 =	vlt.s32 v11, $0x0;
	v15 =	vsel vm1, v12, v10;
	v10 =	vld [tilespmem:s5+$0xFFFFFFF0];
	[tilespmem:s4+$0x10] =	vst v13  }
0x27e: {  	s13 =	sadd.s32 $0x40, s13;
	v12 =	vsel vm0, v14, v11;
	v11 =	vld [tilespmem:s5+$0xFFFFFFE0];
	[tilespmem:s4+$0x0] =	vst v15  }
0x27f: {  	_ = 	snop  }
0x280: {  	v13 =	vor.u32 s15, v1;
	vm0 =	vlt.s32 v9, $0x0  }
0x281: {  	[tilespmem:s4+$0xFFFFFFF0] =	vst v12;
	s18 =	sadd.s32 $0x40, s4;
	s5 =	sadd.s32 $0xFFFFFFF0, s9;
	v12 =	vor.u32 s9, v1;
	v9 =	vsel vm0, v13, v9;
	vm0 =	vlt.s32 v8, $0x0  }
0x282: {  	s30 =	sadd.s32 $0xFFFFFFE0, s9;
	[tilespmem:s18+$0xFFFFFFE0] =	vst v9;
	v9 =	vor.u32 s5, v1;
	vm1 =	vlt.s32 v10, $0x0;
	v8 =	vsel vm0, v12, v8  }
0x283: {  	v12 =	vor.u32 s30, v1;
	vm0 =	vlt.s32 v11, $0x0;
	v9 =	vsel vm1, v9, v10;
	[tilespmem:s18+$0x10] =	vst v8  }
0x284: {  	v8 =	vsel vm0, v12, v11;
	[tilespmem:s18+$0x0] =	vst v9  }
0x285: {  	[tilespmem:s18+$0xFFFFFFF0] =	vst v8  }
0x286: {  	v8 =	vld [tilespmem:$0xF90];
	_ =	sdelay $0x4  }
0x287: {  	vm0 =	vlt.s32 v8, $0x0  }
0x288: {  	v8 =	vsel vm0, v3, v8  }
0x289: {  	s9 =	simm.s32 $0x157C0;
	[tilespmem:$0x15F80] =	vst v8  }
0x28a: {  	[tilespmem:s20], [sflag:$0x4] =	stream.indirect.gather [hbm4b:s22+s14], $0x1, s9, s14, $0xb8;
	[tilespmem:$0x1EC30] =	vst v63  }
0x28b: {  	_ =	swait.ge [sflag:s21], $0x7D00  }
0x28c: {  	[sflag:s21] =	ssyncset.done $0x0  }
0x28d: {  	s13 =	simm.s32 $0x4;
	s12 =	rddreg [dreg:$0xb];
	[sflag:s21] =	ssyncadd.s32 $0xFFFF8300  }
0x28e: {  	[hbm4b:s12+s2] =	stream.linear.scatter [tilespmem:s19], [sflag:$0x6], $0x7D00, $0x38;
	[tilespmem:$0x1EC30] =	vst v63  }
0x28f: {  	_ =	swait.ge [sflag:s13], $0x7D0  }
0x290: {  	[sflag:s13] =	ssyncset.done $0x0  }
0x291: {  	s15 =	simm.s32 $0x800;
	[sflag:s13] =	ssyncadd.s32 $0xFFFFF830  }
0x292: {  	s9 =	simm.s32 $0x16780;
	v8 =	vld [tilespmem:s15+$0x0]  }
0x293: {  	v10 =	vld [tilespmem:s9+$0x10]  }
0x294: {  	v11 =	vld [tilespmem:s15+$0xFFFFFFD0]  }
0x295: {  	v12 =	vld [tilespmem:s15+$0xFFFFFFE0]  }
0x296: {  	v9 =	vor.u32 s15, v1;
	v13 =	vld [tilespmem:s15+$0xFFFFFFF0]  }
0x297: {  	s17 =	simm.s32 $0x7D0;
	v9 =	vand.u32 $0x3CF, v9;
	s12 =	simm.s32 $0x7E0;
	v15 =	vld [tilespmem:s9+$0xFFFFFFE0]  }
0x298: {  	v14 =	vor.u32 s17, v1;
	v19 =	vadd.s32 $0x2710, v9;
	v16 =	vor.u32 s12, v1;
	s13 =	simm.s32 $0x7F0;
	v18 =	vld [tilespmem:s9+$0xFFFFFFF0]  }
0x299: {  	s12 =	simm.s32 $0x840;
	v17 =	vor.u32 s13, v1;
	v9 =	vld [tilespmem:s9+$0x0];
	vm0 =	vlt.s32 v8, $0x0;
	v8 =	vand.u32 $0x3DF, v14  }
0x29a: {  	s13 =	simm.s32 $0x167C0;
	v14 =	vand.u32 $0x3EF, v16;
	vm1 =	vlt.s32 v11, $0x0;
	v16 =	vsel vm0, v19, v10;
	v19 =	vld [tilespmem:s12+$0x0]  }
0x29b: {  	vm2 =	vlt.s32 v12, $0x0;
	v10 =	vadd.s32 $0x2710, v8;
	v8 =	vand.u32 $0x3FF, v17;
	v17 =	vld [tilespmem:s13+$0x10]  }
0x29c: {  	v11 =	vadd.s32 $0x2710, v14;
	vm0 =	vlt.s32 v13, $0x0;
	v13 =	vld [tilespmem:s12+$0xFFFFFFD0];
	v14 =	vor.u32 s12, v1  }
0x29d: {  	s18 =	simm.s32 $0x810;
	s20 =	simm.s32 $0x820;
	v8 =	vadd.s32 $0x2710, v8;
	v12 =	vsel vm1, v10, v15;
	v10 =	vld [tilespmem:s12+$0xFFFFFFE0];
	v15 =	vsel vm2, v11, v18  }
0x29e: {  	[tilespmem:s9+$0x10] =	vst v16;
	v16 =	vor.u32 s18, v1;
	v18 =	vor.u32 s20, v1;
	v11 =	vld [tilespmem:s12+$0xFFFFFFF0];
	v20 =	vand.u32 $0x3CF, v14  }
0x29f: {  	s30 =	simm.s32 $0x830;
	v14 =	vld [tilespmem:s13+$0xFFFFFFE0];
	v20 =	vadd.s32 $0x2710, v20;
	[tilespmem:s9+$0xFFFFFFF0] =	vst v15;
	v15 =	vand.u32 $0x3DF, v16;
	vm1 =	vlt.s32 v19, $0x0  }
0x2a0: {  	[tilespmem:s9+$0xFFFFFFE0] =	vst v12;
	v12 =	vld [tilespmem:s13+$0xFFFFFFF0];
	v16 =	vand.u32 $0x3EF, v18;
	v19 =	vor.u32 s30, v1;
	v18 =	vsel vm1, v20, v17  }
0x2a1: {  	s4 =	simm.s32 $0x167C0;
	s5 =	simm.s32 $0x4;
	s15 =	simm.s32 $0x880;
	v15 =	vadd.s32 $0x2710, v15;
	vm1 =	vlt.s32 v13, $0x0;
	v13 =	vld [tilespmem:s13+$0x0];
	v17 =	vand.u32 $0x3FF, v19;
	[tilespmem:s13+$0x10] =	vst v18  }
.LBB2_32:
0x2a2: {  	v18 =	vld [tilespmem:s15+$0x0];
	s5 =	sadd.s32 $0x4, s5;
	v16 =	vadd.s32 $0x2710, v16;
	vm2 =	vlt.s32 v10, $0x0;
	v10 =	vadd.s32 $0x2710, v17;
	s13 =	sadd.s32 $0x40, s13  }
0x2a3: {  	v9 =	vsel vm0, v8, v9;
	s12 =	sadd.s32 $0x40, s12;
	v17 =	vld [tilespmem:s13+$0x10];
	p0 =	slt.u32 s5, $0x78;
	vm0 =	vlt.s32 v11, $0x0;
	v8 =	vmov v10  }
0x2a4: {  	s17 =	sadd.s32 $0xFFFFFFD0, s12;
	v19 =	vld [tilespmem:s15+$0xFFFFFFD0];
	v11 =	vsel vm1, v15, v14;
	[tilespmem:s9+$0x0] =	vst v9;
	s9 =	smov.u32 s4;
	s4 =	smov.u32 s13  }
.Ltmp15:
0x2a5: {  	s18 =	sadd.s32 $0xFFFFFFE0, s12;
	s20 =	sadd.s32 $0xFFFFFFF0, s12;
	v14 =	vor.u32 s12, v1;
	v10 =	vld [tilespmem:s15+$0xFFFFFFE0];
	[tilespmem:s9+$0xFFFFFFE0] =	vst v11;
	v12 =	vsel vm2, v16, v12;
	(pc) =	sbr.rel @p0 .LBB2_32-.Ltmp15, $4  }
0x2a6: {  	v15 =	vor.u32 s17, v1;
	v16 =	vor.u32 s18, v1;
	v20 =	vand.u32 $0x3CF, v14;
	v11 =	vld [tilespmem:s15+$0xFFFFFFF0];
	[tilespmem:s9+$0xFFFFFFF0] =	vst v12;
	v9 =	vmovc v13  }
0x2a7: {  	v21 =	vor.u32 s20, v1;
	v13 =	vadd.s32 $0x2710, v20;
	v14 =	vld [tilespmem:s13+$0xFFFFFFE0];
	vm1 =	vlt.s32 v18, $0x0  }
0x2a8: {  	v15 =	vand.u32 $0x3DF, v15;
	v16 =	vand.u32 $0x3EF, v16;
	v12 =	vld [tilespmem:s13+$0xFFFFFFF0];
	v18 =	vsel vm1, v13, v17  }
0x2a9: {  	v15 =	vadd.s32 $0x2710, v15;
	s15 =	sadd.s32 $0x40, s15;
	v17 =	vand.u32 $0x3FF, v21;
	vm1 =	vlt.s32 v19, $0x0;
	v13 =	vld [tilespmem:s13+$0x0];
	[tilespmem:s13+$0x10] =	vst v18  }
0x2aa: {  	_ = 	snop  }
0x2ab: {  	v8 =	vsel vm0, v8, v9  }
0x2ac: {  	v9 =	vadd.s32 $0x2710, v16;
	vm9 =	vlt.s32 v10, $0x0;
	[tilespmem:s9+$0x0] =	vst v8;
	v10 =	vsel vm1, v15, v14  }
0x2ad: {  	v8 =	vadd.s32 $0x2710, v17;
	vm10 =	vlt.s32 v11, $0x0;
	[tilespmem:s4+$0xFFFFFFE0] =	vst v10;
	v9 =	vsel vm9, v9, v12  }
0x2ae: {  	[tilespmem:s4+$0xFFFFFFF0] =	vst v9;
	v8 =	vsel vm10, v8, v13  }
0x2af: {  	[tilespmem:s4+$0x0] =	vst v8  }
0x2b0: {  	v8 =	vld [tilespmem:$0xF90]  }
0x2b1: {  	v9 =	vld [tilespmem:$0x16F20];
	_ =	sdelay $0x3  }
0x2b2: {  	vm11 =	vlt.s32 v8, $0x0;
	v8 =	vor.u32 $0x2AA0, v1  }
0x2b3: {  	v8 =	vsel vm11, v8, v9  }
0x2b4: {  	[tilespmem:$0x16F20] =	vst v8  }
0x2b5: {  	_ =	swait.ge [sflag:s23], $0x7D00  }
0x2b6: {  	[sflag:s23] =	ssyncset.done $0x0  }
0x2b7: {  	s20 =	simm.s32 $0x16760;
	s17 =	simm.s32 $0xFD0;
	[sflag:s23] =	ssyncadd.s32 $0xFFFF8300  }
0x2b8: {  	[tilespmem:s19], [sflag:$0x5] =	stream.indirect.gather [hbm4b:s25+s14], $0x10, s20, s14, $0xb8;
	[tilespmem:$0x1EC30] =	vst v63  }
0x2b9: {  	v8 =	vld [tilespmem:s17+$0xFFFFFFD0]  }
0x2ba: {  	v10 =	vld [tilespmem:s17+$0x0]  }
0x2bb: {  	v11 =	vld [tilespmem:s17+$0xFFFFFFF0]  }
0x2bc: {  	s13 =	rddreg [dreg:$0x1a];
	v12 =	vld [tilespmem:s17+$0xFFFFFFE0]  }
0x2bd: {  	s18 =	sadd.s32 $0xFFFFFFD0, s13  }
0x2be: {  	s5 =	simm.s32 $0x1010;
	v13 =	vor.u32 s18, v1;
	vm12 =	vlt.s32 v8, $0x0  }
0x2bf: {  	s4 =	simm.s32 $0x15010;
	s30 =	sadd.s32 $0xFFFFFFF0, s13;
	v14 =	vor.u32 s13, v1;
	v9 =	vld [tilespmem:s5+$0xFFFFFFD0];
	vm13 =	vlt.s32 v10, $0x0;
	v13 =	vsel vm12, v13, v8  }
0x2c0: {  	s12 =	sadd.s32 $0xFFFFFFE0, s13;
	vm14 =	vlt.s32 v11, $0x0;
	v8 =	vld [tilespmem:s5+$0x0];
	v14 =	vsel vm13, v14, v10;
	[tilespmem:s4+$0xFFFFFFE0] =	vst v13;
	v13 =	vor.u32 s30, v1  }
0x2c1: {  	s9 =	sadd.s32 $0x40, s13;
	v15 =	vor.u32 s12, v1;
	vm15 =	vlt.s32 v12, $0x0;
	v10 =	vld [tilespmem:s5+$0xFFFFFFF0];
	[tilespmem:s4+$0x10] =	vst v14;
	v13 =	vsel vm14, v13, v11  }
0x2c2: {  	s15 =	sadd.s32 $0xFFFFFFD0, s9;
	s12 =	simm.s32 $0x4;
	s13 =	sadd.s32 $0x40, s9;
	v12 =	vsel vm15, v15, v12;
	v11 =	vld [tilespmem:s5+$0xFFFFFFE0];
	[tilespmem:s4+$0x0] =	vst v13  }
.LBB2_34:
0x2c3: {  	s12 =	sadd.s32 $0x4, s12  }
0x2c4: {  	s17 =	sadd.s32 $0xFFFFFFD0, s13;
	[tilespmem:s4+$0xFFFFFFF0] =	vst v12;
	s4 =	sadd.s32 $0x40, s4;
	p0 =	slt.u32 s12, $0x78  }
.Ltmp16:
0x2c5: {  	v12 =	vor.u32 s15, v1;
	s5 =	sadd.s32 $0x40, s5;
	vm0 =	vlt.s32 v9, $0x0;
	(pc) =	sbr.rel @p0 .LBB2_34-.Ltmp16, $4  }
0x2c6: {  	s18 =	sadd.s32 $0xFFFFFFF0, s9;
	v13 =	vor.u32 s9, v1;
	s15 =	smov.u32 s17;
	v12 =	vsel vm0, v12, v9;
	v9 =	vld [tilespmem:s5+$0xFFFFFFD0];
	vm0 =	vlt.s32 v8, $0x0  }
0x2c7: {  	s17 =	sadd.s32 $0xFFFFFFE0, s9;
	s9 =	smov.u32 s13;
	[tilespmem:s4+$0xFFFFFFE0] =	vst v12;
	v12 =	vor.u32 s18, v1;
	vm1 =	vlt.s32 v10, $0x0;
	v13 =	vsel vm0, v13, v8;
	v8 =	vld [tilespmem:s5+$0x0]  }
0x2c8: {  	v14 =	vor.u32 s17, v1;
	vm0 =	vlt.s32 v11, $0x0;
	v15 =	vsel vm1, v12, v10;
	v10 =	vld [tilespmem:s5+$0xFFFFFFF0];
	[tilespmem:s4+$0x10] =	vst v13  }
0x2c9: {  	s13 =	sadd.s32 $0x40, s13;
	v12 =	vsel vm0, v14, v11;
	v11 =	vld [tilespmem:s5+$0xFFFFFFE0];
	[tilespmem:s4+$0x0] =	vst v15  }
0x2ca: {  	_ = 	snop  }
0x2cb: {  	v13 =	vor.u32 s15, v1;
	vm0 =	vlt.s32 v9, $0x0  }
0x2cc: {  	[tilespmem:s4+$0xFFFFFFF0] =	vst v12;
	s15 =	sadd.s32 $0x40, s4;
	s5 =	sadd.s32 $0xFFFFFFF0, s9;
	v12 =	vor.u32 s9, v1;
	v9 =	vsel vm0, v13, v9;
	vm0 =	vlt.s32 v8, $0x0  }
0x2cd: {  	s17 =	sadd.s32 $0xFFFFFFE0, s9;
	[tilespmem:s15+$0xFFFFFFE0] =	vst v9;
	v9 =	vor.u32 s5, v1;
	vm1 =	vlt.s32 v10, $0x0;
	v8 =	vsel vm0, v12, v8  }
0x2ce: {  	v12 =	vor.u32 s17, v1;
	vm0 =	vlt.s32 v11, $0x0;
	v9 =	vsel vm1, v9, v10;
	[tilespmem:s15+$0x10] =	vst v8  }
0x2cf: {  	v8 =	vsel vm0, v12, v11;
	[tilespmem:s15+$0x0] =	vst v9  }
0x2d0: {  	[tilespmem:s15+$0xFFFFFFF0] =	vst v8  }
0x2d1: {  	v8 =	vld [tilespmem:$0x1760];
	_ =	sdelay $0x4  }
0x2d2: {  	vm0 =	vlt.s32 v8, $0x0  }
0x2d3: {  	v8 =	vsel vm0, v4, v8  }
0x2d4: {  	[tilespmem:$0x157B0] =	vst v8  }
0x2d5: {  	[tilespmem:s28], [sflag:$0x3] =	stream.indirect.gather [hbm4b:s22+s14], $0x1, s26, s14, $0xb8;
	[tilespmem:$0x1EC30] =	vst v63  }
0x2d6: {  	_ =	swait.ge [sflag:s21], $0x7D00  }
0x2d7: {  	[sflag:s21] =	ssyncset.done $0x0  }
0x2d8: {  	s18 =	rddreg [dreg:$0xc];
	[sflag:s21] =	ssyncadd.s32 $0xFFFF8300  }
0x2d9: {  	[hbm4b:s18+s2] =	stream.linear.scatter [tilespmem:s19], [sflag:$0x6], $0x7D00, $0x38;
	[tilespmem:$0x1EC30] =	vst v63  }
0x2da: {  	_ =	swait.ge [sflag:s29], $0x7D0  }
0x2db: {  	[sflag:s29] =	ssyncset.done $0x0  }
0x2dc: {  	s30 =	simm.s32 $0xFD0;
	[sflag:s29] =	ssyncadd.s32 $0xFFFFF830  }
0x2dd: {  	s9 =	simm.s32 $0x15FB0;
	v8 =	vld [tilespmem:s30+$0x0]  }
0x2de: {  	v10 =	vld [tilespmem:s9+$0x10]  }
0x2df: {  	v11 =	vld [tilespmem:s30+$0xFFFFFFE0]  }
0x2e0: {  	s12 =	simm.s32 $0xFC0;
	s13 =	simm.s32 $0xFD0;
	v12 =	vld [tilespmem:s30+$0xFFFFFFF0]  }
0x2e1: {  	v15 =	vor.u32 s12, v1;
	v16 =	vor.u32 s13, v1;
	v13 =	vld [tilespmem:s30+$0xFFFFFFD0]  }
0x2e2: {  	v15 =	vand.u32 $0x3CF, v15;
	v16 =	vand.u32 $0x3DF, v16;
	s17 =	simm.s32 $0xFB0;
	s15 =	simm.s32 $0xFA0;
	v17 =	vld [tilespmem:s9+$0xFFFFFFE0]  }
0x2e3: {  	v16 =	vadd.s32 $0x2710, v16;
	v14 =	vor.u32 s17, v1;
	s17 =	simm.s32 $0x1010;
	v9 =	vor.u32 s15, v1;
	v18 =	vld [tilespmem:s9+$0xFFFFFFF0]  }
0x2e4: {  	s4 =	simm.s32 $0x1010;
	v14 =	vand.u32 $0x3FF, v14;
	v22 =	vor.u32 s17, v1;
	v19 =	vand.u32 $0x3EF, v9;
	v9 =	vld [tilespmem:s9+$0x0]  }
0x2e5: {  	s12 =	simm.s32 $0x15FF0;
	v20 =	vadd.s32 $0x2710, v14;
	v22 =	vand.u32 $0x3DF, v22;
	v14 =	vld [tilespmem:s4+$0x0];
	vm0 =	vlt.s32 v8, $0x0  }
0x2e6: {  	v22 =	vadd.s32 $0x2710, v22;
	v8 =	vadd.s32 $0x2710, v15;
	v10 =	vsel vm0, v16, v10;
	v16 =	vld [tilespmem:s12+$0x10]  }
0x2e7: {  	s13 =	simm.s32 $0xFE0;
	s18 =	simm.s32 $0xFF0;
	v21 =	vld [tilespmem:s4+$0xFFFFFFE0];
	v15 =	vadd.s32 $0x2710, v19;
	vm2 =	vlt.s32 v11, $0x0;
	vm1 =	vlt.s32 v13, $0x0  }
0x2e8: {  	s30 =	simm.s32 $0x1000;
	v19 =	vor.u32 s13, v1;
	v13 =	vor.u32 s18, v1;
	v11 =	vld [tilespmem:s4+$0xFFFFFFF0];
	vm0 =	vlt.s32 v12, $0x0  }
0x2e9: {  	v15 =	vsel vm1, v15, v17;
	v17 =	vor.u32 s30, v1;
	v12 =	vld [tilespmem:s4+$0xFFFFFFD0];
	v23 =	vand.u32 $0x3FF, v13  }
0x2ea: {  	vm1 =	vlt.s32 v14, $0x0;
	v13 =	vld [tilespmem:s12+$0xFFFFFFE0];
	v19 =	vand.u32 $0x3EF, v19;
	v18 =	vsel vm2, v20, v18;
	[tilespmem:s9+$0x10] =	vst v10  }
0x2eb: {  	v14 =	vld [tilespmem:s12+$0xFFFFFFF0];
	v17 =	vand.u32 $0x3CF, v17;
	[tilespmem:s9+$0xFFFFFFE0] =	vst v15;
	v10 =	vadd.s32 $0x2710, v23;
	v22 =	vsel vm1, v22, v16  }
0x2ec: {  	s5 =	simm.s32 $0x1050;
	s15 =	simm.s32 $0x15FF0;
	s4 =	simm.s32 $0x4;
	v15 =	vld [tilespmem:s12+$0x0];
	v17 =	vadd.s32 $0x2710, v17;
	v16 =	vadd.s32 $0x2710, v19;
	vm1 =	vlt.s32 v21, $0x0;
	[tilespmem:s12+$0x10] =	vst v22  }
.LBB2_36:
0x2ed: {  	v19 =	vld [tilespmem:s5+$0x0];
	s4 =	sadd.s32 $0x4, s4;
	s12 =	sadd.s32 $0x40, s12;
	[tilespmem:s9+$0xFFFFFFF0] =	vst v18;
	v9 =	vsel vm0, v8, v9;
	vm0 =	vlt.s32 v11, $0x0;
	v8 =	vmov v17  }
0x2ee: {  	s13 =	sadd.s32 $0x40, s13;
	v18 =	vld [tilespmem:s12+$0x10];
	p0 =	slt.u32 s4, $0x78;
	vm2 =	vlt.s32 v12, $0x0;
	[tilespmem:s9+$0x0] =	vst v9;
	s9 =	smov.u32 s15  }
0x2ef: {  	v17 =	vor.u32 s13, v1;
	s15 =	sadd.s32 $0x10, s13;
	s17 =	sadd.s32 $0x20, s13;
	s18 =	sadd.s32 $0x30, s13;
	v20 =	vld [tilespmem:s5+$0xFFFFFFE0];
	v24 =	vsel vm2, v16, v13  }
.Ltmp17:
0x2f0: {  	v13 =	vor.u32 s15, v1;
	v16 =	vor.u32 s17, v1;
	v21 =	vor.u32 s18, v1;
	s15 =	smov.u32 s12;
	v11 =	vld [tilespmem:s5+$0xFFFFFFF0];
	v22 =	vmovc v14;
	(pc) =	sbr.rel @p0 .LBB2_36-.Ltmp17, $4  }
0x2f1: {  	v23 =	vand.u32 $0x3FF, v13;
	v16 =	vand.u32 $0x3CF, v16;
	v14 =	vand.u32 $0x3DF, v21;
	v12 =	vld [tilespmem:s5+$0xFFFFFFD0];
	[tilespmem:s9+$0xFFFFFFE0] =	vst v24;
	v9 =	vmovc v15  }
0x2f2: {  	v15 =	vand.u32 $0x3EF, v17;
	v21 =	vadd.s32 $0x2710, v14;
	v13 =	vld [tilespmem:s12+$0xFFFFFFE0];
	vm2 =	vlt.s32 v19, $0x0  }
0x2f3: {  	v17 =	vadd.s32 $0x2710, v16;
	v19 =	vadd.s32 $0x2710, v23;
	v14 =	vld [tilespmem:s12+$0xFFFFFFF0];
	v18 =	vsel vm2, v21, v18  }
0x2f4: {  	s5 =	sadd.s32 $0x40, s5;
	v16 =	vadd.s32 $0x2710, v15;
	v15 =	vld [tilespmem:s12+$0x0];
	[tilespmem:s12+$0x10] =	vst v18;
	v18 =	vsel vm1, v10, v22;
	vm1 =	vlt.s32 v20, $0x0;
	v10 =	vmovc v19  }
0x2f5: {  	_ = 	snop  }
0x2f6: {  	[tilespmem:s9+$0xFFFFFFF0] =	vst v18;
	v8 =	vsel vm0, v8, v9;
	vm9 =	vlt.s32 v12, $0x0  }
0x2f7: {  	[tilespmem:s9+$0x0] =	vst v8;
	v8 =	vsel vm9, v16, v13  }
0x2f8: {  	vm10 =	vlt.s32 v11, $0x0;
	[tilespmem:s15+$0xFFFFFFE0] =	vst v8;
	v8 =	vsel vm1, v10, v14  }
0x2f9: {  	[tilespmem:s15+$0xFFFFFFF0] =	vst v8;
	v8 =	vsel vm10, v17, v15  }
0x2fa: {  	[tilespmem:s15+$0x0] =	vst v8  }
0x2fb: {  	v8 =	vld [tilespmem:$0x1760]  }
0x2fc: {  	v9 =	vld [tilespmem:$0x16750];
	_ =	sdelay $0x3  }
0x2fd: {  	vm11 =	vlt.s32 v8, $0x0;
	v8 =	vor.u32 $0x2A70, v1  }
0x2fe: {  	v8 =	vsel vm11, v8, v9  }
0x2ff: {  	[tilespmem:$0x16750] =	vst v8  }
0x300: {  	_ =	swait.ge [sflag:s23], $0x7D00  }
0x301: {  	[sflag:s23] =	ssyncset.done $0x0  }
0x302: {  	s4 =	simm.s32 $0x17A0;
	[sflag:s23] =	ssyncadd.s32 $0xFFFF8300  }
0x303: {  	[tilespmem:s19], [sflag:$0x5] =	stream.indirect.gather [hbm4b:s25+s14], $0x10, s28, s14, $0xb8;
	[tilespmem:$0x1EC30] =	vst v63  }
0x304: {  	v8 =	vld [tilespmem:s4+$0xFFFFFFD0]  }
0x305: {  	v10 =	vld [tilespmem:s4+$0x0]  }
0x306: {  	v11 =	vld [tilespmem:s4+$0xFFFFFFF0]  }
0x307: {  	v12 =	vld [tilespmem:s4+$0xFFFFFFE0]  }
0x308: {  	s18 =	sadd.s32 $0xFFFFFFD0, s31  }
0x309: {  	s5 =	simm.s32 $0x17E0;
	v13 =	vor.u32 s18, v1;
	vm12 =	vlt.s32 v8, $0x0  }
0x30a: {  	s30 =	sadd.s32 $0xFFFFFFF0, s31;
	v14 =	vor.u32 s31, v1;
	s4 =	simm.s32 $0x157E0;
	v9 =	vld [tilespmem:s5+$0xFFFFFFD0];
	vm13 =	vlt.s32 v10, $0x0;
	v13 =	vsel vm12, v13, v8  }
0x30b: {  	s12 =	sadd.s32 $0xFFFFFFE0, s31;
	vm14 =	vlt.s32 v11, $0x0;
	v8 =	vld [tilespmem:s5+$0x0];
	v14 =	vsel vm13, v14, v10;
	[tilespmem:s4+$0xFFFFFFE0] =	vst v13;
	v13 =	vor.u32 s30, v1  }
0x30c: {  	s9 =	sadd.s32 $0x40, s31;
	v15 =	vor.u32 s12, v1;
	vm15 =	vlt.s32 v12, $0x0;
	v10 =	vld [tilespmem:s5+$0xFFFFFFF0];
	[tilespmem:s4+$0x10] =	vst v14;
	v13 =	vsel vm14, v13, v11  }
0x30d: {  	s13 =	sadd.s32 $0x40, s9;
	s12 =	simm.s32 $0x4;
	s15 =	sadd.s32 $0xFFFFFFD0, s9;
	v12 =	vsel vm15, v15, v12;
	v11 =	vld [tilespmem:s5+$0xFFFFFFE0];
	[tilespmem:s4+$0x0] =	vst v13  }
.LBB2_38:
0x30e: {  	s12 =	sadd.s32 $0x4, s12  }
0x30f: {  	s17 =	sadd.s32 $0xFFFFFFD0, s13;
	[tilespmem:s4+$0xFFFFFFF0] =	vst v12;
	s4 =	sadd.s32 $0x40, s4;
	p0 =	slt.u32 s12, $0x78  }
.Ltmp18:
0x310: {  	v12 =	vor.u32 s15, v1;
	s5 =	sadd.s32 $0x40, s5;
	vm0 =	vlt.s32 v9, $0x0;
	(pc) =	sbr.rel @p0 .LBB2_38-.Ltmp18, $4  }
0x311: {  	s18 =	sadd.s32 $0xFFFFFFF0, s9;
	v13 =	vor.u32 s9, v1;
	s15 =	smov.u32 s17;
	v12 =	vsel vm0, v12, v9;
	v9 =	vld [tilespmem:s5+$0xFFFFFFD0];
	vm0 =	vlt.s32 v8, $0x0  }
0x312: {  	s17 =	sadd.s32 $0xFFFFFFE0, s9;
	s9 =	smov.u32 s13;
	[tilespmem:s4+$0xFFFFFFE0] =	vst v12;
	v12 =	vor.u32 s18, v1;
	vm1 =	vlt.s32 v10, $0x0;
	v13 =	vsel vm0, v13, v8;
	v8 =	vld [tilespmem:s5+$0x0]  }
0x313: {  	v14 =	vor.u32 s17, v1;
	vm0 =	vlt.s32 v11, $0x0;
	v15 =	vsel vm1, v12, v10;
	v10 =	vld [tilespmem:s5+$0xFFFFFFF0];
	[tilespmem:s4+$0x10] =	vst v13  }
0x314: {  	s13 =	sadd.s32 $0x40, s13;
	v12 =	vsel vm0, v14, v11;
	v11 =	vld [tilespmem:s5+$0xFFFFFFE0];
	[tilespmem:s4+$0x0] =	vst v15  }
0x315: {  	_ = 	snop  }
0x316: {  	v13 =	vor.u32 s15, v1;
	vm0 =	vlt.s32 v9, $0x0  }
0x317: {  	[tilespmem:s4+$0xFFFFFFF0] =	vst v12;
	s12 =	sadd.s32 $0x40, s4;
	s5 =	sadd.s32 $0xFFFFFFF0, s9;
	v12 =	vor.u32 s9, v1;
	v9 =	vsel vm0, v13, v9;
	vm0 =	vlt.s32 v8, $0x0  }
0x318: {  	s13 =	sadd.s32 $0xFFFFFFE0, s9;
	[tilespmem:s12+$0xFFFFFFE0] =	vst v9;
	v9 =	vor.u32 s5, v1;
	vm1 =	vlt.s32 v10, $0x0;
	v8 =	vsel vm0, v12, v8  }
0x319: {  	v12 =	vor.u32 s13, v1;
	vm0 =	vlt.s32 v11, $0x0;
	v9 =	vsel vm1, v9, v10;
	[tilespmem:s12+$0x10] =	vst v8  }
0x31a: {  	v8 =	vsel vm0, v12, v11;
	[tilespmem:s12+$0x0] =	vst v9  }
0x31b: {  	[tilespmem:s12+$0xFFFFFFF0] =	vst v8  }
0x31c: {  	v8 =	vld [tilespmem:$0x1F30];
	_ =	sdelay $0x4  }
0x31d: {  	vm0 =	vlt.s32 v8, $0x0  }
0x31e: {  	v8 =	vsel vm0, v5, v8  }
0x31f: {  	s15 =	simm.s32 $0x157C0;
	[tilespmem:$0x15F80] =	vst v8  }
0x320: {  	[tilespmem:s20], [sflag:$0x4] =	stream.indirect.gather [hbm4b:s22+s14], $0x1, s15, s14, $0xb8;
	[tilespmem:$0x1EC30] =	vst v63  }
0x321: {  	_ =	swait.ge [sflag:s21], $0x7D00  }
0x322: {  	[sflag:s21] =	ssyncset.done $0x0  }
0x323: {  	s18 =	simm.s32 $0x4;
	s17 =	rddreg [dreg:$0xd];
	[sflag:s21] =	ssyncadd.s32 $0xFFFF8300  }
0x324: {  	[hbm4b:s17+s2] =	stream.linear.scatter [tilespmem:s19], [sflag:$0x6], $0x7D00, $0x38;
	[tilespmem:$0x1EC30] =	vst v63  }
0x325: {  	_ =	swait.ge [sflag:s18], $0x7D0  }
0x326: {  	[sflag:s18] =	ssyncset.done $0x0  }
0x327: {  	s30 =	simm.s32 $0x17A0;
	[sflag:s18] =	ssyncadd.s32 $0xFFFFF830  }
0x328: {  	s9 =	simm.s32 $0x16780;
	v8 =	vld [tilespmem:s30+$0x0]  }
0x329: {  	v10 =	vld [tilespmem:s9+$0x10]  }
0x32a: {  	s13 =	simm.s32 $0x17A0;
	v11 =	vld [tilespmem:s30+$0xFFFFFFE0]  }
0x32b: {  	v16 =	vor.u32 s13, v1;
	v12 =	vld [tilespmem:s30+$0xFFFFFFF0]  }
0x32c: {  	v16 =	vand.u32 $0x3EF, v16;
	s12 =	simm.s32 $0x1790;
	v13 =	vld [tilespmem:s30+$0xFFFFFFD0]  }
0x32d: {  	v16 =	vadd.s32 $0x2710, v16;
	v15 =	vor.u32 s12, v1;
	s15 =	simm.s32 $0x1770;
	s17 =	simm.s32 $0x1780;
	v17 =	vld [tilespmem:s9+$0xFFFFFFE0]  }
0x32e: {  	v15 =	vand.u32 $0x3DF, v15;
	v9 =	vor.u32 s15, v1;
	v14 =	vor.u32 s17, v1;
	s17 =	simm.s32 $0x17E0;
	v18 =	vld [tilespmem:s9+$0xFFFFFFF0]  }
0x32f: {  	s4 =	simm.s32 $0x17E0;
	v19 =	vand.u32 $0x3FF, v9;
	v14 =	vand.u32 $0x3CF, v14;
	v22 =	vor.u32 s17, v1;
	v9 =	vld [tilespmem:s9+$0x0]  }
0x330: {  	s12 =	simm.s32 $0x167C0;
	v20 =	vadd.s32 $0x2710, v14;
	v22 =	vand.u32 $0x3EF, v22;
	v14 =	vld [tilespmem:s4+$0x0];
	vm0 =	vlt.s32 v8, $0x0  }
0x331: {  	v22 =	vadd.s32 $0x2710, v22;
	v8 =	vadd.s32 $0x2710, v15;
	v10 =	vsel vm0, v16, v10;
	v16 =	vld [tilespmem:s12+$0x10]  }
0x332: {  	s13 =	simm.s32 $0x17B0;
	s18 =	simm.s32 $0x17C0;
	v21 =	vld [tilespmem:s4+$0xFFFFFFE0];
	v15 =	vadd.s32 $0x2710, v19;
	vm2 =	vlt.s32 v11, $0x0;
	vm1 =	vlt.s32 v13, $0x0  }
0x333: {  	s30 =	simm.s32 $0x17D0;
	v19 =	vor.u32 s13, v1;
	v13 =	vor.u32 s18, v1;
	v11 =	vld [tilespmem:s4+$0xFFFFFFF0];
	vm0 =	vlt.s32 v12, $0x0  }
0x334: {  	v15 =	vsel vm1, v15, v17;
	v17 =	vor.u32 s30, v1;
	v12 =	vld [tilespmem:s4+$0xFFFFFFD0];
	v23 =	vand.u32 $0x3CF, v13  }
0x335: {  	vm1 =	vlt.s32 v14, $0x0;
	v13 =	vld [tilespmem:s12+$0xFFFFFFE0];
	v19 =	vand.u32 $0x3FF, v19;
	v18 =	vsel vm2, v20, v18;
	[tilespmem:s9+$0x10] =	vst v10  }
0x336: {  	v14 =	vld [tilespmem:s12+$0xFFFFFFF0];
	v17 =	vand.u32 $0x3DF, v17;
	[tilespmem:s9+$0xFFFFFFE0] =	vst v15;
	v10 =	vadd.s32 $0x2710, v23;
	v22 =	vsel vm1, v22, v16  }
0x337: {  	s5 =	simm.s32 $0x1820;
	s15 =	simm.s32 $0x167C0;
	s4 =	simm.s32 $0x4;
	v15 =	vld [tilespmem:s12+$0x0];
	v17 =	vadd.s32 $0x2710, v17;
	v16 =	vadd.s32 $0x2710, v19;
	vm1 =	vlt.s32 v21, $0x0;
	[tilespmem:s12+$0x10] =	vst v22  }
.LBB2_40:
0x338: {  	v19 =	vld [tilespmem:s5+$0x0];
	s4 =	sadd.s32 $0x4, s4;
	s12 =	sadd.s32 $0x40, s12;
	[tilespmem:s9+$0xFFFFFFF0] =	vst v18;
	v9 =	vsel vm0, v8, v9;
	vm0 =	vlt.s32 v11, $0x0;
	v8 =	vmov v17  }
0x339: {  	s13 =	sadd.s32 $0x40, s13;
	v18 =	vld [tilespmem:s12+$0x10];
	p0 =	slt.u32 s4, $0x78;
	vm2 =	vlt.s32 v12, $0x0;
	[tilespmem:s9+$0x0] =	vst v9;
	s9 =	smov.u32 s15  }
0x33a: {  	v17 =	vor.u32 s13, v1;
	s15 =	sadd.s32 $0x10, s13;
	s17 =	sadd.s32 $0x20, s13;
	s18 =	sadd.s32 $0x30, s13;
	v20 =	vld [tilespmem:s5+$0xFFFFFFE0];
	v24 =	vsel vm2, v16, v13  }
.Ltmp19:
0x33b: {  	v13 =	vor.u32 s15, v1;
	v16 =	vor.u32 s17, v1;
	v21 =	vor.u32 s18, v1;
	s15 =	smov.u32 s12;
	v11 =	vld [tilespmem:s5+$0xFFFFFFF0];
	v22 =	vmovc v14;
	(pc) =	sbr.rel @p0 .LBB2_40-.Ltmp19, $4  }
0x33c: {  	v23 =	vand.u32 $0x3CF, v13;
	v16 =	vand.u32 $0x3DF, v16;
	v14 =	vand.u32 $0x3EF, v21;
	v12 =	vld [tilespmem:s5+$0xFFFFFFD0];
	[tilespmem:s9+$0xFFFFFFE0] =	vst v24;
	v9 =	vmovc v15  }
0x33d: {  	v15 =	vand.u32 $0x3FF, v17;
	v21 =	vadd.s32 $0x2710, v14;
	v13 =	vld [tilespmem:s12+$0xFFFFFFE0];
	vm2 =	vlt.s32 v19, $0x0  }
0x33e: {  	v17 =	vadd.s32 $0x2710, v16;
	v19 =	vadd.s32 $0x2710, v23;
	v14 =	vld [tilespmem:s12+$0xFFFFFFF0];
	v18 =	vsel vm2, v21, v18  }
0x33f: {  	s5 =	sadd.s32 $0x40, s5;
	v16 =	vadd.s32 $0x2710, v15;
	v15 =	vld [tilespmem:s12+$0x0];
	[tilespmem:s12+$0x10] =	vst v18;
	v18 =	vsel vm1, v10, v22;
	vm1 =	vlt.s32 v20, $0x0;
	v10 =	vmovc v19  }
0x340: {  	_ = 	snop  }
0x341: {  	[tilespmem:s9+$0xFFFFFFF0] =	vst v18;
	v8 =	vsel vm0, v8, v9;
	vm9 =	vlt.s32 v12, $0x0  }
0x342: {  	[tilespmem:s9+$0x0] =	vst v8;
	v8 =	vsel vm9, v16, v13  }
0x343: {  	vm10 =	vlt.s32 v11, $0x0;
	[tilespmem:s15+$0xFFFFFFE0] =	vst v8;
	v8 =	vsel vm1, v10, v14  }
0x344: {  	[tilespmem:s15+$0xFFFFFFF0] =	vst v8;
	v8 =	vsel vm10, v17, v15  }
0x345: {  	[tilespmem:s15+$0x0] =	vst v8  }
0x346: {  	v8 =	vld [tilespmem:$0x1F30]  }
0x347: {  	v9 =	vld [tilespmem:$0x16F20];
	_ =	sdelay $0x3  }
0x348: {  	vm11 =	vlt.s32 v8, $0x0;
	v8 =	vor.u32 $0x2A40, v1  }
0x349: {  	v8 =	vsel vm11, v8, v9  }
0x34a: {  	[tilespmem:$0x16F20] =	vst v8  }
0x34b: {  	_ =	swait.ge [sflag:s23], $0x7D00  }
0x34c: {  	[sflag:s23] =	ssyncset.done $0x0  }
0x34d: {  	s4 =	simm.s32 $0x1F70;
	[sflag:s23] =	ssyncadd.s32 $0xFFFF8300  }
0x34e: {  	[tilespmem:s19], [sflag:$0x5] =	stream.indirect.gather [hbm4b:s25+s14], $0x10, s20, s14, $0xb8;
	[tilespmem:$0x1EC30] =	vst v63  }
0x34f: {  	v8 =	vld [tilespmem:s4+$0xFFFFFFD0]  }
0x350: {  	v10 =	vld [tilespmem:s4+$0x0]  }
0x351: {  	v11 =	vld [tilespmem:s4+$0xFFFFFFF0]  }
0x352: {  	v12 =	vld [tilespmem:s4+$0xFFFFFFE0]  }
0x353: {  	s20 =	sadd.s32 $0xFFFFFFD0, s0  }
0x354: {  	s5 =	simm.s32 $0x1FB0;
	v13 =	vor.u32 s20, v1;
	vm12 =	vlt.s32 v8, $0x0  }
0x355: {  	s30 =	sadd.s32 $0xFFFFFFF0, s0;
	v14 =	vor.u32 s0, v1;
	s4 =	simm.s32 $0x15010;
	v9 =	vld [tilespmem:s5+$0xFFFFFFD0];
	vm13 =	vlt.s32 v10, $0x0;
	v13 =	vsel vm12, v13, v8  }
0x356: {  	s12 =	sadd.s32 $0xFFFFFFE0, s0;
	vm14 =	vlt.s32 v11, $0x0;
	v8 =	vld [tilespmem:s5+$0x0];
	v14 =	vsel vm13, v14, v10;
	[tilespmem:s4+$0xFFFFFFE0] =	vst v13;
	v13 =	vor.u32 s30, v1  }
0x357: {  	s9 =	sadd.s32 $0x40, s0;
	v15 =	vor.u32 s12, v1;
	vm15 =	vlt.s32 v12, $0x0;
	v10 =	vld [tilespmem:s5+$0xFFFFFFF0];
	[tilespmem:s4+$0x10] =	vst v14;
	v13 =	vsel vm14, v13, v11  }
0x358: {  	s13 =	sadd.s32 $0x40, s9;
	s12 =	simm.s32 $0x4;
	s15 =	sadd.s32 $0xFFFFFFD0, s9;
	v12 =	vsel vm15, v15, v12;
	v11 =	vld [tilespmem:s5+$0xFFFFFFE0];
	[tilespmem:s4+$0x0] =	vst v13  }
.LBB2_42:
0x359: {  	s12 =	sadd.s32 $0x4, s12  }
0x35a: {  	s17 =	sadd.s32 $0xFFFFFFD0, s13;
	[tilespmem:s4+$0xFFFFFFF0] =	vst v12;
	s4 =	sadd.s32 $0x40, s4;
	p0 =	slt.u32 s12, $0x78  }
.Ltmp20:
0x35b: {  	v12 =	vor.u32 s15, v1;
	s5 =	sadd.s32 $0x40, s5;
	vm0 =	vlt.s32 v9, $0x0;
	(pc) =	sbr.rel @p0 .LBB2_42-.Ltmp20, $4  }
0x35c: {  	s18 =	sadd.s32 $0xFFFFFFF0, s9;
	v13 =	vor.u32 s9, v1;
	s15 =	smov.u32 s17;
	v12 =	vsel vm0, v12, v9;
	v9 =	vld [tilespmem:s5+$0xFFFFFFD0];
	vm0 =	vlt.s32 v8, $0x0  }
0x35d: {  	s17 =	sadd.s32 $0xFFFFFFE0, s9;
	s9 =	smov.u32 s13;
	[tilespmem:s4+$0xFFFFFFE0] =	vst v12;
	v12 =	vor.u32 s18, v1;
	vm1 =	vlt.s32 v10, $0x0;
	v13 =	vsel vm0, v13, v8;
	v8 =	vld [tilespmem:s5+$0x0]  }
0x35e: {  	v14 =	vor.u32 s17, v1;
	vm0 =	vlt.s32 v11, $0x0;
	v15 =	vsel vm1, v12, v10;
	v10 =	vld [tilespmem:s5+$0xFFFFFFF0];
	[tilespmem:s4+$0x10] =	vst v13  }
0x35f: {  	s13 =	sadd.s32 $0x40, s13;
	v12 =	vsel vm0, v14, v11;
	v11 =	vld [tilespmem:s5+$0xFFFFFFE0];
	[tilespmem:s4+$0x0] =	vst v15  }
0x360: {  	_ = 	snop  }
0x361: {  	v13 =	vor.u32 s15, v1;
	vm0 =	vlt.s32 v9, $0x0  }
0x362: {  	[tilespmem:s4+$0xFFFFFFF0] =	vst v12;
	s13 =	sadd.s32 $0x40, s4;
	s5 =	sadd.s32 $0xFFFFFFF0, s9;
	v12 =	vor.u32 s9, v1;
	v9 =	vsel vm0, v13, v9;
	vm0 =	vlt.s32 v8, $0x0  }
0x363: {  	s15 =	sadd.s32 $0xFFFFFFE0, s9;
	[tilespmem:s13+$0xFFFFFFE0] =	vst v9;
	v9 =	vor.u32 s5, v1;
	vm1 =	vlt.s32 v10, $0x0;
	v8 =	vsel vm0, v12, v8  }
0x364: {  	v12 =	vor.u32 s15, v1;
	vm0 =	vlt.s32 v11, $0x0;
	v9 =	vsel vm1, v9, v10;
	[tilespmem:s13+$0x10] =	vst v8  }
0x365: {  	v8 =	vsel vm0, v12, v11;
	[tilespmem:s13+$0x0] =	vst v9  }
0x366: {  	[tilespmem:s13+$0xFFFFFFF0] =	vst v8  }
0x367: {  	v8 =	vld [tilespmem:$0x2700];
	_ =	sdelay $0x4  }
0x368: {  	vm0 =	vlt.s32 v8, $0x0  }
0x369: {  	v8 =	vsel vm0, v6, v8  }
0x36a: {  	[tilespmem:$0x157B0] =	vst v8  }
0x36b: {  	[tilespmem:s28], [sflag:$0x3] =	stream.indirect.gather [hbm4b:s22+s14], $0x1, s26, s14, $0xb8;
	[tilespmem:$0x1EC30] =	vst v63  }
0x36c: {  	_ =	swait.ge [sflag:s21], $0x7D00  }
0x36d: {  	[sflag:s21] =	ssyncset.done $0x0  }
0x36e: {  	s17 =	rddreg [dreg:$0xe];
	[sflag:s21] =	ssyncadd.s32 $0xFFFF8300  }
0x36f: {  	[hbm4b:s17+s2] =	stream.linear.scatter [tilespmem:s19], [sflag:$0x6], $0x7D00, $0x38;
	[tilespmem:$0x1EC30] =	vst v63  }
0x370: {  	_ =	swait.ge [sflag:s29], $0x7D0  }
0x371: {  	[sflag:s29] =	ssyncset.done $0x0  }
0x372: {  	s18 =	simm.s32 $0x1F70;
	[sflag:s29] =	ssyncadd.s32 $0xFFFFF830  }
0x373: {  	s9 =	simm.s32 $0x15FB0;
	v8 =	vld [tilespmem:s18+$0x0]  }
0x374: {  	v10 =	vld [tilespmem:s9+$0x10]  }
0x375: {  	v11 =	vld [tilespmem:s18+$0xFFFFFFE0]  }
0x376: {  	s12 =	simm.s32 $0x1F60;
	v12 =	vld [tilespmem:s18+$0xFFFFFFF0]  }
0x377: {  	s20 =	simm.s32 $0x1F40;
	v15 =	vor.u32 s12, v1;
	s13 =	simm.s32 $0x1F70;
	v13 =	vld [tilespmem:s18+$0xFFFFFFD0]  }
0x378: {  	v15 =	vand.u32 $0x3EF, v15;
	v9 =	vor.u32 s20, v1;
	v16 =	vor.u32 s13, v1;
	s22 =	simm.s32 $0x1F50;
	v17 =	vld [tilespmem:s9+$0xFFFFFFE0]  }
0x379: {  	v19 =	vand.u32 $0x3CF, v9;
	v16 =	vand.u32 $0x3FF, v16;
	v14 =	vor.u32 s22, v1;
	s17 =	simm.s32 $0x1FB0;
	v18 =	vld [tilespmem:s9+$0xFFFFFFF0]  }
0x37a: {  	v16 =	vadd.s32 $0x2710, v16;
	s26 =	simm.s32 $0x1FB0;
	v14 =	vand.u32 $0x3DF, v14;
	v22 =	vor.u32 s17, v1;
	v9 =	vld [tilespmem:s9+$0x0]  }
0x37b: {  	s12 =	simm.s32 $0x15FF0;
	v20 =	vadd.s32 $0x2710, v14;
	v22 =	vand.u32 $0x3FF, v22;
	v14 =	vld [tilespmem:s26+$0x0];
	vm0 =	vlt.s32 v8, $0x0  }
0x37c: {  	v22 =	vadd.s32 $0x2710, v22;
	v8 =	vadd.s32 $0x2710, v15;
	v10 =	vsel vm0, v16, v10;
	v16 =	vld [tilespmem:s12+$0x10]  }
0x37d: {  	s13 =	simm.s32 $0x1F80;
	s29 =	simm.s32 $0x1F90;
	v21 =	vld [tilespmem:s26+$0xFFFFFFE0];
	v15 =	vadd.s32 $0x2710, v19;
	vm2 =	vlt.s32 v11, $0x0;
	vm1 =	vlt.s32 v13, $0x0  }
0x37e: {  	s30 =	simm.s32 $0x1FA0;
	v19 =	vor.u32 s13, v1;
	v13 =	vor.u32 s29, v1;
	v11 =	vld [tilespmem:s26+$0xFFFFFFF0];
	vm0 =	vlt.s32 v12, $0x0  }
0x37f: {  	v15 =	vsel vm1, v15, v17;
	v17 =	vor.u32 s30, v1;
	v12 =	vld [tilespmem:s26+$0xFFFFFFD0];
	v23 =	vand.u32 $0x3DF, v13  }
0x380: {  	vm1 =	vlt.s32 v14, $0x0;
	v13 =	vld [tilespmem:s12+$0xFFFFFFE0];
	v19 =	vand.u32 $0x3CF, v19;
	v18 =	vsel vm2, v20, v18;
	[tilespmem:s9+$0x10] =	vst v10  }
0x381: {  	v14 =	vld [tilespmem:s12+$0xFFFFFFF0];
	v17 =	vand.u32 $0x3EF, v17;
	[tilespmem:s9+$0xFFFFFFE0] =	vst v15;
	v10 =	vadd.s32 $0x2710, v23;
	v22 =	vsel vm1, v22, v16  }
0x382: {  	s4 =	simm.s32 $0x4;
	s5 =	simm.s32 $0x1FF0;
	s15 =	simm.s32 $0x15FF0;
	v15 =	vld [tilespmem:s12+$0x0];
	v17 =	vadd.s32 $0x2710, v17;
	v16 =	vadd.s32 $0x2710, v19;
	vm1 =	vlt.s32 v21, $0x0;
	[tilespmem:s12+$0x10] =	vst v22  }
.LBB2_44:
0x383: {  	v19 =	vld [tilespmem:s5+$0x0];
	s4 =	sadd.s32 $0x4, s4;
	s12 =	sadd.s32 $0x40, s12;
	[tilespmem:s9+$0xFFFFFFF0] =	vst v18;
	v9 =	vsel vm0, v8, v9;
	vm0 =	vlt.s32 v11, $0x0;
	v8 =	vmov v17  }
0x384: {  	s13 =	sadd.s32 $0x40, s13;
	v18 =	vld [tilespmem:s12+$0x10];
	p0 =	slt.u32 s4, $0x78;
	vm2 =	vlt.s32 v12, $0x0;
	[tilespmem:s9+$0x0] =	vst v9;
	s9 =	smov.u32 s15  }
0x385: {  	v17 =	vor.u32 s13, v1;
	s15 =	sadd.s32 $0x10, s13;
	s17 =	sadd.s32 $0x20, s13;
	s18 =	sadd.s32 $0x30, s13;
	v20 =	vld [tilespmem:s5+$0xFFFFFFE0];
	v24 =	vsel vm2, v16, v13  }
.Ltmp21:
0x386: {  	v13 =	vor.u32 s15, v1;
	v16 =	vor.u32 s17, v1;
	v21 =	vor.u32 s18, v1;
	s15 =	smov.u32 s12;
	v11 =	vld [tilespmem:s5+$0xFFFFFFF0];
	v22 =	vmovc v14;
	(pc) =	sbr.rel @p0 .LBB2_44-.Ltmp21, $4  }
0x387: {  	v23 =	vand.u32 $0x3DF, v13;
	v16 =	vand.u32 $0x3EF, v16;
	v14 =	vand.u32 $0x3FF, v21;
	v12 =	vld [tilespmem:s5+$0xFFFFFFD0];
	[tilespmem:s9+$0xFFFFFFE0] =	vst v24;
	v9 =	vmovc v15  }
0x388: {  	v15 =	vand.u32 $0x3CF, v17;
	v21 =	vadd.s32 $0x2710, v14;
	v13 =	vld [tilespmem:s12+$0xFFFFFFE0];
	vm2 =	vlt.s32 v19, $0x0  }
0x389: {  	v17 =	vadd.s32 $0x2710, v16;
	v19 =	vadd.s32 $0x2710, v23;
	v14 =	vld [tilespmem:s12+$0xFFFFFFF0];
	v18 =	vsel vm2, v21, v18  }
0x38a: {  	s5 =	sadd.s32 $0x40, s5;
	v16 =	vadd.s32 $0x2710, v15;
	v15 =	vld [tilespmem:s12+$0x0];
	[tilespmem:s12+$0x10] =	vst v18;
	v18 =	vsel vm1, v10, v22;
	vm1 =	vlt.s32 v20, $0x0;
	v10 =	vmovc v19  }
0x38b: {  	_ = 	snop  }
0x38c: {  	[tilespmem:s9+$0xFFFFFFF0] =	vst v18;
	v8 =	vsel vm0, v8, v9;
	vm13 =	vlt.s32 v12, $0x0  }
0x38d: {  	[tilespmem:s9+$0x0] =	vst v8;
	v8 =	vsel vm13, v16, v13  }
0x38e: {  	vm14 =	vlt.s32 v11, $0x0;
	[tilespmem:s15+$0xFFFFFFE0] =	vst v8;
	v8 =	vsel vm1, v10, v14  }
0x38f: {  	[tilespmem:s15+$0xFFFFFFF0] =	vst v8;
	v8 =	vsel vm14, v17, v15  }
0x390: {  	[tilespmem:s15+$0x0] =	vst v8  }
0x391: {  	v8 =	vld [tilespmem:$0x2700]  }
0x392: {  	v63 =	vld [tilespmem:$0x16750];
	_ =	sdelay $0x3  }
0x393: {  	vm15 =	vlt.s32 v8, $0x0;
	v8 =	vor.u32 $0x2A10, v1  }
0x394: {  	v8 =	vsel vm15, v8, v63  }
0x395: {  	[tilespmem:$0x16750] =	vst v8  }
0x396: {  	_ =	swait.ge [sflag:s23], $0x7D00  }
0x397: {  	[sflag:s23] =	ssyncset.done $0x0  }
0x398: {  	[sflag:s23] =	ssyncadd.s32 $0xFFFF8300  }
0x399: {  	[tilespmem:s19], [sflag:$0x5] =	stream.indirect.gather [hbm4b:s25+s14], $0x10, s28, s14, $0xb8;
	[tilespmem:$0x1EC30] =	vst v63  }
0x39a: {  	_ =	swait.ge [sflag:s21], $0x7D00  }
0x39b: {  	[sflag:s21] =	ssyncset.done $0x0  }
0x39c: {  	s4 =	rddreg [dreg:$0xf];
	[sflag:s21] =	ssyncadd.s32 $0xFFFF8300  }
0x39d: {  	[hbm4b:s4+s2] =	stream.linear.scatter [tilespmem:s19], [sflag:$0x6], $0x7D00, $0x38;
	[tilespmem:$0x1EC30] =	vst v63  }
0x39e: {  	_ =	swait.ge [sflag:s23], $0x7D00  }
0x39f: {  	s24 =	sadd.s32 $0x1, s24;
	s30 =	rddreg [dreg:$0x10]  }
0x3a0: {  	p0 =	sne.s32 s24, s30  }
.Ltmp22:
0x3a1: {  	_ = 	snop;
	(pc) =	sbr.rel @p0 .LBB2_1-.Ltmp22, $3  }
0x3a2: {  	_ =	sdelay $0x1  }
0x3a3: {  	[sflag:s23] =	ssyncset.done $0x0  }
0x3a4: {  	[sflag:s23] =	ssyncadd.s32 $0xFFFF8300  }
0x3a5: {  	_ =	sfence.sel $0x180000  }
0x3a6: {  	[bflag:$0x0] =	sbarrier.arrive $0xFFFF  }
0x3a7: {  	_ =	strace $0x90000047  }
0x3a8: {  	s0 =	stileid.u32;
	[bflag:$0x2] =	sbarrier.arrive $0xFFFF  }
0x3a9: {  	p0 =	sne.s32 s0, $0x0;
	s0 =	rddreg [dreg:$0x2]  }
0x3aa: {  	s0 =	sadd.s32 @!p0 $0x100000, s0  }
0x3ab: {  	[sflag:s0] =	ssyncadd.tile.s32 @!p0 $0x1;
	_ =	shalt  }
.Lfunc_end2:
_tile_overlayer_lowered:
.L_overlay_start_2:
0x3ac: {  	(tag) =	ssettag $0x2  }
0x3ad: {  	s0 =	rddreg [dreg:$0x0];
	s2 =	stileid.u32  }
0x3ae: {  	s1 =	rddreg [dreg:$0x1];
	p0 =	sne.s32 s2, $0x0  }
0x3af: {  	s3 =	rddreg [dreg:$0x2];
	[bflag:$0x3] =	sbarrier.arrive $0xFFFF;
	s2 =	simm.s32 @!p0 $0x1C07  }
0x3b0: {  	[timem:s3], [sflag:s2] =	dma.local @!p0 [hbm:s0], s1  }
0x3b1: {  	s0 =	simm.s32 @!p0 $0x7  }
0x3b2: {  	_ =	swait.ge @!p0 [sflag:s0], s1  }
0x3b3: {  	s1 =	ssub.s32 @!p0 $0x0, s1;
	[sflag:s0] =	ssyncset.done @!p0 $0x0  }
0x3b4: {  	[sflag:s0] =	ssyncadd.s32 @!p0 s1  }
0x3b5: {  	[bflag:$0x3] =	sbarrier.arrive $0xFFFF  }
0x3b6: {  	_ =	shalt  }

</sc_bundles>
